<compile_context>
chip_gen: v7x
topology: tpu7x:2x2x1
jax: 0.10.2.dev20260603
libtpu: 0.0.44.dev20260713+nightly
codegen_flags: <defaults>
</compile_context>

<pallas_src>
import functools

import jax
import jax.numpy as jnp
from jax import lax
from jax.experimental import pallas as pl
from jax.experimental.pallas import tpu as pltpu
from jax.experimental.pallas import tpu_sc as plsc

_D = 64


@functools.lru_cache(maxsize=None)
def _build(batch: int):
    info = plsc.get_sparse_core_info()
    nw = info.num_cores * info.num_subcores
    bpw = batch // nw
    mesh = plsc.VectorSubcoreMesh(core_axis_name="c", subcore_axis_name="s")

    @functools.partial(
        pl.kernel,
        mesh=mesh,
        out_type=(
            jax.ShapeDtypeStruct((_D, batch), jnp.float32),
            jax.ShapeDtypeStruct((_D, batch), jnp.float32),
        ),
        scratch_types=[
            pltpu.VMEM((bpw,), jnp.int32),
            pltpu.VMEM((bpw,), jnp.int32),
            pltpu.VMEM((_D, bpw), jnp.float32),
            pltpu.VMEM((_D, bpw), jnp.float32),
            pltpu.SemaphoreType.DMA,
        ],
        compiler_params=pltpu.CompilerParams(use_tc_tiling_on_sc=False),
    )
    def od_gather(ori_hbm, dest_hbm, tbl_t_hbm, out_o_hbm, out_d_hbm,
                  idx_o, idx_d, cols_o, cols_d, sem):
        wid = lax.axis_index("s") * info.num_cores + lax.axis_index("c")
        base = wid * bpw
        pltpu.sync_copy(ori_hbm.at[pl.ds(base, bpw)], idx_o)
        pltpu.sync_copy(dest_hbm.at[pl.ds(base, bpw)], idx_d)

        for d in range(_D):
            pltpu.async_copy(
                tbl_t_hbm.at[d].at[idx_o], cols_o.at[d], sem)
            pltpu.async_copy(
                tbl_t_hbm.at[d].at[idx_d], cols_d.at[d], sem)

        pltpu.make_async_copy(
            out_o_hbm.at[:, pl.ds(0, bpw)], cols_o, sem).wait()
        pltpu.make_async_copy(
            out_o_hbm.at[:, pl.ds(0, bpw)], cols_d, sem).wait()

        pltpu.sync_copy(cols_o, out_o_hbm.at[:, pl.ds(base, bpw)])
        pltpu.sync_copy(cols_d, out_d_hbm.at[:, pl.ds(base, bpw)])

    return od_gather


def kernel(ori, dest, table):
    batch, = ori.shape
    out_o_t, out_d_t = _build(batch)(ori, dest, table.T)
    return (out_o_t.T, out_d_t.T)

# --- scband reference (transcript-rebuilt; emitter-appended) ---
"""Pipeline reference for scband-odencoder-7301444403738 (READ-ONLY COPY).

The authoritative reference and input builder live on the scoring server;
editing this copy changes nothing except your own understanding.
"""

import jax, jax.numpy as jnp
import numpy as np

NODE_NUM = 1000000
D_NODE = 64
BATCH = 16384

def setup_inputs(seed: int = 0) -> dict:
    key = jax.random.key(seed)
    k1, k2, k3 = jax.random.split(key, 3)
    ori = jax.random.randint(k1, (BATCH,), 0, NODE_NUM, dtype=jnp.int64 if jax.config.jax_enable_x64 else jnp.int32).astype(jnp.int32)
    dest = jax.random.randint(k2, (BATCH,), 0, NODE_NUM, dtype=jnp.int32)
    table = jax.random.normal(k3, (NODE_NUM, D_NODE), dtype=jnp.float32) * 0.02
    return {"ori": ori, "dest": dest, "table": table}

def reference(ori, dest, table):
    # Faithful to ODEncoder.forward: two embedding lookups on the shared node table
    emb_o = jnp.take(table, ori, axis=0)
    emb_d = jnp.take(table, dest, axis=0)
    return (emb_o, emb_d)

if __name__ == "__main__":
    import jax
    _d = setup_inputs()
    print(jax.jit(kernel)(*tuple(_d.values())))

</pallas_src>

<mosaic_0001>
#map = affine_map<(d0, d1) -> (0)>
#map1 = affine_map<(d0, d1) -> (0, 0)>
module attributes {stable_mosaic.version = 14 : i64} {
  func.func @od_gather(%arg0: i32, %arg1: i32, %arg2: memref<16384xi32, #tpu.memory_space<hbm>>, %arg3: memref<16384xi32, #tpu.memory_space<hbm>>, %arg4: memref<64x1000000xf32, #tpu.memory_space<hbm>>, %arg5: memref<64x16384xf32, #tpu.memory_space<hbm>>, %arg6: memref<64x16384xf32, #tpu.memory_space<hbm>>, %arg7: memref<512xi32, #tpu.memory_space<vmem>>, %arg8: memref<512xi32, #tpu.memory_space<vmem>>, %arg9: memref<64x512xf32, #tpu.memory_space<vmem>>, %arg10: memref<64x512xf32, #tpu.memory_space<vmem>>, %arg11: memref<!tpu.dma_semaphore, #tpu.memory_space<semaphore_mem>>) attributes {dimension_semantics = [#tpu.dimension_semantics<core_parallel>, #tpu.dimension_semantics<subcore_parallel>], iteration_bounds = array<i64: 2, 16>, scalar_prefetch = 0 : i64, scratch_operands = 5 : i64, tpu.core_type = #tpu.core_type<sc_vector_subcore>, window_params = [{transform_indices = #map}, {transform_indices = #map}, {transform_indices = #map1}, {transform_indices = #map1}, {transform_indices = #map1}]} {
    %mul3A = arith.constant 2 : i32
    %mul3A_0 = arith.muli %arg1, %mul3A : i32
    %add3A = arith.addi %mul3A_0, %arg0 : i32
    %mul3A_1 = arith.constant 512 : i32
    %mul3A_2 = arith.muli %add3A, %mul3A_1 : i32
    "tpu.region"() ({
      %run_scoped3A = tpu.sem_alloc : memref<!tpu.dma_semaphore, #tpu.memory_space<semaphore_mem>>
      %dma_start3A_1293 = tpu.memref_slice %arg2[%mul3A_2] : memref<16384xi32, #tpu.memory_space<hbm>> -> memref<512xi32, #tpu.memory_space<hbm>>
      %dma_start3A_1294 = tpu.memref_slice %arg2[%mul3A_2] : memref<16384xi32, #tpu.memory_space<hbm>> -> memref<512xi32, #tpu.memory_space<hbm>>
      tpu.enqueue_dma source(%dma_start3A_1294 : memref<512xi32, #tpu.memory_space<hbm>>) target(%arg7 : memref<512xi32, #tpu.memory_space<vmem>>) target_semaphore(%run_scoped3A : memref<!tpu.dma_semaphore, #tpu.memory_space<semaphore_mem>>)
      %dma_wait3A_1295 = tpu.memref_slice %arg2[%mul3A_2] : memref<16384xi32, #tpu.memory_space<hbm>> -> memref<512xi32, #tpu.memory_space<hbm>>
      %dma_wait3A_1296 = tpu.memref_slice %arg2[%mul3A_2] : memref<16384xi32, #tpu.memory_space<hbm>> -> memref<512xi32, #tpu.memory_space<hbm>>
      tpu.wait_dma2 semaphore(%run_scoped3A : memref<!tpu.dma_semaphore, #tpu.memory_space<semaphore_mem>>) src(%dma_wait3A_1296 : memref<512xi32, #tpu.memory_space<hbm>>) dst(%arg7 : memref<512xi32, #tpu.memory_space<vmem>>)
      tpu.yield
    }) : () -> ()
    "tpu.region"() ({
      %run_scoped3A = tpu.sem_alloc : memref<!tpu.dma_semaphore, #tpu.memory_space<semaphore_mem>>
      %dma_start3A_1293 = tpu.memref_slice %arg3[%mul3A_2] : memref<16384xi32, #tpu.memory_space<hbm>> -> memref<512xi32, #tpu.memory_space<hbm>>
      %dma_start3A_1294 = tpu.memref_slice %arg3[%mul3A_2] : memref<16384xi32, #tpu.memory_space<hbm>> -> memref<512xi32, #tpu.memory_space<hbm>>
      tpu.enqueue_dma source(%dma_start3A_1294 : memref<512xi32, #tpu.memory_space<hbm>>) target(%arg8 : memref<512xi32, #tpu.memory_space<vmem>>) target_semaphore(%run_scoped3A : memref<!tpu.dma_semaphore, #tpu.memory_space<semaphore_mem>>)
      %dma_wait3A_1295 = tpu.memref_slice %arg3[%mul3A_2] : memref<16384xi32, #tpu.memory_space<hbm>> -> memref<512xi32, #tpu.memory_space<hbm>>
      %dma_wait3A_1296 = tpu.memref_slice %arg3[%mul3A_2] : memref<16384xi32, #tpu.memory_space<hbm>> -> memref<512xi32, #tpu.memory_space<hbm>>
      tpu.wait_dma2 semaphore(%run_scoped3A : memref<!tpu.dma_semaphore, #tpu.memory_space<semaphore_mem>>) src(%dma_wait3A_1296 : memref<512xi32, #tpu.memory_space<hbm>>) dst(%arg8 : memref<512xi32, #tpu.memory_space<vmem>>)
      tpu.yield
    }) : () -> ()
    %dma_start3A = arith.constant 0 : i32
    %dma_start3A_3 = arith.constant 0 : i32
    %dma_start3A_4 = arith.constant 0 : i32
    %dma_start3A_5 = tpu.memref_slice %arg9[%dma_start3A_3, %dma_start3A_4] : memref<64x512xf32, #tpu.memory_space<vmem>> -> memref<1x512xf32, #tpu.memory_space<vmem>>
    %dma_start3A_6 = tpu.memref_squeeze %dma_start3A_5 : memref<1x512xf32, #tpu.memory_space<vmem>> -> memref<512xf32, #tpu.memory_space<vmem>>
    %dma_start3A_7 = arith.constant 0 : i32
    %dma_start3A_8 = tpu.memref_slice %arg4[%dma_start3A, %dma_start3A_7] : memref<64x1000000xf32, #tpu.memory_space<hbm>> -> memref<1x1000000xf32, #tpu.memory_space<hbm>>
    %dma_start3A_9 = tpu.memref_squeeze %dma_start3A_8 : memref<1x1000000xf32, #tpu.memory_space<hbm>> -> memref<1000000xf32, #tpu.memory_space<hbm>>
    %dma_start3A_10 = arith.constant 0 : i32
    %dma_start3A_11 = tpu.memref_slice %dma_start3A_9[%dma_start3A_10] : memref<1000000xf32, #tpu.memory_space<hbm>> -> memref<1000000xf32, #tpu.memory_space<hbm>>
    tpu.enqueue_indirect_dma source(%dma_start3A_11 : memref<1000000xf32, #tpu.memory_space<hbm>>) target(%dma_start3A_6 : memref<512xf32, #tpu.memory_space<vmem>>) offsets(%arg7 : memref<512xi32, #tpu.memory_space<vmem>>) semaphore(%arg11 : memref<!tpu.dma_semaphore, #tpu.memory_space<semaphore_mem>>)
    %dma_start3A_12 = arith.constant 0 : i32
    %dma_start3A_13 = arith.constant 0 : i32
    %dma_start3A_14 = arith.constant 0 : i32
    %dma_start3A_15 = tpu.memref_slice %arg10[%dma_start3A_13, %dma_start3A_14] : memref<64x512xf32, #tpu.memory_space<vmem>> -> memref<1x512xf32, #tpu.memory_space<vmem>>
    %dma_start3A_16 = tpu.memref_squeeze %dma_start3A_15 : memref<1x512xf32, #tpu.memory_space<vmem>> -> memref<512xf32, #tpu.memory_space<vmem>>
    %dma_start3A_17 = arith.constant 0 : i32
    %dma_start3A_18 = tpu.memref_slice %arg4[%dma_start3A_12, %dma_start3A_17] : memref<64x1000000xf32, #tpu.memory_space<hbm>> -> memref<1x1000000xf32, #tpu.memory_space<hbm>>
    %dma_start3A_19 = tpu.memref_squeeze %dma_start3A_18 : memref<1x1000000xf32, #tpu.memory_space<hbm>> -> memref<1000000xf32, #tpu.memory_space<hbm>>
    %dma_start3A_20 = arith.constant 0 : i32
    %dma_start3A_21 = tpu.memref_slice %dma_start3A_19[%dma_start3A_20] : memref<1000000xf32, #tpu.memory_space<hbm>> -> memref<1000000xf32, #tpu.memory_space<hbm>>
    tpu.enqueue_indirect_dma source(%dma_start3A_21 : memref<1000000xf32, #tpu.memory_space<hbm>>) target(%dma_start3A_16 : memref<512xf32, #tpu.memory_space<vmem>>) offsets(%arg8 : memref<512xi32, #tpu.memory_space<vmem>>) semaphore(%arg11 : memref<!tpu.dma_semaphore, #tpu.memory_space<semaphore_mem>>)
    %dma_start3A_22 = arith.constant 1 : i32
    %dma_start3A_23 = arith.constant 1 : i32
    %dma_start3A_24 = arith.constant 0 : i32
    %dma_start3A_25 = tpu.memref_slice %arg9[%dma_start3A_23, %dma_start3A_24] : memref<64x512xf32, #tpu.memory_space<vmem>> -> memref<1x512xf32, #tpu.memory_space<vmem>>
    %dma_start3A_26 = tpu.memref_squeeze %dma_start3A_25 : memref<1x512xf32, #tpu.memory_space<vmem>> -> memref<512xf32, #tpu.memory_space<vmem>>
    %dma_start3A_27 = arith.constant 0 : i32
    %dma_start3A_28 = tpu.memref_slice %arg4[%dma_start3A_22, %dma_start3A_27] : memref<64x1000000xf32, #tpu.memory_space<hbm>> -> memref<1x1000000xf32, #tpu.memory_space<hbm>>
    %dma_start3A_29 = tpu.memref_squeeze %dma_start3A_28 : memref<1x1000000xf32, #tpu.memory_space<hbm>> -> memref<1000000xf32, #tpu.memory_space<hbm>>
    %dma_start3A_30 = arith.constant 0 : i32
    %dma_start3A_31 = tpu.memref_slice %dma_start3A_29[%dma_start3A_30] : memref<1000000xf32, #tpu.memory_space<hbm>> -> memref<1000000xf32, #tpu.memory_space<hbm>>
    tpu.enqueue_indirect_dma source(%dma_start3A_31 : memref<1000000xf32, #tpu.memory_space<hbm>>) target(%dma_start3A_26 : memref<512xf32, #tpu.memory_space<vmem>>) offsets(%arg7 : memref<512xi32, #tpu.memory_space<vmem>>) semaphore(%arg11 : memref<!tpu.dma_semaphore, #tpu.memory_space<semaphore_mem>>)
    %dma_start3A_32 = arith.constant 1 : i32
    %dma_start3A_33 = arith.constant 1 : i32
    %dma_start3A_34 = arith.constant 0 : i32
    %dma_start3A_35 = tpu.memref_slice %arg10[%dma_start3A_33, %dma_start3A_34] : memref<64x512xf32, #tpu.memory_space<vmem>> -> memref<1x512xf32, #tpu.memory_space<vmem>>
    %dma_start3A_36 = tpu.memref_squeeze %dma_start3A_35 : memref<1x512xf32, #tpu.memory_space<vmem>> -> memref<512xf32, #tpu.memory_space<vmem>>
    %dma_start3A_37 = arith.constant 0 : i32
    %dma_start3A_38 = tpu.memref_slice %arg4[%dma_start3A_32, %dma_start3A_37] : memref<64x1000000xf32, #tpu.memory_space<hbm>> -> memref<1x1000000xf32, #tpu.memory_space<hbm>>
    %dma_start3A_39 = tpu.memref_squeeze %dma_start3A_38 : memref<1x1000000xf32, #tpu.memory_space<hbm>> -> memref<1000000xf32, #tpu.memory_space<hbm>>
    %dma_start3A_40 = arith.constant 0 : i32
    %dma_start3A_41 = tpu.memref_slice %dma_start3A_39[%dma_start3A_40] : memref<1000000xf32, #tpu.memory_space<hbm>> -> memref<1000000xf32, #tpu.memory_space<hbm>>
    tpu.enqueue_indirect_dma source(%dma_start3A_41 : memref<1000000xf32, #tpu.memory_space<hbm>>) target(%dma_start3A_36 : memref<512xf32, #tpu.memory_space<vmem>>) offsets(%arg8 : memref<512xi32, #tpu.memory_space<vmem>>) semaphore(%arg11 : memref<!tpu.dma_semaphore, #tpu.memory_space<semaphore_mem>>)
    %dma_start3A_42 = arith.constant 2 : i32
    %dma_start3A_43 = arith.constant 2 : i32
    %dma_start3A_44 = arith.constant 0 : i32
    %dma_start3A_45 = tpu.memref_slice %arg9[%dma_start3A_43, %dma_start3A_44] : memref<64x512xf32, #tpu.memory_space<vmem>> -> memref<1x512xf32, #tpu.memory_space<vmem>>
    %dma_start3A_46 = tpu.memref_squeeze %dma_start3A_45 : memref<1x512xf32, #tpu.memory_space<vmem>> -> memref<512xf32, #tpu.memory_space<vmem>>
    %dma_start3A_47 = arith.constant 0 : i32
    %dma_start3A_48 = tpu.memref_slice %arg4[%dma_start3A_42, %dma_start3A_47] : memref<64x1000000xf32, #tpu.memory_space<hbm>> -> memref<1x1000000xf32, #tpu.memory_space<hbm>>
    %dma_start3A_49 = tpu.memref_squeeze %dma_start3A_48 : memref<1x1000000xf32, #tpu.memory_space<hbm>> -> memref<1000000xf32, #tpu.memory_space<hbm>>
    %dma_start3A_50 = arith.constant 0 : i32
    %dma_start3A_51 = tpu.memref_slice %dma_start3A_49[%dma_start3A_50] : memref<1000000xf32, #tpu.memory_space<hbm>> -> memref<1000000xf32, #tpu.memory_space<hbm>>
    tpu.enqueue_indirect_dma source(%dma_start3A_51 : memref<1000000xf32, #tpu.memory_space<hbm>>) target(%dma_start3A_46 : memref<512xf32, #tpu.memory_space<vmem>>) offsets(%arg7 : memref<512xi32, #tpu.memory_space<vmem>>) semaphore(%arg11 : memref<!tpu.dma_semaphore, #tpu.memory_space<semaphore_mem>>)
    %dma_start3A_52 = arith.constant 2 : i32
    %dma_start3A_53 = arith.constant 2 : i32
    %dma_start3A_54 = arith.constant 0 : i32
    %dma_start3A_55 = tpu.memref_slice %arg10[%dma_start3A_53, %dma_start3A_54] : memref<64x512xf32, #tpu.memory_space<vmem>> -> memref<1x512xf32, #tpu.memory_space<vmem>>
    %dma_start3A_56 = tpu.memref_squeeze %dma_start3A_55 : memref<1x512xf32, #tpu.memory_space<vmem>> -> memref<512xf32, #tpu.memory_space<vmem>>
    %dma_start3A_57 = arith.constant 0 : i32
    %dma_start3A_58 = tpu.memref_slice %arg4[%dma_start3A_52, %dma_start3A_57] : memref<64x1000000xf32, #tpu.memory_space<hbm>> -> memref<1x1000000xf32, #tpu.memory_space<hbm>>
    %dma_start3A_59 = tpu.memref_squeeze %dma_start3A_58 : memref<1x1000000xf32, #tpu.memory_space<hbm>> -> memref<1000000xf32, #tpu.memory_space<hbm>>
    %dma_start3A_60 = arith.constant 0 : i32
    %dma_start3A_61 = tpu.memref_slice %dma_start3A_59[%dma_start3A_60] : memref<1000000xf32, #tpu.memory_space<hbm>> -> memref<1000000xf32, #tpu.memory_space<hbm>>
    tpu.enqueue_indirect_dma source(%dma_start3A_61 : memref<1000000xf32, #tpu.memory_space<hbm>>) target(%dma_start3A_56 : memref<512xf32, #tpu.memory_space<vmem>>) offsets(%arg8 : memref<512xi32, #tpu.memory_space<vmem>>) semaphore(%arg11 : memref<!tpu.dma_semaphore, #tpu.memory_space<semaphore_mem>>)
    %dma_start3A_62 = arith.constant 3 : i32
    %dma_start3A_63 = arith.constant 3 : i32
    %dma_start3A_64 = arith.constant 0 : i32
    %dma_start3A_65 = tpu.memref_slice %arg9[%dma_start3A_63, %dma_start3A_64] : memref<64x512xf32, #tpu.memory_space<vmem>> -> memref<1x512xf32, #tpu.memory_space<vmem>>
    %dma_start3A_66 = tpu.memref_squeeze %dma_start3A_65 : memref<1x512xf32, #tpu.memory_space<vmem>> -> memref<512xf32, #tpu.memory_space<vmem>>
    %dma_start3A_67 = arith.constant 0 : i32
    %dma_start3A_68 = tpu.memref_slice %arg4[%dma_start3A_62, %dma_start3A_67] : memref<64x1000000xf32, #tpu.memory_space<hbm>> -> memref<1x1000000xf32, #tpu.memory_space<hbm>>
    %dma_start3A_69 = tpu.memref_squeeze %dma_start3A_68 : memref<1x1000000xf32, #tpu.memory_space<hbm>> -> memref<1000000xf32, #tpu.memory_space<hbm>>
    %dma_start3A_70 = arith.constant 0 : i32
    %dma_start3A_71 = tpu.memref_slice %dma_start3A_69[%dma_start3A_70] : memref<1000000xf32, #tpu.memory_space<hbm>> -> memref<1000000xf32, #tpu.memory_space<hbm>>
    tpu.enqueue_indirect_dma source(%dma_start3A_71 : memref<1000000xf32, #tpu.memory_space<hbm>>) target(%dma_start3A_66 : memref<512xf32, #tpu.memory_space<vmem>>) offsets(%arg7 : memref<512xi32, #tpu.memory_space<vmem>>) semaphore(%arg11 : memref<!tpu.dma_semaphore, #tpu.memory_space<semaphore_mem>>)
    %dma_start3A_72 = arith.constant 3 : i32
    %dma_start3A_73 = arith.constant 3 : i32
    %dma_start3A_74 = arith.constant 0 : i32
    %dma_start3A_75 = tpu.memref_slice %arg10[%dma_start3A_73, %dma_start3A_74] : memref<64x512xf32, #tpu.memory_space<vmem>> -> memref<1x512xf32, #tpu.memory_space<vmem>>
    %dma_start3A_76 = tpu.memref_squeeze %dma_start3A_75 : memref<1x512xf32, #tpu.memory_space<vmem>> -> memref<512xf32, #tpu.memory_space<vmem>>
    %dma_start3A_77 = arith.constant 0 : i32
    %dma_start3A_78 = tpu.memref_slice %arg4[%dma_start3A_72, %dma_start3A_77] : memref<64x1000000xf32, #tpu.memory_space<hbm>> -> memref<1x1000000xf32, #tpu.memory_space<hbm>>
    %dma_start3A_79 = tpu.memref_squeeze %dma_start3A_78 : memref<1x1000000xf32, #tpu.memory_space<hbm>> -> memref<1000000xf32, #tpu.memory_space<hbm>>
    %dma_start3A_80 = arith.constant 0 : i32
    %dma_start3A_81 = tpu.memref_slice %dma_start3A_79[%dma_start3A_80] : memref<1000000xf32, #tpu.memory_space<hbm>> -> memref<1000000xf32, #tpu.memory_space<hbm>>
    tpu.enqueue_indirect_dma source(%dma_start3A_81 : memref<1000000xf32, #tpu.memory_space<hbm>>) target(%dma_start3A_76 : memref<512xf32, #tpu.memory_space<vmem>>) offsets(%arg8 : memref<512xi32, #tpu.memory_space<vmem>>) semaphore(%arg11 : memref<!tpu.dma_semaphore, #tpu.memory_space<semaphore_mem>>)
    %dma_start3A_82 = arith.constant 4 : i32
    %dma_start3A_83 = arith.constant 4 : i32
    %dma_start3A_84 = arith.constant 0 : i32
    %dma_start3A_85 = tpu.memref_slice %arg9[%dma_start3A_83, %dma_start3A_84] : memref<64x512xf32, #tpu.memory_space<vmem>> -> memref<1x512xf32, #tpu.memory_space<vmem>>
    %dma_start3A_86 = tpu.memref_squeeze %dma_start3A_85 : memref<1x512xf32, #tpu.memory_space<vmem>> -> memref<512xf32, #tpu.memory_space<vmem>>
    %dma_start3A_87 = arith.constant 0 : i32
    %dma_start3A_88 = tpu.memref_slice %arg4[%dma_start3A_82, %dma_start3A_87] : memref<64x1000000xf32, #tpu.memory_space<hbm>> -> memref<1x1000000xf32, #tpu.memory_space<hbm>>
    %dma_start3A_89 = tpu.memref_squeeze %dma_start3A_88 : memref<1x1000000xf32, #tpu.memory_space<hbm>> -> memref<1000000xf32, #tpu.memory_space<hbm>>
    %dma_start3A_90 = arith.constant 0 : i32
    %dma_start3A_91 = tpu.memref_slice %dma_start3A_89[%dma_start3A_90] : memref<1000000xf32, #tpu.memory_space<hbm>> -> memref<1000000xf32, #tpu.memory_space<hbm>>
    tpu.enqueue_indirect_dma source(%dma_start3A_91 : memref<1000000xf32, #tpu.memory_space<hbm>>) target(%dma_start3A_86 : memref<512xf32, #tpu.memory_space<vmem>>) offsets(%arg7 : memref<512xi32, #tpu.memory_space<vmem>>) semaphore(%arg11 : memref<!tpu.dma_semaphore, #tpu.memory_space<semaphore_mem>>)
    %dma_start3A_92 = arith.constant 4 : i32
    %dma_start3A_93 = arith.constant 4 : i32
    %dma_start3A_94 = arith.constant 0 : i32
    %dma_start3A_95 = tpu.memref_slice %arg10[%dma_start3A_93, %dma_start3A_94] : memref<64x512xf32, #tpu.memory_space<vmem>> -> memref<1x512xf32, #tpu.memory_space<vmem>>
    %dma_start3A_96 = tpu.memref_squeeze %dma_start3A_95 : memref<1x512xf32, #tpu.memory_space<vmem>> -> memref<512xf32, #tpu.memory_space<vmem>>
    %dma_start3A_97 = arith.constant 0 : i32
    %dma_start3A_98 = tpu.memref_slice %arg4[%dma_start3A_92, %dma_start3A_97] : memref<64x1000000xf32, #tpu.memory_space<hbm>> -> memref<1x1000000xf32, #tpu.memory_space<hbm>>
    %dma_start3A_99 = tpu.memref_squeeze %dma_start3A_98 : memref<1x1000000xf32, #tpu.memory_space<hbm>> -> memref<1000000xf32, #tpu.memory_space<hbm>>
    %dma_start3A_100 = arith.constant 0 : i32
    %dma_start3A_101 = tpu.memref_slice %dma_start3A_99[%dma_start3A_100] : memref<1000000xf32, #tpu.memory_space<hbm>> -> memref<1000000xf32, #tpu.memory_space<hbm>>
    tpu.enqueue_indirect_dma source(%dma_start3A_101 : memref<1000000xf32, #tpu.memory_space<hbm>>) target(%dma_start3A_96 : memref<512xf32, #tpu.memory_space<vmem>>) offsets(%arg8 : memref<512xi32, #tpu.memory_space<vmem>>) semaphore(%arg11 : memref<!tpu.dma_semaphore, #tpu.memory_space<semaphore_mem>>)
    %dma_start3A_102 = arith.constant 5 : i32
    %dma_start3A_103 = arith.constant 5 : i32
    %dma_start3A_104 = arith.constant 0 : i32
    %dma_start3A_105 = tpu.memref_slice %arg9[%dma_start3A_103, %dma_start3A_104] : memref<64x512xf32, #tpu.memory_space<vmem>> -> memref<1x512xf32, #tpu.memory_space<vmem>>
    %dma_start3A_106 = tpu.memref_squeeze %dma_start3A_105 : memref<1x512xf32, #tpu.memory_space<vmem>> -> memref<512xf32, #tpu.memory_space<vmem>>
    %dma_start3A_107 = arith.constant 0 : i32
    %dma_start3A_108 = tpu.memref_slice %arg4[%dma_start3A_102, %dma_start3A_107] : memref<64x1000000xf32, #tpu.memory_space<hbm>> -> memref<1x1000000xf32, #tpu.memory_space<hbm>>
    %dma_start3A_109 = tpu.memref_squeeze %dma_start3A_108 : memref<1x1000000xf32, #tpu.memory_space<hbm>> -> memref<1000000xf32, #tpu.memory_space<hbm>>
    %dma_start3A_110 = arith.constant 0 : i32
    %dma_start3A_111 = tpu.memref_slice %dma_start3A_109[%dma_start3A_110] : memref<1000000xf32, #tpu.memory_space<hbm>> -> memref<1000000xf32, #tpu.memory_space<hbm>>
    tpu.enqueue_indirect_dma source(%dma_start3A_111 : memref<1000000xf32, #tpu.memory_space<hbm>>) target(%dma_start3A_106 : memref<512xf32, #tpu.memory_space<vmem>>) offsets(%arg7 : memref<512xi32, #tpu.memory_space<vmem>>) semaphore(%arg11 : memref<!tpu.dma_semaphore, #tpu.memory_space<semaphore_mem>>)
    %dma_start3A_112 = arith.constant 5 : i32
    %dma_start3A_113 = arith.constant 5 : i32
    %dma_start3A_114 = arith.constant 0 : i32
    %dma_start3A_115 = tpu.memref_slice %arg10[%dma_start3A_113, %dma_start3A_114] : memref<64x512xf32, #tpu.memory_space<vmem>> -> memref<1x512xf32, #tpu.memory_space<vmem>>
    %dma_start3A_116 = tpu.memref_squeeze %dma_start3A_115 : memref<1x512xf32, #tpu.memory_space<vmem>> -> memref<512xf32, #tpu.memory_space<vmem>>
    %dma_start3A_117 = arith.constant 0 : i32
    %dma_start3A_118 = tpu.memref_slice %arg4[%dma_start3A_112, %dma_start3A_117] : memref<64x1000000xf32, #tpu.memory_space<hbm>> -> memref<1x1000000xf32, #tpu.memory_space<hbm>>
    %dma_start3A_119 = tpu.memref_squeeze %dma_start3A_118 : memref<1x1000000xf32, #tpu.memory_space<hbm>> -> memref<1000000xf32, #tpu.memory_space<hbm>>
    %dma_start3A_120 = arith.constant 0 : i32
    %dma_start3A_121 = tpu.memref_slice %dma_start3A_119[%dma_start3A_120] : memref<1000000xf32, #tpu.memory_space<hbm>> -> memref<1000000xf32, #tpu.memory_space<hbm>>
    tpu.enqueue_indirect_dma source(%dma_start3A_121 : memref<1000000xf32, #tpu.memory_space<hbm>>) target(%dma_start3A_116 : memref<512xf32, #tpu.memory_space<vmem>>) offsets(%arg8 : memref<512xi32, #tpu.memory_space<vmem>>) semaphore(%arg11 : memref<!tpu.dma_semaphore, #tpu.memory_space<semaphore_mem>>)
    %dma_start3A_122 = arith.constant 6 : i32
    %dma_start3A_123 = arith.constant 6 : i32
    %dma_start3A_124 = arith.constant 0 : i32
    %dma_start3A_125 = tpu.memref_slice %arg9[%dma_start3A_123, %dma_start3A_124] : memref<64x512xf32, #tpu.memory_space<vmem>> -> memref<1x512xf32, #tpu.memory_space<vmem>>
    %dma_start3A_126 = tpu.memref_squeeze %dma_start3A_125 : memref<1x512xf32, #tpu.memory_space<vmem>> -> memref<512xf32, #tpu.memory_space<vmem>>
    %dma_start3A_127 = arith.constant 0 : i32
    %dma_start3A_128 = tpu.memref_slice %arg4[%dma_start3A_122, %dma_start3A_127] : memref<64x1000000xf32, #tpu.memory_space<hbm>> -> memref<1x1000000xf32, #tpu.memory_space<hbm>>
    %dma_start3A_129 = tpu.memref_squeeze %dma_start3A_128 : memref<1x1000000xf32, #tpu.memory_space<hbm>> -> memref<1000000xf32, #tpu.memory_space<hbm>>
    %dma_start3A_130 = arith.constant 0 : i32
    %dma_start3A_131 = tpu.memref_slice %dma_start3A_129[%dma_start3A_130] : memref<1000000xf32, #tpu.memory_space<hbm>> -> memref<1000000xf32, #tpu.memory_space<hbm>>
    tpu.enqueue_indirect_dma source(%dma_start3A_131 : memref<1000000xf32, #tpu.memory_space<hbm>>) target(%dma_start3A_126 : memref<512xf32, #tpu.memory_space<vmem>>) offsets(%arg7 : memref<512xi32, #tpu.memory_space<vmem>>) semaphore(%arg11 : memref<!tpu.dma_semaphore, #tpu.memory_space<semaphore_mem>>)
    %dma_start3A_132 = arith.constant 6 : i32
    %dma_start3A_133 = arith.constant 6 : i32
    %dma_start3A_134 = arith.constant 0 : i32
    %dma_start3A_135 = tpu.memref_slice %arg10[%dma_start3A_133, %dma_start3A_134] : memref<64x512xf32, #tpu.memory_space<vmem>> -> memref<1x512xf32, #tpu.memory_space<vmem>>
    %dma_start3A_136 = tpu.memref_squeeze %dma_start3A_135 : memref<1x512xf32, #tpu.memory_space<vmem>> -> memref<512xf32, #tpu.memory_space<vmem>>
    %dma_start3A_137 = arith.constant 0 : i32
    %dma_start3A_138 = tpu.memref_slice %arg4[%dma_start3A_132, %dma_start3A_137] : memref<64x1000000xf32, #tpu.memory_space<hbm>> -> memref<1x1000000xf32, #tpu.memory_space<hbm>>
    %dma_start3A_139 = tpu.memref_squeeze %dma_start3A_138 : memref<1x1000000xf32, #tpu.memory_space<hbm>> -> memref<1000000xf32, #tpu.memory_space<hbm>>
    %dma_start3A_140 = arith.constant 0 : i32
    %dma_start3A_141 = tpu.memref_slice %dma_start3A_139[%dma_start3A_140] : memref<1000000xf32, #tpu.memory_space<hbm>> -> memref<1000000xf32, #tpu.memory_space<hbm>>
    tpu.enqueue_indirect_dma source(%dma_start3A_141 : memref<1000000xf32, #tpu.memory_space<hbm>>) target(%dma_start3A_136 : memref<512xf32, #tpu.memory_space<vmem>>) offsets(%arg8 : memref<512xi32, #tpu.memory_space<vmem>>) semaphore(%arg11 : memref<!tpu.dma_semaphore, #tpu.memory_space<semaphore_mem>>)
    %dma_start3A_142 = arith.constant 7 : i32
    %dma_start3A_143 = arith.constant 7 : i32
    %dma_start3A_144 = arith.constant 0 : i32
    %dma_start3A_145 = tpu.memref_slice %arg9[%dma_start3A_143, %dma_start3A_144] : memref<64x512xf32, #tpu.memory_space<vmem>> -> memref<1x512xf32, #tpu.memory_space<vmem>>
    %dma_start3A_146 = tpu.memref_squeeze %dma_start3A_145 : memref<1x512xf32, #tpu.memory_space<vmem>> -> memref<512xf32, #tpu.memory_space<vmem>>
    %dma_start3A_147 = arith.constant 0 : i32
    %dma_start3A_148 = tpu.memref_slice %arg4[%dma_start3A_142, %dma_start3A_147] : memref<64x1000000xf32, #tpu.memory_space<hbm>> -> memref<1x1000000xf32, #tpu.memory_space<hbm>>
    %dma_start3A_149 = tpu.memref_squeeze %dma_start3A_148 : memref<1x1000000xf32, #tpu.memory_space<hbm>> -> memref<1000000xf32, #tpu.memory_space<hbm>>
    %dma_start3A_150 = arith.constant 0 : i32
    %dma_start3A_151 = tpu.memref_slice %dma_start3A_149[%dma_start3A_150] : memref<1000000xf32, #tpu.memory_space<hbm>> -> memref<1000000xf32, #tpu.memory_space<hbm>>
    tpu.enqueue_indirect_dma source(%dma_start3A_151 : memref<1000000xf32, #tpu.memory_space<hbm>>) target(%dma_start3A_146 : memref<512xf32, #tpu.memory_space<vmem>>) offsets(%arg7 : memref<512xi32, #tpu.memory_space<vmem>>) semaphore(%arg11 : memref<!tpu.dma_semaphore, #tpu.memory_space<semaphore_mem>>)
    %dma_start3A_152 = arith.constant 7 : i32
    %dma_start3A_153 = arith.constant 7 : i32
    %dma_start3A_154 = arith.constant 0 : i32
    %dma_start3A_155 = tpu.memref_slice %arg10[%dma_start3A_153, %dma_start3A_154] : memref<64x512xf32, #tpu.memory_space<vmem>> -> memref<1x512xf32, #tpu.memory_space<vmem>>
    %dma_start3A_156 = tpu.memref_squeeze %dma_start3A_155 : memref<1x512xf32, #tpu.memory_space<vmem>> -> memref<512xf32, #tpu.memory_space<vmem>>
    %dma_start3A_157 = arith.constant 0 : i32
    %dma_start3A_158 = tpu.memref_slice %arg4[%dma_start3A_152, %dma_start3A_157] : memref<64x1000000xf32, #tpu.memory_space<hbm>> -> memref<1x1000000xf32, #tpu.memory_space<hbm>>
    %dma_start3A_159 = tpu.memref_squeeze %dma_start3A_158 : memref<1x1000000xf32, #tpu.memory_space<hbm>> -> memref<1000000xf32, #tpu.memory_space<hbm>>
    %dma_start3A_160 = arith.constant 0 : i32
    %dma_start3A_161 = tpu.memref_slice %dma_start3A_159[%dma_start3A_160] : memref<1000000xf32, #tpu.memory_space<hbm>> -> memref<1000000xf32, #tpu.memory_space<hbm>>
    tpu.enqueue_indirect_dma source(%dma_start3A_161 : memref<1000000xf32, #tpu.memory_space<hbm>>) target(%dma_start3A_156 : memref<512xf32, #tpu.memory_space<vmem>>) offsets(%arg8 : memref<512xi32, #tpu.memory_space<vmem>>) semaphore(%arg11 : memref<!tpu.dma_semaphore, #tpu.memory_space<semaphore_mem>>)
    %dma_start3A_162 = arith.constant 8 : i32
    %dma_start3A_163 = arith.constant 8 : i32
    %dma_start3A_164 = arith.constant 0 : i32
    %dma_start3A_165 = tpu.memref_slice %arg9[%dma_start3A_163, %dma_start3A_164] : memref<64x512xf32, #tpu.memory_space<vmem>> -> memref<1x512xf32, #tpu.memory_space<vmem>>
    %dma_start3A_166 = tpu.memref_squeeze %dma_start3A_165 : memref<1x512xf32, #tpu.memory_space<vmem>> -> memref<512xf32, #tpu.memory_space<vmem>>
    %dma_start3A_167 = arith.constant 0 : i32
    %dma_start3A_168 = tpu.memref_slice %arg4[%dma_start3A_162, %dma_start3A_167] : memref<64x1000000xf32, #tpu.memory_space<hbm>> -> memref<1x1000000xf32, #tpu.memory_space<hbm>>
    %dma_start3A_169 = tpu.memref_squeeze %dma_start3A_168 : memref<1x1000000xf32, #tpu.memory_space<hbm>> -> memref<1000000xf32, #tpu.memory_space<hbm>>
    %dma_start3A_170 = arith.constant 0 : i32
    %dma_start3A_171 = tpu.memref_slice %dma_start3A_169[%dma_start3A_170] : memref<1000000xf32, #tpu.memory_space<hbm>> -> memref<1000000xf32, #tpu.memory_space<hbm>>
    tpu.enqueue_indirect_dma source(%dma_start3A_171 : memref<1000000xf32, #tpu.memory_space<hbm>>) target(%dma_start3A_166 : memref<512xf32, #tpu.memory_space<vmem>>) offsets(%arg7 : memref<512xi32, #tpu.memory_space<vmem>>) semaphore(%arg11 : memref<!tpu.dma_semaphore, #tpu.memory_space<semaphore_mem>>)
    %dma_start3A_172 = arith.constant 8 : i32
    %dma_start3A_173 = arith.constant 8 : i32
    %dma_start3A_174 = arith.constant 0 : i32
    %dma_start3A_175 = tpu.memref_slice %arg10[%dma_start3A_173, %dma_start3A_174] : memref<64x512xf32, #tpu.memory_space<vmem>> -> memref<1x512xf32, #tpu.memory_space<vmem>>
    %dma_start3A_176 = tpu.memref_squeeze %dma_start3A_175 : memref<1x512xf32, #tpu.memory_space<vmem>> -> memref<512xf32, #tpu.memory_space<vmem>>
    %dma_start3A_177 = arith.constant 0 : i32
    %dma_start3A_178 = tpu.memref_slice %arg4[%dma_start3A_172, %dma_start3A_177] : memref<64x1000000xf32, #tpu.memory_space<hbm>> -> memref<1x1000000xf32, #tpu.memory_space<hbm>>
    %dma_start3A_179 = tpu.memref_squeeze %dma_start3A_178 : memref<1x1000000xf32, #tpu.memory_space<hbm>> -> memref<1000000xf32, #tpu.memory_space<hbm>>
    %dma_start3A_180 = arith.constant 0 : i32
    %dma_start3A_181 = tpu.memref_slice %dma_start3A_179[%dma_start3A_180] : memref<1000000xf32, #tpu.memory_space<hbm>> -> memref<1000000xf32, #tpu.memory_space<hbm>>
    tpu.enqueue_indirect_dma source(%dma_start3A_181 : memref<1000000xf32, #tpu.memory_space<hbm>>) target(%dma_start3A_176 : memref<512xf32, #tpu.memory_space<vmem>>) offsets(%arg8 : memref<512xi32, #tpu.memory_space<vmem>>) semaphore(%arg11 : memref<!tpu.dma_semaphore, #tpu.memory_space<semaphore_mem>>)
    %dma_start3A_182 = arith.constant 9 : i32
    %dma_start3A_183 = arith.constant 9 : i32
    %dma_start3A_184 = arith.constant 0 : i32
    %dma_start3A_185 = tpu.memref_slice %arg9[%dma_start3A_183, %dma_start3A_184] : memref<64x512xf32, #tpu.memory_space<vmem>> -> memref<1x512xf32, #tpu.memory_space<vmem>>
    %dma_start3A_186 = tpu.memref_squeeze %dma_start3A_185 : memref<1x512xf32, #tpu.memory_space<vmem>> -> memref<512xf32, #tpu.memory_space<vmem>>
    %dma_start3A_187 = arith.constant 0 : i32
    %dma_start3A_188 = tpu.memref_slice %arg4[%dma_start3A_182, %dma_start3A_187] : memref<64x1000000xf32, #tpu.memory_space<hbm>> -> memref<1x1000000xf32, #tpu.memory_space<hbm>>
    %dma_start3A_189 = tpu.memref_squeeze %dma_start3A_188 : memref<1x1000000xf32, #tpu.memory_space<hbm>> -> memref<1000000xf32, #tpu.memory_space<hbm>>
    %dma_start3A_190 = arith.constant 0 : i32
    %dma_start3A_191 = tpu.memref_slice %dma_start3A_189[%dma_start3A_190] : memref<1000000xf32, #tpu.memory_space<hbm>> -> memref<1000000xf32, #tpu.memory_space<hbm>>
    tpu.enqueue_indirect_dma source(%dma_start3A_191 : memref<1000000xf32, #tpu.memory_space<hbm>>) target(%dma_start3A_186 : memref<512xf32, #tpu.memory_space<vmem>>) offsets(%arg7 : memref<512xi32, #tpu.memory_space<vmem>>) semaphore(%arg11 : memref<!tpu.dma_semaphore, #tpu.memory_space<semaphore_mem>>)
    %dma_start3A_192 = arith.constant 9 : i32
    %dma_start3A_193 = arith.constant 9 : i32
    %dma_start3A_194 = arith.constant 0 : i32
    %dma_start3A_195 = tpu.memref_slice %arg10[%dma_start3A_193, %dma_start3A_194] : memref<64x512xf32, #tpu.memory_space<vmem>> -> memref<1x512xf32, #tpu.memory_space<vmem>>
    %dma_start3A_196 = tpu.memref_squeeze %dma_start3A_195 : memref<1x512xf32, #tpu.memory_space<vmem>> -> memref<512xf32, #tpu.memory_space<vmem>>
    %dma_start3A_197 = arith.constant 0 : i32
    %dma_start3A_198 = tpu.memref_slice %arg4[%dma_start3A_192, %dma_start3A_197] : memref<64x1000000xf32, #tpu.memory_space<hbm>> -> memref<1x1000000xf32, #tpu.memory_space<hbm>>
    %dma_start3A_199 = tpu.memref_squeeze %dma_start3A_198 : memref<1x1000000xf32, #tpu.memory_space<hbm>> -> memref<1000000xf32, #tpu.memory_space<hbm>>
    %dma_start3A_200 = arith.constant 0 : i32
    %dma_start3A_201 = tpu.memref_slice %dma_start3A_199[%dma_start3A_200] : memref<1000000xf32, #tpu.memory_space<hbm>> -> memref<1000000xf32, #tpu.memory_space<hbm>>
    tpu.enqueue_indirect_dma source(%dma_start3A_201 : memref<1000000xf32, #tpu.memory_space<hbm>>) target(%dma_start3A_196 : memref<512xf32, #tpu.memory_space<vmem>>) offsets(%arg8 : memref<512xi32, #tpu.memory_space<vmem>>) semaphore(%arg11 : memref<!tpu.dma_semaphore, #tpu.memory_space<semaphore_mem>>)
    %dma_start3A_202 = arith.constant 10 : i32
    %dma_start3A_203 = arith.constant 10 : i32
    %dma_start3A_204 = arith.constant 0 : i32
    %dma_start3A_205 = tpu.memref_slice %arg9[%dma_start3A_203, %dma_start3A_204] : memref<64x512xf32, #tpu.memory_space<vmem>> -> memref<1x512xf32, #tpu.memory_space<vmem>>
    %dma_start3A_206 = tpu.memref_squeeze %dma_start3A_205 : memref<1x512xf32, #tpu.memory_space<vmem>> -> memref<512xf32, #tpu.memory_space<vmem>>
    %dma_start3A_207 = arith.constant 0 : i32
    %dma_start3A_208 = tpu.memref_slice %arg4[%dma_start3A_202, %dma_start3A_207] : memref<64x1000000xf32, #tpu.memory_space<hbm>> -> memref<1x1000000xf32, #tpu.memory_space<hbm>>
    %dma_start3A_209 = tpu.memref_squeeze %dma_start3A_208 : memref<1x1000000xf32, #tpu.memory_space<hbm>> -> memref<1000000xf32, #tpu.memory_space<hbm>>
    %dma_start3A_210 = arith.constant 0 : i32
    %dma_start3A_211 = tpu.memref_slice %dma_start3A_209[%dma_start3A_210] : memref<1000000xf32, #tpu.memory_space<hbm>> -> memref<1000000xf32, #tpu.memory_space<hbm>>
    tpu.enqueue_indirect_dma source(%dma_start3A_211 : memref<1000000xf32, #tpu.memory_space<hbm>>) target(%dma_start3A_206 : memref<512xf32, #tpu.memory_space<vmem>>) offsets(%arg7 : memref<512xi32, #tpu.memory_space<vmem>>) semaphore(%arg11 : memref<!tpu.dma_semaphore, #tpu.memory_space<semaphore_mem>>)
    %dma_start3A_212 = arith.constant 10 : i32
    %dma_start3A_213 = arith.constant 10 : i32
    %dma_start3A_214 = arith.constant 0 : i32
    %dma_start3A_215 = tpu.memref_slice %arg10[%dma_start3A_213, %dma_start3A_214] : memref<64x512xf32, #tpu.memory_space<vmem>> -> memref<1x512xf32, #tpu.memory_space<vmem>>
    %dma_start3A_216 = tpu.memref_squeeze %dma_start3A_215 : memref<1x512xf32, #tpu.memory_space<vmem>> -> memref<512xf32, #tpu.memory_space<vmem>>
    %dma_start3A_217 = arith.constant 0 : i32
    %dma_start3A_218 = tpu.memref_slice %arg4[%dma_start3A_212, %dma_start3A_217] : memref<64x1000000xf32, #tpu.memory_space<hbm>> -> memref<1x1000000xf32, #tpu.memory_space<hbm>>
    %dma_start3A_219 = tpu.memref_squeeze %dma_start3A_218 : memref<1x1000000xf32, #tpu.memory_space<hbm>> -> memref<1000000xf32, #tpu.memory_space<hbm>>
    %dma_start3A_220 = arith.constant 0 : i32
    %dma_start3A_221 = tpu.memref_slice %dma_start3A_219[%dma_start3A_220] : memref<1000000xf32, #tpu.memory_space<hbm>> -> memref<1000000xf32, #tpu.memory_space<hbm>>
    tpu.enqueue_indirect_dma source(%dma_start3A_221 : memref<1000000xf32, #tpu.memory_space<hbm>>) target(%dma_start3A_216 : memref<512xf32, #tpu.memory_space<vmem>>) offsets(%arg8 : memref<512xi32, #tpu.memory_space<vmem>>) semaphore(%arg11 : memref<!tpu.dma_semaphore, #tpu.memory_space<semaphore_mem>>)
    %dma_start3A_222 = arith.constant 11 : i32
    %dma_start3A_223 = arith.constant 11 : i32
    %dma_start3A_224 = arith.constant 0 : i32
    %dma_start3A_225 = tpu.memref_slice %arg9[%dma_start3A_223, %dma_start3A_224] : memref<64x512xf32, #tpu.memory_space<vmem>> -> memref<1x512xf32, #tpu.memory_space<vmem>>
    %dma_start3A_226 = tpu.memref_squeeze %dma_start3A_225 : memref<1x512xf32, #tpu.memory_space<vmem>> -> memref<512xf32, #tpu.memory_space<vmem>>
    %dma_start3A_227 = arith.constant 0 : i32
    %dma_start3A_228 = tpu.memref_slice %arg4[%dma_start3A_222, %dma_start3A_227] : memref<64x1000000xf32, #tpu.memory_space<hbm>> -> memref<1x1000000xf32, #tpu.memory_space<hbm>>
    %dma_start3A_229 = tpu.memref_squeeze %dma_start3A_228 : memref<1x1000000xf32, #tpu.memory_space<hbm>> -> memref<1000000xf32, #tpu.memory_space<hbm>>
    %dma_start3A_230 = arith.constant 0 : i32
    %dma_start3A_231 = tpu.memref_slice %dma_start3A_229[%dma_start3A_230] : memref<1000000xf32, #tpu.memory_space<hbm>> -> memref<1000000xf32, #tpu.memory_space<hbm>>
    tpu.enqueue_indirect_dma source(%dma_start3A_231 : memref<1000000xf32, #tpu.memory_space<hbm>>) target(%dma_start3A_226 : memref<512xf32, #tpu.memory_space<vmem>>) offsets(%arg7 : memref<512xi32, #tpu.memory_space<vmem>>) semaphore(%arg11 : memref<!tpu.dma_semaphore, #tpu.memory_space<semaphore_mem>>)
    %dma_start3A_232 = arith.constant 11 : i32
    %dma_start3A_233 = arith.constant 11 : i32
    %dma_start3A_234 = arith.constant 0 : i32
    %dma_start3A_235 = tpu.memref_slice %arg10[%dma_start3A_233, %dma_start3A_234] : memref<64x512xf32, #tpu.memory_space<vmem>> -> memref<1x512xf32, #tpu.memory_space<vmem>>
    %dma_start3A_236 = tpu.memref_squeeze %dma_start3A_235 : memref<1x512xf32, #tpu.memory_space<vmem>> -> memref<512xf32, #tpu.memory_space<vmem>>
    %dma_start3A_237 = arith.constant 0 : i32
    %dma_start3A_238 = tpu.memref_slice %arg4[%dma_start3A_232, %dma_start3A_237] : memref<64x1000000xf32, #tpu.memory_space<hbm>> -> memref<1x1000000xf32, #tpu.memory_space<hbm>>
    %dma_start3A_239 = tpu.memref_squeeze %dma_start3A_238 : memref<1x1000000xf32, #tpu.memory_space<hbm>> -> memref<1000000xf32, #tpu.memory_space<hbm>>
    %dma_start3A_240 = arith.constant 0 : i32
    %dma_start3A_241 = tpu.memref_slice %dma_start3A_239[%dma_start3A_240] : memref<1000000xf32, #tpu.memory_space<hbm>> -> memref<1000000xf32, #tpu.memory_space<hbm>>
    tpu.enqueue_indirect_dma source(%dma_start3A_241 : memref<1000000xf32, #tpu.memory_space<hbm>>) target(%dma_start3A_236 : memref<512xf32, #tpu.memory_space<vmem>>) offsets(%arg8 : memref<512xi32, #tpu.memory_space<vmem>>) semaphore(%arg11 : memref<!tpu.dma_semaphore, #tpu.memory_space<semaphore_mem>>)
    %dma_start3A_242 = arith.constant 12 : i32
    %dma_start3A_243 = arith.constant 12 : i32
    %dma_start3A_244 = arith.constant 0 : i32
    %dma_start3A_245 = tpu.memref_slice %arg9[%dma_start3A_243, %dma_start3A_244] : memref<64x512xf32, #tpu.memory_space<vmem>> -> memref<1x512xf32, #tpu.memory_space<vmem>>
    %dma_start3A_246 = tpu.memref_squeeze %dma_start3A_245 : memref<1x512xf32, #tpu.memory_space<vmem>> -> memref<512xf32, #tpu.memory_space<vmem>>
    %dma_start3A_247 = arith.constant 0 : i32
    %dma_start3A_248 = tpu.memref_slice %arg4[%dma_start3A_242, %dma_start3A_247] : memref<64x1000000xf32, #tpu.memory_space<hbm>> -> memref<1x1000000xf32, #tpu.memory_space<hbm>>
    %dma_start3A_249 = tpu.memref_squeeze %dma_start3A_248 : memref<1x1000000xf32, #tpu.memory_space<hbm>> -> memref<1000000xf32, #tpu.memory_space<hbm>>
    %dma_start3A_250 = arith.constant 0 : i32
    %dma_start3A_251 = tpu.memref_slice %dma_start3A_249[%dma_start3A_250] : memref<1000000xf32, #tpu.memory_space<hbm>> -> memref<1000000xf32, #tpu.memory_space<hbm>>
    tpu.enqueue_indirect_dma source(%dma_start3A_251 : memref<1000000xf32, #tpu.memory_space<hbm>>) target(%dma_start3A_246 : memref<512xf32, #tpu.memory_space<vmem>>) offsets(%arg7 : memref<512xi32, #tpu.memory_space<vmem>>) semaphore(%arg11 : memref<!tpu.dma_semaphore, #tpu.memory_space<semaphore_mem>>)
    %dma_start3A_252 = arith.constant 12 : i32
    %dma_start3A_253 = arith.constant 12 : i32
    %dma_start3A_254 = arith.constant 0 : i32
    %dma_start3A_255 = tpu.memref_slice %arg10[%dma_start3A_253, %dma_start3A_254] : memref<64x512xf32, #tpu.memory_space<vmem>> -> memref<1x512xf32, #tpu.memory_space<vmem>>
    %dma_start3A_256 = tpu.memref_squeeze %dma_start3A_255 : memref<1x512xf32, #tpu.memory_space<vmem>> -> memref<512xf32, #tpu.memory_space<vmem>>
    %dma_start3A_257 = arith.constant 0 : i32
    %dma_start3A_258 = tpu.memref_slice %arg4[%dma_start3A_252, %dma_start3A_257] : memref<64x1000000xf32, #tpu.memory_space<hbm>> -> memref<1x1000000xf32, #tpu.memory_space<hbm>>
    %dma_start3A_259 = tpu.memref_squeeze %dma_start3A_258 : memref<1x1000000xf32, #tpu.memory_space<hbm>> -> memref<1000000xf32, #tpu.memory_space<hbm>>
    %dma_start3A_260 = arith.constant 0 : i32
    %dma_start3A_261 = tpu.memref_slice %dma_start3A_259[%dma_start3A_260] : memref<1000000xf32, #tpu.memory_space<hbm>> -> memref<1000000xf32, #tpu.memory_space<hbm>>
    tpu.enqueue_indirect_dma source(%dma_start3A_261 : memref<1000000xf32, #tpu.memory_space<hbm>>) target(%dma_start3A_256 : memref<512xf32, #tpu.memory_space<vmem>>) offsets(%arg8 : memref<512xi32, #tpu.memory_space<vmem>>) semaphore(%arg11 : memref<!tpu.dma_semaphore, #tpu.memory_space<semaphore_mem>>)
    %dma_start3A_262 = arith.constant 13 : i32
    %dma_start3A_263 = arith.constant 13 : i32
    %dma_start3A_264 = arith.constant 0 : i32
    %dma_start3A_265 = tpu.memref_slice %arg9[%dma_start3A_263, %dma_start3A_264] : memref<64x512xf32, #tpu.memory_space<vmem>> -> memref<1x512xf32, #tpu.memory_space<vmem>>
    %dma_start3A_266 = tpu.memref_squeeze %dma_start3A_265 : memref<1x512xf32, #tpu.memory_space<vmem>> -> memref<512xf32, #tpu.memory_space<vmem>>
    %dma_start3A_267 = arith.constant 0 : i32
    %dma_start3A_268 = tpu.memref_slice %arg4[%dma_start3A_262, %dma_start3A_267] : memref<64x1000000xf32, #tpu.memory_space<hbm>> -> memref<1x1000000xf32, #tpu.memory_space<hbm>>
    %dma_start3A_269 = tpu.memref_squeeze %dma_start3A_268 : memref<1x1000000xf32, #tpu.memory_space<hbm>> -> memref<1000000xf32, #tpu.memory_space<hbm>>
    %dma_start3A_270 = arith.constant 0 : i32
    %dma_start3A_271 = tpu.memref_slice %dma_start3A_269[%dma_start3A_270] : memref<1000000xf32, #tpu.memory_space<hbm>> -> memref<1000000xf32, #tpu.memory_space<hbm>>
    tpu.enqueue_indirect_dma source(%dma_start3A_271 : memref<1000000xf32, #tpu.memory_space<hbm>>) target(%dma_start3A_266 : memref<512xf32, #tpu.memory_space<vmem>>) offsets(%arg7 : memref<512xi32, #tpu.memory_space<vmem>>) semaphore(%arg11 : memref<!tpu.dma_semaphore, #tpu.memory_space<semaphore_mem>>)
    %dma_start3A_272 = arith.constant 13 : i32
    %dma_start3A_273 = arith.constant 13 : i32
    %dma_start3A_274 = arith.constant 0 : i32
    %dma_start3A_275 = tpu.memref_slice %arg10[%dma_start3A_273, %dma_start3A_274] : memref<64x512xf32, #tpu.memory_space<vmem>> -> memref<1x512xf32, #tpu.memory_space<vmem>>
    %dma_start3A_276 = tpu.memref_squeeze %dma_start3A_275 : memref<1x512xf32, #tpu.memory_space<vmem>> -> memref<512xf32, #tpu.memory_space<vmem>>
    %dma_start3A_277 = arith.constant 0 : i32
    %dma_start3A_278 = tpu.memref_slice %arg4[%dma_start3A_272, %dma_start3A_277] : memref<64x1000000xf32, #tpu.memory_space<hbm>> -> memref<1x1000000xf32, #tpu.memory_space<hbm>>
    %dma_start3A_279 = tpu.memref_squeeze %dma_start3A_278 : memref<1x1000000xf32, #tpu.memory_space<hbm>> -> memref<1000000xf32, #tpu.memory_space<hbm>>
    %dma_start3A_280 = arith.constant 0 : i32
    %dma_start3A_281 = tpu.memref_slice %dma_start3A_279[%dma_start3A_280] : memref<1000000xf32, #tpu.memory_space<hbm>> -> memref<1000000xf32, #tpu.memory_space<hbm>>
    tpu.enqueue_indirect_dma source(%dma_start3A_281 : memref<1000000xf32, #tpu.memory_space<hbm>>) target(%dma_start3A_276 : memref<512xf32, #tpu.memory_space<vmem>>) offsets(%arg8 : memref<512xi32, #tpu.memory_space<vmem>>) semaphore(%arg11 : memref<!tpu.dma_semaphore, #tpu.memory_space<semaphore_mem>>)
    %dma_start3A_282 = arith.constant 14 : i32
    %dma_start3A_283 = arith.constant 14 : i32
    %dma_start3A_284 = arith.constant 0 : i32
    %dma_start3A_285 = tpu.memref_slice %arg9[%dma_start3A_283, %dma_start3A_284] : memref<64x512xf32, #tpu.memory_space<vmem>> -> memref<1x512xf32, #tpu.memory_space<vmem>>
    %dma_start3A_286 = tpu.memref_squeeze %dma_start3A_285 : memref<1x512xf32, #tpu.memory_space<vmem>> -> memref<512xf32, #tpu.memory_space<vmem>>
    %dma_start3A_287 = arith.constant 0 : i32
    %dma_start3A_288 = tpu.memref_slice %arg4[%dma_start3A_282, %dma_start3A_287] : memref<64x1000000xf32, #tpu.memory_space<hbm>> -> memref<1x1000000xf32, #tpu.memory_space<hbm>>
    %dma_start3A_289 = tpu.memref_squeeze %dma_start3A_288 : memref<1x1000000xf32, #tpu.memory_space<hbm>> -> memref<1000000xf32, #tpu.memory_space<hbm>>
    %dma_start3A_290 = arith.constant 0 : i32
    %dma_start3A_291 = tpu.memref_slice %dma_start3A_289[%dma_start3A_290] : memref<1000000xf32, #tpu.memory_space<hbm>> -> memref<1000000xf32, #tpu.memory_space<hbm>>
    tpu.enqueue_indirect_dma source(%dma_start3A_291 : memref<1000000xf32, #tpu.memory_space<hbm>>) target(%dma_start3A_286 : memref<512xf32, #tpu.memory_space<vmem>>) offsets(%arg7 : memref<512xi32, #tpu.memory_space<vmem>>) semaphore(%arg11 : memref<!tpu.dma_semaphore, #tpu.memory_space<semaphore_mem>>)
    %dma_start3A_292 = arith.constant 14 : i32
    %dma_start3A_293 = arith.constant 14 : i32
    %dma_start3A_294 = arith.constant 0 : i32
    %dma_start3A_295 = tpu.memref_slice %arg10[%dma_start3A_293, %dma_start3A_294] : memref<64x512xf32, #tpu.memory_space<vmem>> -> memref<1x512xf32, #tpu.memory_space<vmem>>
    %dma_start3A_296 = tpu.memref_squeeze %dma_start3A_295 : memref<1x512xf32, #tpu.memory_space<vmem>> -> memref<512xf32, #tpu.memory_space<vmem>>
    %dma_start3A_297 = arith.constant 0 : i32
    %dma_start3A_298 = tpu.memref_slice %arg4[%dma_start3A_292, %dma_start3A_297] : memref<64x1000000xf32, #tpu.memory_space<hbm>> -> memref<1x1000000xf32, #tpu.memory_space<hbm>>
    %dma_start3A_299 = tpu.memref_squeeze %dma_start3A_298 : memref<1x1000000xf32, #tpu.memory_space<hbm>> -> memref<1000000xf32, #tpu.memory_space<hbm>>
    %dma_start3A_300 = arith.constant 0 : i32
    %dma_start3A_301 = tpu.memref_slice %dma_start3A_299[%dma_start3A_300] : memref<1000000xf32, #tpu.memory_space<hbm>> -> memref<1000000xf32, #tpu.memory_space<hbm>>
    tpu.enqueue_indirect_dma source(%dma_start3A_301 : memref<1000000xf32, #tpu.memory_space<hbm>>) target(%dma_start3A_296 : memref<512xf32, #tpu.memory_space<vmem>>) offsets(%arg8 : memref<512xi32, #tpu.memory_space<vmem>>) semaphore(%arg11 : memref<!tpu.dma_semaphore, #tpu.memory_space<semaphore_mem>>)
    %dma_start3A_302 = arith.constant 15 : i32
    %dma_start3A_303 = arith.constant 15 : i32
    %dma_start3A_304 = arith.constant 0 : i32
    %dma_start3A_305 = tpu.memref_slice %arg9[%dma_start3A_303, %dma_start3A_304] : memref<64x512xf32, #tpu.memory_space<vmem>> -> memref<1x512xf32, #tpu.memory_space<vmem>>
    %dma_start3A_306 = tpu.memref_squeeze %dma_start3A_305 : memref<1x512xf32, #tpu.memory_space<vmem>> -> memref<512xf32, #tpu.memory_space<vmem>>
    %dma_start3A_307 = arith.constant 0 : i32
    %dma_start3A_308 = tpu.memref_slice %arg4[%dma_start3A_302, %dma_start3A_307] : memref<64x1000000xf32, #tpu.memory_space<hbm>> -> memref<1x1000000xf32, #tpu.memory_space<hbm>>
    %dma_start3A_309 = tpu.memref_squeeze %dma_start3A_308 : memref<1x1000000xf32, #tpu.memory_space<hbm>> -> memref<1000000xf32, #tpu.memory_space<hbm>>
    %dma_start3A_310 = arith.constant 0 : i32
    %dma_start3A_311 = tpu.memref_slice %dma_start3A_309[%dma_start3A_310] : memref<1000000xf32, #tpu.memory_space<hbm>> -> memref<1000000xf32, #tpu.memory_space<hbm>>
    tpu.enqueue_indirect_dma source(%dma_start3A_311 : memref<1000000xf32, #tpu.memory_space<hbm>>) target(%dma_start3A_306 : memref<512xf32, #tpu.memory_space<vmem>>) offsets(%arg7 : memref<512xi32, #tpu.memory_space<vmem>>) semaphore(%arg11 : memref<!tpu.dma_semaphore, #tpu.memory_space<semaphore_mem>>)
    %dma_start3A_312 = arith.constant 15 : i32
    %dma_start3A_313 = arith.constant 15 : i32
    %dma_start3A_314 = arith.constant 0 : i32
    %dma_start3A_315 = tpu.memref_slice %arg10[%dma_start3A_313, %dma_start3A_314] : memref<64x512xf32, #tpu.memory_space<vmem>> -> memref<1x512xf32, #tpu.memory_space<vmem>>
    %dma_start3A_316 = tpu.memref_squeeze %dma_start3A_315 : memref<1x512xf32, #tpu.memory_space<vmem>> -> memref<512xf32, #tpu.memory_space<vmem>>
    %dma_start3A_317 = arith.constant 0 : i32
    %dma_start3A_318 = tpu.memref_slice %arg4[%dma_start3A_312, %dma_start3A_317] : memref<64x1000000xf32, #tpu.memory_space<hbm>> -> memref<1x1000000xf32, #tpu.memory_space<hbm>>
    %dma_start3A_319 = tpu.memref_squeeze %dma_start3A_318 : memref<1x1000000xf32, #tpu.memory_space<hbm>> -> memref<1000000xf32, #tpu.memory_space<hbm>>
    %dma_start3A_320 = arith.constant 0 : i32
    %dma_start3A_321 = tpu.memref_slice %dma_start3A_319[%dma_start3A_320] : memref<1000000xf32, #tpu.memory_space<hbm>> -> memref<1000000xf32, #tpu.memory_space<hbm>>
    tpu.enqueue_indirect_dma source(%dma_start3A_321 : memref<1000000xf32, #tpu.memory_space<hbm>>) target(%dma_start3A_316 : memref<512xf32, #tpu.memory_space<vmem>>) offsets(%arg8 : memref<512xi32, #tpu.memory_space<vmem>>) semaphore(%arg11 : memref<!tpu.dma_semaphore, #tpu.memory_space<semaphore_mem>>)
    %dma_start3A_322 = arith.constant 16 : i32
    %dma_start3A_323 = arith.constant 16 : i32
    %dma_start3A_324 = arith.constant 0 : i32
    %dma_start3A_325 = tpu.memref_slice %arg9[%dma_start3A_323, %dma_start3A_324] : memref<64x512xf32, #tpu.memory_space<vmem>> -> memref<1x512xf32, #tpu.memory_space<vmem>>
    %dma_start3A_326 = tpu.memref_squeeze %dma_start3A_325 : memref<1x512xf32, #tpu.memory_space<vmem>> -> memref<512xf32, #tpu.memory_space<vmem>>
    %dma_start3A_327 = arith.constant 0 : i32
    %dma_start3A_328 = tpu.memref_slice %arg4[%dma_start3A_322, %dma_start3A_327] : memref<64x1000000xf32, #tpu.memory_space<hbm>> -> memref<1x1000000xf32, #tpu.memory_space<hbm>>
    %dma_start3A_329 = tpu.memref_squeeze %dma_start3A_328 : memref<1x1000000xf32, #tpu.memory_space<hbm>> -> memref<1000000xf32, #tpu.memory_space<hbm>>
    %dma_start3A_330 = arith.constant 0 : i32
    %dma_start3A_331 = tpu.memref_slice %dma_start3A_329[%dma_start3A_330] : memref<1000000xf32, #tpu.memory_space<hbm>> -> memref<1000000xf32, #tpu.memory_space<hbm>>
    tpu.enqueue_indirect_dma source(%dma_start3A_331 : memref<1000000xf32, #tpu.memory_space<hbm>>) target(%dma_start3A_326 : memref<512xf32, #tpu.memory_space<vmem>>) offsets(%arg7 : memref<512xi32, #tpu.memory_space<vmem>>) semaphore(%arg11 : memref<!tpu.dma_semaphore, #tpu.memory_space<semaphore_mem>>)
    %dma_start3A_332 = arith.constant 16 : i32
    %dma_start3A_333 = arith.constant 16 : i32
    %dma_start3A_334 = arith.constant 0 : i32
    %dma_start3A_335 = tpu.memref_slice %arg10[%dma_start3A_333, %dma_start3A_334] : memref<64x512xf32, #tpu.memory_space<vmem>> -> memref<1x512xf32, #tpu.memory_space<vmem>>
    %dma_start3A_336 = tpu.memref_squeeze %dma_start3A_335 : memref<1x512xf32, #tpu.memory_space<vmem>> -> memref<512xf32, #tpu.memory_space<vmem>>
    %dma_start3A_337 = arith.constant 0 : i32
    %dma_start3A_338 = tpu.memref_slice %arg4[%dma_start3A_332, %dma_start3A_337] : memref<64x1000000xf32, #tpu.memory_space<hbm>> -> memref<1x1000000xf32, #tpu.memory_space<hbm>>
    %dma_start3A_339 = tpu.memref_squeeze %dma_start3A_338 : memref<1x1000000xf32, #tpu.memory_space<hbm>> -> memref<1000000xf32, #tpu.memory_space<hbm>>
    %dma_start3A_340 = arith.constant 0 : i32
    %dma_start3A_341 = tpu.memref_slice %dma_start3A_339[%dma_start3A_340] : memref<1000000xf32, #tpu.memory_space<hbm>> -> memref<1000000xf32, #tpu.memory_space<hbm>>
    tpu.enqueue_indirect_dma source(%dma_start3A_341 : memref<1000000xf32, #tpu.memory_space<hbm>>) target(%dma_start3A_336 : memref<512xf32, #tpu.memory_space<vmem>>) offsets(%arg8 : memref<512xi32, #tpu.memory_space<vmem>>) semaphore(%arg11 : memref<!tpu.dma_semaphore, #tpu.memory_space<semaphore_mem>>)
    %dma_start3A_342 = arith.constant 17 : i32
    %dma_start3A_343 = arith.constant 17 : i32
    %dma_start3A_344 = arith.constant 0 : i32
    %dma_start3A_345 = tpu.memref_slice %arg9[%dma_start3A_343, %dma_start3A_344] : memref<64x512xf32, #tpu.memory_space<vmem>> -> memref<1x512xf32, #tpu.memory_space<vmem>>
    %dma_start3A_346 = tpu.memref_squeeze %dma_start3A_345 : memref<1x512xf32, #tpu.memory_space<vmem>> -> memref<512xf32, #tpu.memory_space<vmem>>
    %dma_start3A_347 = arith.constant 0 : i32
    %dma_start3A_348 = tpu.memref_slice %arg4[%dma_start3A_342, %dma_start3A_347] : memref<64x1000000xf32, #tpu.memory_space<hbm>> -> memref<1x1000000xf32, #tpu.memory_space<hbm>>
    %dma_start3A_349 = tpu.memref_squeeze %dma_start3A_348 : memref<1x1000000xf32, #tpu.memory_space<hbm>> -> memref<1000000xf32, #tpu.memory_space<hbm>>
    %dma_start3A_350 = arith.constant 0 : i32
    %dma_start3A_351 = tpu.memref_slice %dma_start3A_349[%dma_start3A_350] : memref<1000000xf32, #tpu.memory_space<hbm>> -> memref<1000000xf32, #tpu.memory_space<hbm>>
    tpu.enqueue_indirect_dma source(%dma_start3A_351 : memref<1000000xf32, #tpu.memory_space<hbm>>) target(%dma_start3A_346 : memref<512xf32, #tpu.memory_space<vmem>>) offsets(%arg7 : memref<512xi32, #tpu.memory_space<vmem>>) semaphore(%arg11 : memref<!tpu.dma_semaphore, #tpu.memory_space<semaphore_mem>>)
    %dma_start3A_352 = arith.constant 17 : i32
    %dma_start3A_353 = arith.constant 17 : i32
    %dma_start3A_354 = arith.constant 0 : i32
    %dma_start3A_355 = tpu.memref_slice %arg10[%dma_start3A_353, %dma_start3A_354] : memref<64x512xf32, #tpu.memory_space<vmem>> -> memref<1x512xf32, #tpu.memory_space<vmem>>
    %dma_start3A_356 = tpu.memref_squeeze %dma_start3A_355 : memref<1x512xf32, #tpu.memory_space<vmem>> -> memref<512xf32, #tpu.memory_space<vmem>>
    %dma_start3A_357 = arith.constant 0 : i32
    %dma_start3A_358 = tpu.memref_slice %arg4[%dma_start3A_352, %dma_start3A_357] : memref<64x1000000xf32, #tpu.memory_space<hbm>> -> memref<1x1000000xf32, #tpu.memory_space<hbm>>
    %dma_start3A_359 = tpu.memref_squeeze %dma_start3A_358 : memref<1x1000000xf32, #tpu.memory_space<hbm>> -> memref<1000000xf32, #tpu.memory_space<hbm>>
    %dma_start3A_360 = arith.constant 0 : i32
    %dma_start3A_361 = tpu.memref_slice %dma_start3A_359[%dma_start3A_360] : memref<1000000xf32, #tpu.memory_space<hbm>> -> memref<1000000xf32, #tpu.memory_space<hbm>>
    tpu.enqueue_indirect_dma source(%dma_start3A_361 : memref<1000000xf32, #tpu.memory_space<hbm>>) target(%dma_start3A_356 : memref<512xf32, #tpu.memory_space<vmem>>) offsets(%arg8 : memref<512xi32, #tpu.memory_space<vmem>>) semaphore(%arg11 : memref<!tpu.dma_semaphore, #tpu.memory_space<semaphore_mem>>)
    %dma_start3A_362 = arith.constant 18 : i32
    %dma_start3A_363 = arith.constant 18 : i32
    %dma_start3A_364 = arith.constant 0 : i32
    %dma_start3A_365 = tpu.memref_slice %arg9[%dma_start3A_363, %dma_start3A_364] : memref<64x512xf32, #tpu.memory_space<vmem>> -> memref<1x512xf32, #tpu.memory_space<vmem>>
    %dma_start3A_366 = tpu.memref_squeeze %dma_start3A_365 : memref<1x512xf32, #tpu.memory_space<vmem>> -> memref<512xf32, #tpu.memory_space<vmem>>
    %dma_start3A_367 = arith.constant 0 : i32
    %dma_start3A_368 = tpu.memref_slice %arg4[%dma_start3A_362, %dma_start3A_367] : memref<64x1000000xf32, #tpu.memory_space<hbm>> -> memref<1x1000000xf32, #tpu.memory_space<hbm>>
    %dma_start3A_369 = tpu.memref_squeeze %dma_start3A_368 : memref<1x1000000xf32, #tpu.memory_space<hbm>> -> memref<1000000xf32, #tpu.memory_space<hbm>>
    %dma_start3A_370 = arith.constant 0 : i32
    %dma_start3A_371 = tpu.memref_slice %dma_start3A_369[%dma_start3A_370] : memref<1000000xf32, #tpu.memory_space<hbm>> -> memref<1000000xf32, #tpu.memory_space<hbm>>
    tpu.enqueue_indirect_dma source(%dma_start3A_371 : memref<1000000xf32, #tpu.memory_space<hbm>>) target(%dma_start3A_366 : memref<512xf32, #tpu.memory_space<vmem>>) offsets(%arg7 : memref<512xi32, #tpu.memory_space<vmem>>) semaphore(%arg11 : memref<!tpu.dma_semaphore, #tpu.memory_space<semaphore_mem>>)
    %dma_start3A_372 = arith.constant 18 : i32
    %dma_start3A_373 = arith.constant 18 : i32
    %dma_start3A_374 = arith.constant 0 : i32
    %dma_start3A_375 = tpu.memref_slice %arg10[%dma_start3A_373, %dma_start3A_374] : memref<64x512xf32, #tpu.memory_space<vmem>> -> memref<1x512xf32, #tpu.memory_space<vmem>>
    %dma_start3A_376 = tpu.memref_squeeze %dma_start3A_375 : memref<1x512xf32, #tpu.memory_space<vmem>> -> memref<512xf32, #tpu.memory_space<vmem>>
    %dma_start3A_377 = arith.constant 0 : i32
    %dma_start3A_378 = tpu.memref_slice %arg4[%dma_start3A_372, %dma_start3A_377] : memref<64x1000000xf32, #tpu.memory_space<hbm>> -> memref<1x1000000xf32, #tpu.memory_space<hbm>>
    %dma_start3A_379 = tpu.memref_squeeze %dma_start3A_378 : memref<1x1000000xf32, #tpu.memory_space<hbm>> -> memref<1000000xf32, #tpu.memory_space<hbm>>
    %dma_start3A_380 = arith.constant 0 : i32
    %dma_start3A_381 = tpu.memref_slice %dma_start3A_379[%dma_start3A_380] : memref<1000000xf32, #tpu.memory_space<hbm>> -> memref<1000000xf32, #tpu.memory_space<hbm>>
    tpu.enqueue_indirect_dma source(%dma_start3A_381 : memref<1000000xf32, #tpu.memory_space<hbm>>) target(%dma_start3A_376 : memref<512xf32, #tpu.memory_space<vmem>>) offsets(%arg8 : memref<512xi32, #tpu.memory_space<vmem>>) semaphore(%arg11 : memref<!tpu.dma_semaphore, #tpu.memory_space<semaphore_mem>>)
    %dma_start3A_382 = arith.constant 19 : i32
    %dma_start3A_383 = arith.constant 19 : i32
    %dma_start3A_384 = arith.constant 0 : i32
    %dma_start3A_385 = tpu.memref_slice %arg9[%dma_start3A_383, %dma_start3A_384] : memref<64x512xf32, #tpu.memory_space<vmem>> -> memref<1x512xf32, #tpu.memory_space<vmem>>
    %dma_start3A_386 = tpu.memref_squeeze %dma_start3A_385 : memref<1x512xf32, #tpu.memory_space<vmem>> -> memref<512xf32, #tpu.memory_space<vmem>>
    %dma_start3A_387 = arith.constant 0 : i32
    %dma_start3A_388 = tpu.memref_slice %arg4[%dma_start3A_382, %dma_start3A_387] : memref<64x1000000xf32, #tpu.memory_space<hbm>> -> memref<1x1000000xf32, #tpu.memory_space<hbm>>
    %dma_start3A_389 = tpu.memref_squeeze %dma_start3A_388 : memref<1x1000000xf32, #tpu.memory_space<hbm>> -> memref<1000000xf32, #tpu.memory_space<hbm>>
    %dma_start3A_390 = arith.constant 0 : i32
    %dma_start3A_391 = tpu.memref_slice %dma_start3A_389[%dma_start3A_390] : memref<1000000xf32, #tpu.memory_space<hbm>> -> memref<1000000xf32, #tpu.memory_space<hbm>>
    tpu.enqueue_indirect_dma source(%dma_start3A_391 : memref<1000000xf32, #tpu.memory_space<hbm>>) target(%dma_start3A_386 : memref<512xf32, #tpu.memory_space<vmem>>) offsets(%arg7 : memref<512xi32, #tpu.memory_space<vmem>>) semaphore(%arg11 : memref<!tpu.dma_semaphore, #tpu.memory_space<semaphore_mem>>)
    %dma_start3A_392 = arith.constant 19 : i32
    %dma_start3A_393 = arith.constant 19 : i32
    %dma_start3A_394 = arith.constant 0 : i32
    %dma_start3A_395 = tpu.memref_slice %arg10[%dma_start3A_393, %dma_start3A_394] : memref<64x512xf32, #tpu.memory_space<vmem>> -> memref<1x512xf32, #tpu.memory_space<vmem>>
    %dma_start3A_396 = tpu.memref_squeeze %dma_start3A_395 : memref<1x512xf32, #tpu.memory_space<vmem>> -> memref<512xf32, #tpu.memory_space<vmem>>
    %dma_start3A_397 = arith.constant 0 : i32
    %dma_start3A_398 = tpu.memref_slice %arg4[%dma_start3A_392, %dma_start3A_397] : memref<64x1000000xf32, #tpu.memory_space<hbm>> -> memref<1x1000000xf32, #tpu.memory_space<hbm>>
    %dma_start3A_399 = tpu.memref_squeeze %dma_start3A_398 : memref<1x1000000xf32, #tpu.memory_space<hbm>> -> memref<1000000xf32, #tpu.memory_space<hbm>>
    %dma_start3A_400 = arith.constant 0 : i32
    %dma_start3A_401 = tpu.memref_slice %dma_start3A_399[%dma_start3A_400] : memref<1000000xf32, #tpu.memory_space<hbm>> -> memref<1000000xf32, #tpu.memory_space<hbm>>
    tpu.enqueue_indirect_dma source(%dma_start3A_401 : memref<1000000xf32, #tpu.memory_space<hbm>>) target(%dma_start3A_396 : memref<512xf32, #tpu.memory_space<vmem>>) offsets(%arg8 : memref<512xi32, #tpu.memory_space<vmem>>) semaphore(%arg11 : memref<!tpu.dma_semaphore, #tpu.memory_space<semaphore_mem>>)
    %dma_start3A_402 = arith.constant 20 : i32
    %dma_start3A_403 = arith.constant 20 : i32
    %dma_start3A_404 = arith.constant 0 : i32
    %dma_start3A_405 = tpu.memref_slice %arg9[%dma_start3A_403, %dma_start3A_404] : memref<64x512xf32, #tpu.memory_space<vmem>> -> memref<1x512xf32, #tpu.memory_space<vmem>>
    %dma_start3A_406 = tpu.memref_squeeze %dma_start3A_405 : memref<1x512xf32, #tpu.memory_space<vmem>> -> memref<512xf32, #tpu.memory_space<vmem>>
    %dma_start3A_407 = arith.constant 0 : i32
    %dma_start3A_408 = tpu.memref_slice %arg4[%dma_start3A_402, %dma_start3A_407] : memref<64x1000000xf32, #tpu.memory_space<hbm>> -> memref<1x1000000xf32, #tpu.memory_space<hbm>>
    %dma_start3A_409 = tpu.memref_squeeze %dma_start3A_408 : memref<1x1000000xf32, #tpu.memory_space<hbm>> -> memref<1000000xf32, #tpu.memory_space<hbm>>
    %dma_start3A_410 = arith.constant 0 : i32
    %dma_start3A_411 = tpu.memref_slice %dma_start3A_409[%dma_start3A_410] : memref<1000000xf32, #tpu.memory_space<hbm>> -> memref<1000000xf32, #tpu.memory_space<hbm>>
    tpu.enqueue_indirect_dma source(%dma_start3A_411 : memref<1000000xf32, #tpu.memory_space<hbm>>) target(%dma_start3A_406 : memref<512xf32, #tpu.memory_space<vmem>>) offsets(%arg7 : memref<512xi32, #tpu.memory_space<vmem>>) semaphore(%arg11 : memref<!tpu.dma_semaphore, #tpu.memory_space<semaphore_mem>>)
    %dma_start3A_412 = arith.constant 20 : i32
    %dma_start3A_413 = arith.constant 20 : i32
    %dma_start3A_414 = arith.constant 0 : i32
    %dma_start3A_415 = tpu.memref_slice %arg10[%dma_start3A_413, %dma_start3A_414] : memref<64x512xf32, #tpu.memory_space<vmem>> -> memref<1x512xf32, #tpu.memory_space<vmem>>
    %dma_start3A_416 = tpu.memref_squeeze %dma_start3A_415 : memref<1x512xf32, #tpu.memory_space<vmem>> -> memref<512xf32, #tpu.memory_space<vmem>>
    %dma_start3A_417 = arith.constant 0 : i32
    %dma_start3A_418 = tpu.memref_slice %arg4[%dma_start3A_412, %dma_start3A_417] : memref<64x1000000xf32, #tpu.memory_space<hbm>> -> memref<1x1000000xf32, #tpu.memory_space<hbm>>
    %dma_start3A_419 = tpu.memref_squeeze %dma_start3A_418 : memref<1x1000000xf32, #tpu.memory_space<hbm>> -> memref<1000000xf32, #tpu.memory_space<hbm>>
    %dma_start3A_420 = arith.constant 0 : i32
    %dma_start3A_421 = tpu.memref_slice %dma_start3A_419[%dma_start3A_420] : memref<1000000xf32, #tpu.memory_space<hbm>> -> memref<1000000xf32, #tpu.memory_space<hbm>>
    tpu.enqueue_indirect_dma source(%dma_start3A_421 : memref<1000000xf32, #tpu.memory_space<hbm>>) target(%dma_start3A_416 : memref<512xf32, #tpu.memory_space<vmem>>) offsets(%arg8 : memref<512xi32, #tpu.memory_space<vmem>>) semaphore(%arg11 : memref<!tpu.dma_semaphore, #tpu.memory_space<semaphore_mem>>)
    %dma_start3A_422 = arith.constant 21 : i32
    %dma_start3A_423 = arith.constant 21 : i32
    %dma_start3A_424 = arith.constant 0 : i32
    %dma_start3A_425 = tpu.memref_slice %arg9[%dma_start3A_423, %dma_start3A_424] : memref<64x512xf32, #tpu.memory_space<vmem>> -> memref<1x512xf32, #tpu.memory_space<vmem>>
    %dma_start3A_426 = tpu.memref_squeeze %dma_start3A_425 : memref<1x512xf32, #tpu.memory_space<vmem>> -> memref<512xf32, #tpu.memory_space<vmem>>
    %dma_start3A_427 = arith.constant 0 : i32
    %dma_start3A_428 = tpu.memref_slice %arg4[%dma_start3A_422, %dma_start3A_427] : memref<64x1000000xf32, #tpu.memory_space<hbm>> -> memref<1x1000000xf32, #tpu.memory_space<hbm>>
    %dma_start3A_429 = tpu.memref_squeeze %dma_start3A_428 : memref<1x1000000xf32, #tpu.memory_space<hbm>> -> memref<1000000xf32, #tpu.memory_space<hbm>>
    %dma_start3A_430 = arith.constant 0 : i32
    %dma_start3A_431 = tpu.memref_slice %dma_start3A_429[%dma_start3A_430] : memref<1000000xf32, #tpu.memory_space<hbm>> -> memref<1000000xf32, #tpu.memory_space<hbm>>
    tpu.enqueue_indirect_dma source(%dma_start3A_431 : memref<1000000xf32, #tpu.memory_space<hbm>>) target(%dma_start3A_426 : memref<512xf32, #tpu.memory_space<vmem>>) offsets(%arg7 : memref<512xi32, #tpu.memory_space<vmem>>) semaphore(%arg11 : memref<!tpu.dma_semaphore, #tpu.memory_space<semaphore_mem>>)
    %dma_start3A_432 = arith.constant 21 : i32
    %dma_start3A_433 = arith.constant 21 : i32
    %dma_start3A_434 = arith.constant 0 : i32
    %dma_start3A_435 = tpu.memref_slice %arg10[%dma_start3A_433, %dma_start3A_434] : memref<64x512xf32, #tpu.memory_space<vmem>> -> memref<1x512xf32, #tpu.memory_space<vmem>>
    %dma_start3A_436 = tpu.memref_squeeze %dma_start3A_435 : memref<1x512xf32, #tpu.memory_space<vmem>> -> memref<512xf32, #tpu.memory_space<vmem>>
    %dma_start3A_437 = arith.constant 0 : i32
    %dma_start3A_438 = tpu.memref_slice %arg4[%dma_start3A_432, %dma_start3A_437] : memref<64x1000000xf32, #tpu.memory_space<hbm>> -> memref<1x1000000xf32, #tpu.memory_space<hbm>>
    %dma_start3A_439 = tpu.memref_squeeze %dma_start3A_438 : memref<1x1000000xf32, #tpu.memory_space<hbm>> -> memref<1000000xf32, #tpu.memory_space<hbm>>
    %dma_start3A_440 = arith.constant 0 : i32
    %dma_start3A_441 = tpu.memref_slice %dma_start3A_439[%dma_start3A_440] : memref<1000000xf32, #tpu.memory_space<hbm>> -> memref<1000000xf32, #tpu.memory_space<hbm>>
    tpu.enqueue_indirect_dma source(%dma_start3A_441 : memref<1000000xf32, #tpu.memory_space<hbm>>) target(%dma_start3A_436 : memref<512xf32, #tpu.memory_space<vmem>>) offsets(%arg8 : memref<512xi32, #tpu.memory_space<vmem>>) semaphore(%arg11 : memref<!tpu.dma_semaphore, #tpu.memory_space<semaphore_mem>>)
    %dma_start3A_442 = arith.constant 22 : i32
    %dma_start3A_443 = arith.constant 22 : i32
    %dma_start3A_444 = arith.constant 0 : i32
    %dma_start3A_445 = tpu.memref_slice %arg9[%dma_start3A_443, %dma_start3A_444] : memref<64x512xf32, #tpu.memory_space<vmem>> -> memref<1x512xf32, #tpu.memory_space<vmem>>
    %dma_start3A_446 = tpu.memref_squeeze %dma_start3A_445 : memref<1x512xf32, #tpu.memory_space<vmem>> -> memref<512xf32, #tpu.memory_space<vmem>>
    %dma_start3A_447 = arith.constant 0 : i32
    %dma_start3A_448 = tpu.memref_slice %arg4[%dma_start3A_442, %dma_start3A_447] : memref<64x1000000xf32, #tpu.memory_space<hbm>> -> memref<1x1000000xf32, #tpu.memory_space<hbm>>
    %dma_start3A_449 = tpu.memref_squeeze %dma_start3A_448 : memref<1x1000000xf32, #tpu.memory_space<hbm>> -> memref<1000000xf32, #tpu.memory_space<hbm>>
    %dma_start3A_450 = arith.constant 0 : i32
    %dma_start3A_451 = tpu.memref_slice %dma_start3A_449[%dma_start3A_450] : memref<1000000xf32, #tpu.memory_space<hbm>> -> memref<1000000xf32, #tpu.memory_space<hbm>>
    tpu.enqueue_indirect_dma source(%dma_start3A_451 : memref<1000000xf32, #tpu.memory_space<hbm>>) target(%dma_start3A_446 : memref<512xf32, #tpu.memory_space<vmem>>) offsets(%arg7 : memref<512xi32, #tpu.memory_space<vmem>>) semaphore(%arg11 : memref<!tpu.dma_semaphore, #tpu.memory_space<semaphore_mem>>)
    %dma_start3A_452 = arith.constant 22 : i32
    %dma_start3A_453 = arith.constant 22 : i32
    %dma_start3A_454 = arith.constant 0 : i32
    %dma_start3A_455 = tpu.memref_slice %arg10[%dma_start3A_453, %dma_start3A_454] : memref<64x512xf32, #tpu.memory_space<vmem>> -> memref<1x512xf32, #tpu.memory_space<vmem>>
    %dma_start3A_456 = tpu.memref_squeeze %dma_start3A_455 : memref<1x512xf32, #tpu.memory_space<vmem>> -> memref<512xf32, #tpu.memory_space<vmem>>
    %dma_start3A_457 = arith.constant 0 : i32
    %dma_start3A_458 = tpu.memref_slice %arg4[%dma_start3A_452, %dma_start3A_457] : memref<64x1000000xf32, #tpu.memory_space<hbm>> -> memref<1x1000000xf32, #tpu.memory_space<hbm>>
    %dma_start3A_459 = tpu.memref_squeeze %dma_start3A_458 : memref<1x1000000xf32, #tpu.memory_space<hbm>> -> memref<1000000xf32, #tpu.memory_space<hbm>>
    %dma_start3A_460 = arith.constant 0 : i32
    %dma_start3A_461 = tpu.memref_slice %dma_start3A_459[%dma_start3A_460] : memref<1000000xf32, #tpu.memory_space<hbm>> -> memref<1000000xf32, #tpu.memory_space<hbm>>
    tpu.enqueue_indirect_dma source(%dma_start3A_461 : memref<1000000xf32, #tpu.memory_space<hbm>>) target(%dma_start3A_456 : memref<512xf32, #tpu.memory_space<vmem>>) offsets(%arg8 : memref<512xi32, #tpu.memory_space<vmem>>) semaphore(%arg11 : memref<!tpu.dma_semaphore, #tpu.memory_space<semaphore_mem>>)
    %dma_start3A_462 = arith.constant 23 : i32
    %dma_start3A_463 = arith.constant 23 : i32
    %dma_start3A_464 = arith.constant 0 : i32
    %dma_start3A_465 = tpu.memref_slice %arg9[%dma_start3A_463, %dma_start3A_464] : memref<64x512xf32, #tpu.memory_space<vmem>> -> memref<1x512xf32, #tpu.memory_space<vmem>>
    %dma_start3A_466 = tpu.memref_squeeze %dma_start3A_465 : memref<1x512xf32, #tpu.memory_space<vmem>> -> memref<512xf32, #tpu.memory_space<vmem>>
    %dma_start3A_467 = arith.constant 0 : i32
    %dma_start3A_468 = tpu.memref_slice %arg4[%dma_start3A_462, %dma_start3A_467] : memref<64x1000000xf32, #tpu.memory_space<hbm>> -> memref<1x1000000xf32, #tpu.memory_space<hbm>>
    %dma_start3A_469 = tpu.memref_squeeze %dma_start3A_468 : memref<1x1000000xf32, #tpu.memory_space<hbm>> -> memref<1000000xf32, #tpu.memory_space<hbm>>
    %dma_start3A_470 = arith.constant 0 : i32
    %dma_start3A_471 = tpu.memref_slice %dma_start3A_469[%dma_start3A_470] : memref<1000000xf32, #tpu.memory_space<hbm>> -> memref<1000000xf32, #tpu.memory_space<hbm>>
    tpu.enqueue_indirect_dma source(%dma_start3A_471 : memref<1000000xf32, #tpu.memory_space<hbm>>) target(%dma_start3A_466 : memref<512xf32, #tpu.memory_space<vmem>>) offsets(%arg7 : memref<512xi32, #tpu.memory_space<vmem>>) semaphore(%arg11 : memref<!tpu.dma_semaphore, #tpu.memory_space<semaphore_mem>>)
    %dma_start3A_472 = arith.constant 23 : i32
    %dma_start3A_473 = arith.constant 23 : i32
    %dma_start3A_474 = arith.constant 0 : i32
    %dma_start3A_475 = tpu.memref_slice %arg10[%dma_start3A_473, %dma_start3A_474] : memref<64x512xf32, #tpu.memory_space<vmem>> -> memref<1x512xf32, #tpu.memory_space<vmem>>
    %dma_start3A_476 = tpu.memref_squeeze %dma_start3A_475 : memref<1x512xf32, #tpu.memory_space<vmem>> -> memref<512xf32, #tpu.memory_space<vmem>>
    %dma_start3A_477 = arith.constant 0 : i32
    %dma_start3A_478 = tpu.memref_slice %arg4[%dma_start3A_472, %dma_start3A_477] : memref<64x1000000xf32, #tpu.memory_space<hbm>> -> memref<1x1000000xf32, #tpu.memory_space<hbm>>
    %dma_start3A_479 = tpu.memref_squeeze %dma_start3A_478 : memref<1x1000000xf32, #tpu.memory_space<hbm>> -> memref<1000000xf32, #tpu.memory_space<hbm>>
    %dma_start3A_480 = arith.constant 0 : i32
    %dma_start3A_481 = tpu.memref_slice %dma_start3A_479[%dma_start3A_480] : memref<1000000xf32, #tpu.memory_space<hbm>> -> memref<1000000xf32, #tpu.memory_space<hbm>>
    tpu.enqueue_indirect_dma source(%dma_start3A_481 : memref<1000000xf32, #tpu.memory_space<hbm>>) target(%dma_start3A_476 : memref<512xf32, #tpu.memory_space<vmem>>) offsets(%arg8 : memref<512xi32, #tpu.memory_space<vmem>>) semaphore(%arg11 : memref<!tpu.dma_semaphore, #tpu.memory_space<semaphore_mem>>)
    %dma_start3A_482 = arith.constant 24 : i32
    %dma_start3A_483 = arith.constant 24 : i32
    %dma_start3A_484 = arith.constant 0 : i32
    %dma_start3A_485 = tpu.memref_slice %arg9[%dma_start3A_483, %dma_start3A_484] : memref<64x512xf32, #tpu.memory_space<vmem>> -> memref<1x512xf32, #tpu.memory_space<vmem>>
    %dma_start3A_486 = tpu.memref_squeeze %dma_start3A_485 : memref<1x512xf32, #tpu.memory_space<vmem>> -> memref<512xf32, #tpu.memory_space<vmem>>
    %dma_start3A_487 = arith.constant 0 : i32
    %dma_start3A_488 = tpu.memref_slice %arg4[%dma_start3A_482, %dma_start3A_487] : memref<64x1000000xf32, #tpu.memory_space<hbm>> -> memref<1x1000000xf32, #tpu.memory_space<hbm>>
    %dma_start3A_489 = tpu.memref_squeeze %dma_start3A_488 : memref<1x1000000xf32, #tpu.memory_space<hbm>> -> memref<1000000xf32, #tpu.memory_space<hbm>>
    %dma_start3A_490 = arith.constant 0 : i32
    %dma_start3A_491 = tpu.memref_slice %dma_start3A_489[%dma_start3A_490] : memref<1000000xf32, #tpu.memory_space<hbm>> -> memref<1000000xf32, #tpu.memory_space<hbm>>
    tpu.enqueue_indirect_dma source(%dma_start3A_491 : memref<1000000xf32, #tpu.memory_space<hbm>>) target(%dma_start3A_486 : memref<512xf32, #tpu.memory_space<vmem>>) offsets(%arg7 : memref<512xi32, #tpu.memory_space<vmem>>) semaphore(%arg11 : memref<!tpu.dma_semaphore, #tpu.memory_space<semaphore_mem>>)
    %dma_start3A_492 = arith.constant 24 : i32
    %dma_start3A_493 = arith.constant 24 : i32
    %dma_start3A_494 = arith.constant 0 : i32
    %dma_start3A_495 = tpu.memref_slice %arg10[%dma_start3A_493, %dma_start3A_494] : memref<64x512xf32, #tpu.memory_space<vmem>> -> memref<1x512xf32, #tpu.memory_space<vmem>>
    %dma_start3A_496 = tpu.memref_squeeze %dma_start3A_495 : memref<1x512xf32, #tpu.memory_space<vmem>> -> memref<512xf32, #tpu.memory_space<vmem>>
    %dma_start3A_497 = arith.constant 0 : i32
    %dma_start3A_498 = tpu.memref_slice %arg4[%dma_start3A_492, %dma_start3A_497] : memref<64x1000000xf32, #tpu.memory_space<hbm>> -> memref<1x1000000xf32, #tpu.memory_space<hbm>>
    %dma_start3A_499 = tpu.memref_squeeze %dma_start3A_498 : memref<1x1000000xf32, #tpu.memory_space<hbm>> -> memref<1000000xf32, #tpu.memory_space<hbm>>
    %dma_start3A_500 = arith.constant 0 : i32
    %dma_start3A_501 = tpu.memref_slice %dma_start3A_499[%dma_start3A_500] : memref<1000000xf32, #tpu.memory_space<hbm>> -> memref<1000000xf32, #tpu.memory_space<hbm>>
    tpu.enqueue_indirect_dma source(%dma_start3A_501 : memref<1000000xf32, #tpu.memory_space<hbm>>) target(%dma_start3A_496 : memref<512xf32, #tpu.memory_space<vmem>>) offsets(%arg8 : memref<512xi32, #tpu.memory_space<vmem>>) semaphore(%arg11 : memref<!tpu.dma_semaphore, #tpu.memory_space<semaphore_mem>>)
    %dma_start3A_502 = arith.constant 25 : i32
    %dma_start3A_503 = arith.constant 25 : i32
    %dma_start3A_504 = arith.constant 0 : i32
    %dma_start3A_505 = tpu.memref_slice %arg9[%dma_start3A_503, %dma_start3A_504] : memref<64x512xf32, #tpu.memory_space<vmem>> -> memref<1x512xf32, #tpu.memory_space<vmem>>
    %dma_start3A_506 = tpu.memref_squeeze %dma_start3A_505 : memref<1x512xf32, #tpu.memory_space<vmem>> -> memref<512xf32, #tpu.memory_space<vmem>>
    %dma_start3A_507 = arith.constant 0 : i32
    %dma_start3A_508 = tpu.memref_slice %arg4[%dma_start3A_502, %dma_start3A_507] : memref<64x1000000xf32, #tpu.memory_space<hbm>> -> memref<1x1000000xf32, #tpu.memory_space<hbm>>
    %dma_start3A_509 = tpu.memref_squeeze %dma_start3A_508 : memref<1x1000000xf32, #tpu.memory_space<hbm>> -> memref<1000000xf32, #tpu.memory_space<hbm>>
    %dma_start3A_510 = arith.constant 0 : i32
    %dma_start3A_511 = tpu.memref_slice %dma_start3A_509[%dma_start3A_510] : memref<1000000xf32, #tpu.memory_space<hbm>> -> memref<1000000xf32, #tpu.memory_space<hbm>>
    tpu.enqueue_indirect_dma source(%dma_start3A_511 : memref<1000000xf32, #tpu.memory_space<hbm>>) target(%dma_start3A_506 : memref<512xf32, #tpu.memory_space<vmem>>) offsets(%arg7 : memref<512xi32, #tpu.memory_space<vmem>>) semaphore(%arg11 : memref<!tpu.dma_semaphore, #tpu.memory_space<semaphore_mem>>)
    %dma_start3A_512 = arith.constant 25 : i32
    %dma_start3A_513 = arith.constant 25 : i32
    %dma_start3A_514 = arith.constant 0 : i32
    %dma_start3A_515 = tpu.memref_slice %arg10[%dma_start3A_513, %dma_start3A_514] : memref<64x512xf32, #tpu.memory_space<vmem>> -> memref<1x512xf32, #tpu.memory_space<vmem>>
    %dma_start3A_516 = tpu.memref_squeeze %dma_start3A_515 : memref<1x512xf32, #tpu.memory_space<vmem>> -> memref<512xf32, #tpu.memory_space<vmem>>
    %dma_start3A_517 = arith.constant 0 : i32
    %dma_start3A_518 = tpu.memref_slice %arg4[%dma_start3A_512, %dma_start3A_517] : memref<64x1000000xf32, #tpu.memory_space<hbm>> -> memref<1x1000000xf32, #tpu.memory_space<hbm>>
    %dma_start3A_519 = tpu.memref_squeeze %dma_start3A_518 : memref<1x1000000xf32, #tpu.memory_space<hbm>> -> memref<1000000xf32, #tpu.memory_space<hbm>>
    %dma_start3A_520 = arith.constant 0 : i32
    %dma_start3A_521 = tpu.memref_slice %dma_start3A_519[%dma_start3A_520] : memref<1000000xf32, #tpu.memory_space<hbm>> -> memref<1000000xf32, #tpu.memory_space<hbm>>
    tpu.enqueue_indirect_dma source(%dma_start3A_521 : memref<1000000xf32, #tpu.memory_space<hbm>>) target(%dma_start3A_516 : memref<512xf32, #tpu.memory_space<vmem>>) offsets(%arg8 : memref<512xi32, #tpu.memory_space<vmem>>) semaphore(%arg11 : memref<!tpu.dma_semaphore, #tpu.memory_space<semaphore_mem>>)
    %dma_start3A_522 = arith.constant 26 : i32
    %dma_start3A_523 = arith.constant 26 : i32
    %dma_start3A_524 = arith.constant 0 : i32
    %dma_start3A_525 = tpu.memref_slice %arg9[%dma_start3A_523, %dma_start3A_524] : memref<64x512xf32, #tpu.memory_space<vmem>> -> memref<1x512xf32, #tpu.memory_space<vmem>>
    %dma_start3A_526 = tpu.memref_squeeze %dma_start3A_525 : memref<1x512xf32, #tpu.memory_space<vmem>> -> memref<512xf32, #tpu.memory_space<vmem>>
    %dma_start3A_527 = arith.constant 0 : i32
    %dma_start3A_528 = tpu.memref_slice %arg4[%dma_start3A_522, %dma_start3A_527] : memref<64x1000000xf32, #tpu.memory_space<hbm>> -> memref<1x1000000xf32, #tpu.memory_space<hbm>>
    %dma_start3A_529 = tpu.memref_squeeze %dma_start3A_528 : memref<1x1000000xf32, #tpu.memory_space<hbm>> -> memref<1000000xf32, #tpu.memory_space<hbm>>
    %dma_start3A_530 = arith.constant 0 : i32
    %dma_start3A_531 = tpu.memref_slice %dma_start3A_529[%dma_start3A_530] : memref<1000000xf32, #tpu.memory_space<hbm>> -> memref<1000000xf32, #tpu.memory_space<hbm>>
    tpu.enqueue_indirect_dma source(%dma_start3A_531 : memref<1000000xf32, #tpu.memory_space<hbm>>) target(%dma_start3A_526 : memref<512xf32, #tpu.memory_space<vmem>>) offsets(%arg7 : memref<512xi32, #tpu.memory_space<vmem>>) semaphore(%arg11 : memref<!tpu.dma_semaphore, #tpu.memory_space<semaphore_mem>>)
    %dma_start3A_532 = arith.constant 26 : i32
    %dma_start3A_533 = arith.constant 26 : i32
    %dma_start3A_534 = arith.constant 0 : i32
    %dma_start3A_535 = tpu.memref_slice %arg10[%dma_start3A_533, %dma_start3A_534] : memref<64x512xf32, #tpu.memory_space<vmem>> -> memref<1x512xf32, #tpu.memory_space<vmem>>
    %dma_start3A_536 = tpu.memref_squeeze %dma_start3A_535 : memref<1x512xf32, #tpu.memory_space<vmem>> -> memref<512xf32, #tpu.memory_space<vmem>>
    %dma_start3A_537 = arith.constant 0 : i32
    %dma_start3A_538 = tpu.memref_slice %arg4[%dma_start3A_532, %dma_start3A_537] : memref<64x1000000xf32, #tpu.memory_space<hbm>> -> memref<1x1000000xf32, #tpu.memory_space<hbm>>
    %dma_start3A_539 = tpu.memref_squeeze %dma_start3A_538 : memref<1x1000000xf32, #tpu.memory_space<hbm>> -> memref<1000000xf32, #tpu.memory_space<hbm>>
    %dma_start3A_540 = arith.constant 0 : i32
    %dma_start3A_541 = tpu.memref_slice %dma_start3A_539[%dma_start3A_540] : memref<1000000xf32, #tpu.memory_space<hbm>> -> memref<1000000xf32, #tpu.memory_space<hbm>>
    tpu.enqueue_indirect_dma source(%dma_start3A_541 : memref<1000000xf32, #tpu.memory_space<hbm>>) target(%dma_start3A_536 : memref<512xf32, #tpu.memory_space<vmem>>) offsets(%arg8 : memref<512xi32, #tpu.memory_space<vmem>>) semaphore(%arg11 : memref<!tpu.dma_semaphore, #tpu.memory_space<semaphore_mem>>)
    %dma_start3A_542 = arith.constant 27 : i32
    %dma_start3A_543 = arith.constant 27 : i32
    %dma_start3A_544 = arith.constant 0 : i32
    %dma_start3A_545 = tpu.memref_slice %arg9[%dma_start3A_543, %dma_start3A_544] : memref<64x512xf32, #tpu.memory_space<vmem>> -> memref<1x512xf32, #tpu.memory_space<vmem>>
    %dma_start3A_546 = tpu.memref_squeeze %dma_start3A_545 : memref<1x512xf32, #tpu.memory_space<vmem>> -> memref<512xf32, #tpu.memory_space<vmem>>
    %dma_start3A_547 = arith.constant 0 : i32
    %dma_start3A_548 = tpu.memref_slice %arg4[%dma_start3A_542, %dma_start3A_547] : memref<64x1000000xf32, #tpu.memory_space<hbm>> -> memref<1x1000000xf32, #tpu.memory_space<hbm>>
    %dma_start3A_549 = tpu.memref_squeeze %dma_start3A_548 : memref<1x1000000xf32, #tpu.memory_space<hbm>> -> memref<1000000xf32, #tpu.memory_space<hbm>>
    %dma_start3A_550 = arith.constant 0 : i32
    %dma_start3A_551 = tpu.memref_slice %dma_start3A_549[%dma_start3A_550] : memref<1000000xf32, #tpu.memory_space<hbm>> -> memref<1000000xf32, #tpu.memory_space<hbm>>
    tpu.enqueue_indirect_dma source(%dma_start3A_551 : memref<1000000xf32, #tpu.memory_space<hbm>>) target(%dma_start3A_546 : memref<512xf32, #tpu.memory_space<vmem>>) offsets(%arg7 : memref<512xi32, #tpu.memory_space<vmem>>) semaphore(%arg11 : memref<!tpu.dma_semaphore, #tpu.memory_space<semaphore_mem>>)
    %dma_start3A_552 = arith.constant 27 : i32
    %dma_start3A_553 = arith.constant 27 : i32
    %dma_start3A_554 = arith.constant 0 : i32
    %dma_start3A_555 = tpu.memref_slice %arg10[%dma_start3A_553, %dma_start3A_554] : memref<64x512xf32, #tpu.memory_space<vmem>> -> memref<1x512xf32, #tpu.memory_space<vmem>>
    %dma_start3A_556 = tpu.memref_squeeze %dma_start3A_555 : memref<1x512xf32, #tpu.memory_space<vmem>> -> memref<512xf32, #tpu.memory_space<vmem>>
    %dma_start3A_557 = arith.constant 0 : i32
    %dma_start3A_558 = tpu.memref_slice %arg4[%dma_start3A_552, %dma_start3A_557] : memref<64x1000000xf32, #tpu.memory_space<hbm>> -> memref<1x1000000xf32, #tpu.memory_space<hbm>>
    %dma_start3A_559 = tpu.memref_squeeze %dma_start3A_558 : memref<1x1000000xf32, #tpu.memory_space<hbm>> -> memref<1000000xf32, #tpu.memory_space<hbm>>
    %dma_start3A_560 = arith.constant 0 : i32
    %dma_start3A_561 = tpu.memref_slice %dma_start3A_559[%dma_start3A_560] : memref<1000000xf32, #tpu.memory_space<hbm>> -> memref<1000000xf32, #tpu.memory_space<hbm>>
    tpu.enqueue_indirect_dma source(%dma_start3A_561 : memref<1000000xf32, #tpu.memory_space<hbm>>) target(%dma_start3A_556 : memref<512xf32, #tpu.memory_space<vmem>>) offsets(%arg8 : memref<512xi32, #tpu.memory_space<vmem>>) semaphore(%arg11 : memref<!tpu.dma_semaphore, #tpu.memory_space<semaphore_mem>>)
    %dma_start3A_562 = arith.constant 28 : i32
    %dma_start3A_563 = arith.constant 28 : i32
    %dma_start3A_564 = arith.constant 0 : i32
    %dma_start3A_565 = tpu.memref_slice %arg9[%dma_start3A_563, %dma_start3A_564] : memref<64x512xf32, #tpu.memory_space<vmem>> -> memref<1x512xf32, #tpu.memory_space<vmem>>
    %dma_start3A_566 = tpu.memref_squeeze %dma_start3A_565 : memref<1x512xf32, #tpu.memory_space<vmem>> -> memref<512xf32, #tpu.memory_space<vmem>>
    %dma_start3A_567 = arith.constant 0 : i32
    %dma_start3A_568 = tpu.memref_slice %arg4[%dma_start3A_562, %dma_start3A_567] : memref<64x1000000xf32, #tpu.memory_space<hbm>> -> memref<1x1000000xf32, #tpu.memory_space<hbm>>
    %dma_start3A_569 = tpu.memref_squeeze %dma_start3A_568 : memref<1x1000000xf32, #tpu.memory_space<hbm>> -> memref<1000000xf32, #tpu.memory_space<hbm>>
    %dma_start3A_570 = arith.constant 0 : i32
    %dma_start3A_571 = tpu.memref_slice %dma_start3A_569[%dma_start3A_570] : memref<1000000xf32, #tpu.memory_space<hbm>> -> memref<1000000xf32, #tpu.memory_space<hbm>>
    tpu.enqueue_indirect_dma source(%dma_start3A_571 : memref<1000000xf32, #tpu.memory_space<hbm>>) target(%dma_start3A_566 : memref<512xf32, #tpu.memory_space<vmem>>) offsets(%arg7 : memref<512xi32, #tpu.memory_space<vmem>>) semaphore(%arg11 : memref<!tpu.dma_semaphore, #tpu.memory_space<semaphore_mem>>)
    %dma_start3A_572 = arith.constant 28 : i32
    %dma_start3A_573 = arith.constant 28 : i32
    %dma_start3A_574 = arith.constant 0 : i32
    %dma_start3A_575 = tpu.memref_slice %arg10[%dma_start3A_573, %dma_start3A_574] : memref<64x512xf32, #tpu.memory_space<vmem>> -> memref<1x512xf32, #tpu.memory_space<vmem>>
    %dma_start3A_576 = tpu.memref_squeeze %dma_start3A_575 : memref<1x512xf32, #tpu.memory_space<vmem>> -> memref<512xf32, #tpu.memory_space<vmem>>
    %dma_start3A_577 = arith.constant 0 : i32
    %dma_start3A_578 = tpu.memref_slice %arg4[%dma_start3A_572, %dma_start3A_577] : memref<64x1000000xf32, #tpu.memory_space<hbm>> -> memref<1x1000000xf32, #tpu.memory_space<hbm>>
    %dma_start3A_579 = tpu.memref_squeeze %dma_start3A_578 : memref<1x1000000xf32, #tpu.memory_space<hbm>> -> memref<1000000xf32, #tpu.memory_space<hbm>>
    %dma_start3A_580 = arith.constant 0 : i32
    %dma_start3A_581 = tpu.memref_slice %dma_start3A_579[%dma_start3A_580] : memref<1000000xf32, #tpu.memory_space<hbm>> -> memref<1000000xf32, #tpu.memory_space<hbm>>
    tpu.enqueue_indirect_dma source(%dma_start3A_581 : memref<1000000xf32, #tpu.memory_space<hbm>>) target(%dma_start3A_576 : memref<512xf32, #tpu.memory_space<vmem>>) offsets(%arg8 : memref<512xi32, #tpu.memory_space<vmem>>) semaphore(%arg11 : memref<!tpu.dma_semaphore, #tpu.memory_space<semaphore_mem>>)
    %dma_start3A_582 = arith.constant 29 : i32
    %dma_start3A_583 = arith.constant 29 : i32
    %dma_start3A_584 = arith.constant 0 : i32
    %dma_start3A_585 = tpu.memref_slice %arg9[%dma_start3A_583, %dma_start3A_584] : memref<64x512xf32, #tpu.memory_space<vmem>> -> memref<1x512xf32, #tpu.memory_space<vmem>>
    %dma_start3A_586 = tpu.memref_squeeze %dma_start3A_585 : memref<1x512xf32, #tpu.memory_space<vmem>> -> memref<512xf32, #tpu.memory_space<vmem>>
    %dma_start3A_587 = arith.constant 0 : i32
    %dma_start3A_588 = tpu.memref_slice %arg4[%dma_start3A_582, %dma_start3A_587] : memref<64x1000000xf32, #tpu.memory_space<hbm>> -> memref<1x1000000xf32, #tpu.memory_space<hbm>>
    %dma_start3A_589 = tpu.memref_squeeze %dma_start3A_588 : memref<1x1000000xf32, #tpu.memory_space<hbm>> -> memref<1000000xf32, #tpu.memory_space<hbm>>
    %dma_start3A_590 = arith.constant 0 : i32
    %dma_start3A_591 = tpu.memref_slice %dma_start3A_589[%dma_start3A_590] : memref<1000000xf32, #tpu.memory_space<hbm>> -> memref<1000000xf32, #tpu.memory_space<hbm>>
    tpu.enqueue_indirect_dma source(%dma_start3A_591 : memref<1000000xf32, #tpu.memory_space<hbm>>) target(%dma_start3A_586 : memref<512xf32, #tpu.memory_space<vmem>>) offsets(%arg7 : memref<512xi32, #tpu.memory_space<vmem>>) semaphore(%arg11 : memref<!tpu.dma_semaphore, #tpu.memory_space<semaphore_mem>>)
    %dma_start3A_592 = arith.constant 29 : i32
    %dma_start3A_593 = arith.constant 29 : i32
    %dma_start3A_594 = arith.constant 0 : i32
    %dma_start3A_595 = tpu.memref_slice %arg10[%dma_start3A_593, %dma_start3A_594] : memref<64x512xf32, #tpu.memory_space<vmem>> -> memref<1x512xf32, #tpu.memory_space<vmem>>
    %dma_start3A_596 = tpu.memref_squeeze %dma_start3A_595 : memref<1x512xf32, #tpu.memory_space<vmem>> -> memref<512xf32, #tpu.memory_space<vmem>>
    %dma_start3A_597 = arith.constant 0 : i32
    %dma_start3A_598 = tpu.memref_slice %arg4[%dma_start3A_592, %dma_start3A_597] : memref<64x1000000xf32, #tpu.memory_space<hbm>> -> memref<1x1000000xf32, #tpu.memory_space<hbm>>
    %dma_start3A_599 = tpu.memref_squeeze %dma_start3A_598 : memref<1x1000000xf32, #tpu.memory_space<hbm>> -> memref<1000000xf32, #tpu.memory_space<hbm>>
    %dma_start3A_600 = arith.constant 0 : i32
    %dma_start3A_601 = tpu.memref_slice %dma_start3A_599[%dma_start3A_600] : memref<1000000xf32, #tpu.memory_space<hbm>> -> memref<1000000xf32, #tpu.memory_space<hbm>>
    tpu.enqueue_indirect_dma source(%dma_start3A_601 : memref<1000000xf32, #tpu.memory_space<hbm>>) target(%dma_start3A_596 : memref<512xf32, #tpu.memory_space<vmem>>) offsets(%arg8 : memref<512xi32, #tpu.memory_space<vmem>>) semaphore(%arg11 : memref<!tpu.dma_semaphore, #tpu.memory_space<semaphore_mem>>)
    %dma_start3A_602 = arith.constant 30 : i32
    %dma_start3A_603 = arith.constant 30 : i32
    %dma_start3A_604 = arith.constant 0 : i32
    %dma_start3A_605 = tpu.memref_slice %arg9[%dma_start3A_603, %dma_start3A_604] : memref<64x512xf32, #tpu.memory_space<vmem>> -> memref<1x512xf32, #tpu.memory_space<vmem>>
    %dma_start3A_606 = tpu.memref_squeeze %dma_start3A_605 : memref<1x512xf32, #tpu.memory_space<vmem>> -> memref<512xf32, #tpu.memory_space<vmem>>
    %dma_start3A_607 = arith.constant 0 : i32
    %dma_start3A_608 = tpu.memref_slice %arg4[%dma_start3A_602, %dma_start3A_607] : memref<64x1000000xf32, #tpu.memory_space<hbm>> -> memref<1x1000000xf32, #tpu.memory_space<hbm>>
    %dma_start3A_609 = tpu.memref_squeeze %dma_start3A_608 : memref<1x1000000xf32, #tpu.memory_space<hbm>> -> memref<1000000xf32, #tpu.memory_space<hbm>>
    %dma_start3A_610 = arith.constant 0 : i32
    %dma_start3A_611 = tpu.memref_slice %dma_start3A_609[%dma_start3A_610] : memref<1000000xf32, #tpu.memory_space<hbm>> -> memref<1000000xf32, #tpu.memory_space<hbm>>
    tpu.enqueue_indirect_dma source(%dma_start3A_611 : memref<1000000xf32, #tpu.memory_space<hbm>>) target(%dma_start3A_606 : memref<512xf32, #tpu.memory_space<vmem>>) offsets(%arg7 : memref<512xi32, #tpu.memory_space<vmem>>) semaphore(%arg11 : memref<!tpu.dma_semaphore, #tpu.memory_space<semaphore_mem>>)
    %dma_start3A_612 = arith.constant 30 : i32
    %dma_start3A_613 = arith.constant 30 : i32
    %dma_start3A_614 = arith.constant 0 : i32
    %dma_start3A_615 = tpu.memref_slice %arg10[%dma_start3A_613, %dma_start3A_614] : memref<64x512xf32, #tpu.memory_space<vmem>> -> memref<1x512xf32, #tpu.memory_space<vmem>>
    %dma_start3A_616 = tpu.memref_squeeze %dma_start3A_615 : memref<1x512xf32, #tpu.memory_space<vmem>> -> memref<512xf32, #tpu.memory_space<vmem>>
    %dma_start3A_617 = arith.constant 0 : i32
    %dma_start3A_618 = tpu.memref_slice %arg4[%dma_start3A_612, %dma_start3A_617] : memref<64x1000000xf32, #tpu.memory_space<hbm>> -> memref<1x1000000xf32, #tpu.memory_space<hbm>>
    %dma_start3A_619 = tpu.memref_squeeze %dma_start3A_618 : memref<1x1000000xf32, #tpu.memory_space<hbm>> -> memref<1000000xf32, #tpu.memory_space<hbm>>
    %dma_start3A_620 = arith.constant 0 : i32
    %dma_start3A_621 = tpu.memref_slice %dma_start3A_619[%dma_start3A_620] : memref<1000000xf32, #tpu.memory_space<hbm>> -> memref<1000000xf32, #tpu.memory_space<hbm>>
    tpu.enqueue_indirect_dma source(%dma_start3A_621 : memref<1000000xf32, #tpu.memory_space<hbm>>) target(%dma_start3A_616 : memref<512xf32, #tpu.memory_space<vmem>>) offsets(%arg8 : memref<512xi32, #tpu.memory_space<vmem>>) semaphore(%arg11 : memref<!tpu.dma_semaphore, #tpu.memory_space<semaphore_mem>>)
    %dma_start3A_622 = arith.constant 31 : i32
    %dma_start3A_623 = arith.constant 31 : i32
    %dma_start3A_624 = arith.constant 0 : i32
    %dma_start3A_625 = tpu.memref_slice %arg9[%dma_start3A_623, %dma_start3A_624] : memref<64x512xf32, #tpu.memory_space<vmem>> -> memref<1x512xf32, #tpu.memory_space<vmem>>
    %dma_start3A_626 = tpu.memref_squeeze %dma_start3A_625 : memref<1x512xf32, #tpu.memory_space<vmem>> -> memref<512xf32, #tpu.memory_space<vmem>>
    %dma_start3A_627 = arith.constant 0 : i32
    %dma_start3A_628 = tpu.memref_slice %arg4[%dma_start3A_622, %dma_start3A_627] : memref<64x1000000xf32, #tpu.memory_space<hbm>> -> memref<1x1000000xf32, #tpu.memory_space<hbm>>
    %dma_start3A_629 = tpu.memref_squeeze %dma_start3A_628 : memref<1x1000000xf32, #tpu.memory_space<hbm>> -> memref<1000000xf32, #tpu.memory_space<hbm>>
    %dma_start3A_630 = arith.constant 0 : i32
    %dma_start3A_631 = tpu.memref_slice %dma_start3A_629[%dma_start3A_630] : memref<1000000xf32, #tpu.memory_space<hbm>> -> memref<1000000xf32, #tpu.memory_space<hbm>>
    tpu.enqueue_indirect_dma source(%dma_start3A_631 : memref<1000000xf32, #tpu.memory_space<hbm>>) target(%dma_start3A_626 : memref<512xf32, #tpu.memory_space<vmem>>) offsets(%arg7 : memref<512xi32, #tpu.memory_space<vmem>>) semaphore(%arg11 : memref<!tpu.dma_semaphore, #tpu.memory_space<semaphore_mem>>)
    %dma_start3A_632 = arith.constant 31 : i32
    %dma_start3A_633 = arith.constant 31 : i32
    %dma_start3A_634 = arith.constant 0 : i32
    %dma_start3A_635 = tpu.memref_slice %arg10[%dma_start3A_633, %dma_start3A_634] : memref<64x512xf32, #tpu.memory_space<vmem>> -> memref<1x512xf32, #tpu.memory_space<vmem>>
    %dma_start3A_636 = tpu.memref_squeeze %dma_start3A_635 : memref<1x512xf32, #tpu.memory_space<vmem>> -> memref<512xf32, #tpu.memory_space<vmem>>
    %dma_start3A_637 = arith.constant 0 : i32
    %dma_start3A_638 = tpu.memref_slice %arg4[%dma_start3A_632, %dma_start3A_637] : memref<64x1000000xf32, #tpu.memory_space<hbm>> -> memref<1x1000000xf32, #tpu.memory_space<hbm>>
    %dma_start3A_639 = tpu.memref_squeeze %dma_start3A_638 : memref<1x1000000xf32, #tpu.memory_space<hbm>> -> memref<1000000xf32, #tpu.memory_space<hbm>>
    %dma_start3A_640 = arith.constant 0 : i32
    %dma_start3A_641 = tpu.memref_slice %dma_start3A_639[%dma_start3A_640] : memref<1000000xf32, #tpu.memory_space<hbm>> -> memref<1000000xf32, #tpu.memory_space<hbm>>
    tpu.enqueue_indirect_dma source(%dma_start3A_641 : memref<1000000xf32, #tpu.memory_space<hbm>>) target(%dma_start3A_636 : memref<512xf32, #tpu.memory_space<vmem>>) offsets(%arg8 : memref<512xi32, #tpu.memory_space<vmem>>) semaphore(%arg11 : memref<!tpu.dma_semaphore, #tpu.memory_space<semaphore_mem>>)
    %dma_start3A_642 = arith.constant 32 : i32
    %dma_start3A_643 = arith.constant 32 : i32
    %dma_start3A_644 = arith.constant 0 : i32
    %dma_start3A_645 = tpu.memref_slice %arg9[%dma_start3A_643, %dma_start3A_644] : memref<64x512xf32, #tpu.memory_space<vmem>> -> memref<1x512xf32, #tpu.memory_space<vmem>>
    %dma_start3A_646 = tpu.memref_squeeze %dma_start3A_645 : memref<1x512xf32, #tpu.memory_space<vmem>> -> memref<512xf32, #tpu.memory_space<vmem>>
    %dma_start3A_647 = arith.constant 0 : i32
    %dma_start3A_648 = tpu.memref_slice %arg4[%dma_start3A_642, %dma_start3A_647] : memref<64x1000000xf32, #tpu.memory_space<hbm>> -> memref<1x1000000xf32, #tpu.memory_space<hbm>>
    %dma_start3A_649 = tpu.memref_squeeze %dma_start3A_648 : memref<1x1000000xf32, #tpu.memory_space<hbm>> -> memref<1000000xf32, #tpu.memory_space<hbm>>
    %dma_start3A_650 = arith.constant 0 : i32
    %dma_start3A_651 = tpu.memref_slice %dma_start3A_649[%dma_start3A_650] : memref<1000000xf32, #tpu.memory_space<hbm>> -> memref<1000000xf32, #tpu.memory_space<hbm>>
    tpu.enqueue_indirect_dma source(%dma_start3A_651 : memref<1000000xf32, #tpu.memory_space<hbm>>) target(%dma_start3A_646 : memref<512xf32, #tpu.memory_space<vmem>>) offsets(%arg7 : memref<512xi32, #tpu.memory_space<vmem>>) semaphore(%arg11 : memref<!tpu.dma_semaphore, #tpu.memory_space<semaphore_mem>>)
    %dma_start3A_652 = arith.constant 32 : i32
    %dma_start3A_653 = arith.constant 32 : i32
    %dma_start3A_654 = arith.constant 0 : i32
    %dma_start3A_655 = tpu.memref_slice %arg10[%dma_start3A_653, %dma_start3A_654] : memref<64x512xf32, #tpu.memory_space<vmem>> -> memref<1x512xf32, #tpu.memory_space<vmem>>
    %dma_start3A_656 = tpu.memref_squeeze %dma_start3A_655 : memref<1x512xf32, #tpu.memory_space<vmem>> -> memref<512xf32, #tpu.memory_space<vmem>>
    %dma_start3A_657 = arith.constant 0 : i32
    %dma_start3A_658 = tpu.memref_slice %arg4[%dma_start3A_652, %dma_start3A_657] : memref<64x1000000xf32, #tpu.memory_space<hbm>> -> memref<1x1000000xf32, #tpu.memory_space<hbm>>
    %dma_start3A_659 = tpu.memref_squeeze %dma_start3A_658 : memref<1x1000000xf32, #tpu.memory_space<hbm>> -> memref<1000000xf32, #tpu.memory_space<hbm>>
    %dma_start3A_660 = arith.constant 0 : i32
    %dma_start3A_661 = tpu.memref_slice %dma_start3A_659[%dma_start3A_660] : memref<1000000xf32, #tpu.memory_space<hbm>> -> memref<1000000xf32, #tpu.memory_space<hbm>>
    tpu.enqueue_indirect_dma source(%dma_start3A_661 : memref<1000000xf32, #tpu.memory_space<hbm>>) target(%dma_start3A_656 : memref<512xf32, #tpu.memory_space<vmem>>) offsets(%arg8 : memref<512xi32, #tpu.memory_space<vmem>>) semaphore(%arg11 : memref<!tpu.dma_semaphore, #tpu.memory_space<semaphore_mem>>)
    %dma_start3A_662 = arith.constant 33 : i32
    %dma_start3A_663 = arith.constant 33 : i32
    %dma_start3A_664 = arith.constant 0 : i32
    %dma_start3A_665 = tpu.memref_slice %arg9[%dma_start3A_663, %dma_start3A_664] : memref<64x512xf32, #tpu.memory_space<vmem>> -> memref<1x512xf32, #tpu.memory_space<vmem>>
    %dma_start3A_666 = tpu.memref_squeeze %dma_start3A_665 : memref<1x512xf32, #tpu.memory_space<vmem>> -> memref<512xf32, #tpu.memory_space<vmem>>
    %dma_start3A_667 = arith.constant 0 : i32
    %dma_start3A_668 = tpu.memref_slice %arg4[%dma_start3A_662, %dma_start3A_667] : memref<64x1000000xf32, #tpu.memory_space<hbm>> -> memref<1x1000000xf32, #tpu.memory_space<hbm>>
    %dma_start3A_669 = tpu.memref_squeeze %dma_start3A_668 : memref<1x1000000xf32, #tpu.memory_space<hbm>> -> memref<1000000xf32, #tpu.memory_space<hbm>>
    %dma_start3A_670 = arith.constant 0 : i32
    %dma_start3A_671 = tpu.memref_slice %dma_start3A_669[%dma_start3A_670] : memref<1000000xf32, #tpu.memory_space<hbm>> -> memref<1000000xf32, #tpu.memory_space<hbm>>
    tpu.enqueue_indirect_dma source(%dma_start3A_671 : memref<1000000xf32, #tpu.memory_space<hbm>>) target(%dma_start3A_666 : memref<512xf32, #tpu.memory_space<vmem>>) offsets(%arg7 : memref<512xi32, #tpu.memory_space<vmem>>) semaphore(%arg11 : memref<!tpu.dma_semaphore, #tpu.memory_space<semaphore_mem>>)
    %dma_start3A_672 = arith.constant 33 : i32
    %dma_start3A_673 = arith.constant 33 : i32
    %dma_start3A_674 = arith.constant 0 : i32
    %dma_start3A_675 = tpu.memref_slice %arg10[%dma_start3A_673, %dma_start3A_674] : memref<64x512xf32, #tpu.memory_space<vmem>> -> memref<1x512xf32, #tpu.memory_space<vmem>>
    %dma_start3A_676 = tpu.memref_squeeze %dma_start3A_675 : memref<1x512xf32, #tpu.memory_space<vmem>> -> memref<512xf32, #tpu.memory_space<vmem>>
    %dma_start3A_677 = arith.constant 0 : i32
    %dma_start3A_678 = tpu.memref_slice %arg4[%dma_start3A_672, %dma_start3A_677] : memref<64x1000000xf32, #tpu.memory_space<hbm>> -> memref<1x1000000xf32, #tpu.memory_space<hbm>>
    %dma_start3A_679 = tpu.memref_squeeze %dma_start3A_678 : memref<1x1000000xf32, #tpu.memory_space<hbm>> -> memref<1000000xf32, #tpu.memory_space<hbm>>
    %dma_start3A_680 = arith.constant 0 : i32
    %dma_start3A_681 = tpu.memref_slice %dma_start3A_679[%dma_start3A_680] : memref<1000000xf32, #tpu.memory_space<hbm>> -> memref<1000000xf32, #tpu.memory_space<hbm>>
    tpu.enqueue_indirect_dma source(%dma_start3A_681 : memref<1000000xf32, #tpu.memory_space<hbm>>) target(%dma_start3A_676 : memref<512xf32, #tpu.memory_space<vmem>>) offsets(%arg8 : memref<512xi32, #tpu.memory_space<vmem>>) semaphore(%arg11 : memref<!tpu.dma_semaphore, #tpu.memory_space<semaphore_mem>>)
    %dma_start3A_682 = arith.constant 34 : i32
    %dma_start3A_683 = arith.constant 34 : i32
    %dma_start3A_684 = arith.constant 0 : i32
    %dma_start3A_685 = tpu.memref_slice %arg9[%dma_start3A_683, %dma_start3A_684] : memref<64x512xf32, #tpu.memory_space<vmem>> -> memref<1x512xf32, #tpu.memory_space<vmem>>
    %dma_start3A_686 = tpu.memref_squeeze %dma_start3A_685 : memref<1x512xf32, #tpu.memory_space<vmem>> -> memref<512xf32, #tpu.memory_space<vmem>>
    %dma_start3A_687 = arith.constant 0 : i32
    %dma_start3A_688 = tpu.memref_slice %arg4[%dma_start3A_682, %dma_start3A_687] : memref<64x1000000xf32, #tpu.memory_space<hbm>> -> memref<1x1000000xf32, #tpu.memory_space<hbm>>
    %dma_start3A_689 = tpu.memref_squeeze %dma_start3A_688 : memref<1x1000000xf32, #tpu.memory_space<hbm>> -> memref<1000000xf32, #tpu.memory_space<hbm>>
    %dma_start3A_690 = arith.constant 0 : i32
    %dma_start3A_691 = tpu.memref_slice %dma_start3A_689[%dma_start3A_690] : memref<1000000xf32, #tpu.memory_space<hbm>> -> memref<1000000xf32, #tpu.memory_space<hbm>>
    tpu.enqueue_indirect_dma source(%dma_start3A_691 : memref<1000000xf32, #tpu.memory_space<hbm>>) target(%dma_start3A_686 : memref<512xf32, #tpu.memory_space<vmem>>) offsets(%arg7 : memref<512xi32, #tpu.memory_space<vmem>>) semaphore(%arg11 : memref<!tpu.dma_semaphore, #tpu.memory_space<semaphore_mem>>)
    %dma_start3A_692 = arith.constant 34 : i32
    %dma_start3A_693 = arith.constant 34 : i32
    %dma_start3A_694 = arith.constant 0 : i32
    %dma_start3A_695 = tpu.memref_slice %arg10[%dma_start3A_693, %dma_start3A_694] : memref<64x512xf32, #tpu.memory_space<vmem>> -> memref<1x512xf32, #tpu.memory_space<vmem>>
    %dma_start3A_696 = tpu.memref_squeeze %dma_start3A_695 : memref<1x512xf32, #tpu.memory_space<vmem>> -> memref<512xf32, #tpu.memory_space<vmem>>
    %dma_start3A_697 = arith.constant 0 : i32
    %dma_start3A_698 = tpu.memref_slice %arg4[%dma_start3A_692, %dma_start3A_697] : memref<64x1000000xf32, #tpu.memory_space<hbm>> -> memref<1x1000000xf32, #tpu.memory_space<hbm>>
    %dma_start3A_699 = tpu.memref_squeeze %dma_start3A_698 : memref<1x1000000xf32, #tpu.memory_space<hbm>> -> memref<1000000xf32, #tpu.memory_space<hbm>>
    %dma_start3A_700 = arith.constant 0 : i32
    %dma_start3A_701 = tpu.memref_slice %dma_start3A_699[%dma_start3A_700] : memref<1000000xf32, #tpu.memory_space<hbm>> -> memref<1000000xf32, #tpu.memory_space<hbm>>
    tpu.enqueue_indirect_dma source(%dma_start3A_701 : memref<1000000xf32, #tpu.memory_space<hbm>>) target(%dma_start3A_696 : memref<512xf32, #tpu.memory_space<vmem>>) offsets(%arg8 : memref<512xi32, #tpu.memory_space<vmem>>) semaphore(%arg11 : memref<!tpu.dma_semaphore, #tpu.memory_space<semaphore_mem>>)
    %dma_start3A_702 = arith.constant 35 : i32
    %dma_start3A_703 = arith.constant 35 : i32
    %dma_start3A_704 = arith.constant 0 : i32
    %dma_start3A_705 = tpu.memref_slice %arg9[%dma_start3A_703, %dma_start3A_704] : memref<64x512xf32, #tpu.memory_space<vmem>> -> memref<1x512xf32, #tpu.memory_space<vmem>>
    %dma_start3A_706 = tpu.memref_squeeze %dma_start3A_705 : memref<1x512xf32, #tpu.memory_space<vmem>> -> memref<512xf32, #tpu.memory_space<vmem>>
    %dma_start3A_707 = arith.constant 0 : i32
    %dma_start3A_708 = tpu.memref_slice %arg4[%dma_start3A_702, %dma_start3A_707] : memref<64x1000000xf32, #tpu.memory_space<hbm>> -> memref<1x1000000xf32, #tpu.memory_space<hbm>>
    %dma_start3A_709 = tpu.memref_squeeze %dma_start3A_708 : memref<1x1000000xf32, #tpu.memory_space<hbm>> -> memref<1000000xf32, #tpu.memory_space<hbm>>
    %dma_start3A_710 = arith.constant 0 : i32
    %dma_start3A_711 = tpu.memref_slice %dma_start3A_709[%dma_start3A_710] : memref<1000000xf32, #tpu.memory_space<hbm>> -> memref<1000000xf32, #tpu.memory_space<hbm>>
    tpu.enqueue_indirect_dma source(%dma_start3A_711 : memref<1000000xf32, #tpu.memory_space<hbm>>) target(%dma_start3A_706 : memref<512xf32, #tpu.memory_space<vmem>>) offsets(%arg7 : memref<512xi32, #tpu.memory_space<vmem>>) semaphore(%arg11 : memref<!tpu.dma_semaphore, #tpu.memory_space<semaphore_mem>>)
    %dma_start3A_712 = arith.constant 35 : i32
    %dma_start3A_713 = arith.constant 35 : i32
    %dma_start3A_714 = arith.constant 0 : i32
    %dma_start3A_715 = tpu.memref_slice %arg10[%dma_start3A_713, %dma_start3A_714] : memref<64x512xf32, #tpu.memory_space<vmem>> -> memref<1x512xf32, #tpu.memory_space<vmem>>
    %dma_start3A_716 = tpu.memref_squeeze %dma_start3A_715 : memref<1x512xf32, #tpu.memory_space<vmem>> -> memref<512xf32, #tpu.memory_space<vmem>>
    %dma_start3A_717 = arith.constant 0 : i32
    %dma_start3A_718 = tpu.memref_slice %arg4[%dma_start3A_712, %dma_start3A_717] : memref<64x1000000xf32, #tpu.memory_space<hbm>> -> memref<1x1000000xf32, #tpu.memory_space<hbm>>
    %dma_start3A_719 = tpu.memref_squeeze %dma_start3A_718 : memref<1x1000000xf32, #tpu.memory_space<hbm>> -> memref<1000000xf32, #tpu.memory_space<hbm>>
    %dma_start3A_720 = arith.constant 0 : i32
    %dma_start3A_721 = tpu.memref_slice %dma_start3A_719[%dma_start3A_720] : memref<1000000xf32, #tpu.memory_space<hbm>> -> memref<1000000xf32, #tpu.memory_space<hbm>>
    tpu.enqueue_indirect_dma source(%dma_start3A_721 : memref<1000000xf32, #tpu.memory_space<hbm>>) target(%dma_start3A_716 : memref<512xf32, #tpu.memory_space<vmem>>) offsets(%arg8 : memref<512xi32, #tpu.memory_space<vmem>>) semaphore(%arg11 : memref<!tpu.dma_semaphore, #tpu.memory_space<semaphore_mem>>)
    %dma_start3A_722 = arith.constant 36 : i32
    %dma_start3A_723 = arith.constant 36 : i32
    %dma_start3A_724 = arith.constant 0 : i32
    %dma_start3A_725 = tpu.memref_slice %arg9[%dma_start3A_723, %dma_start3A_724] : memref<64x512xf32, #tpu.memory_space<vmem>> -> memref<1x512xf32, #tpu.memory_space<vmem>>
    %dma_start3A_726 = tpu.memref_squeeze %dma_start3A_725 : memref<1x512xf32, #tpu.memory_space<vmem>> -> memref<512xf32, #tpu.memory_space<vmem>>
    %dma_start3A_727 = arith.constant 0 : i32
    %dma_start3A_728 = tpu.memref_slice %arg4[%dma_start3A_722, %dma_start3A_727] : memref<64x1000000xf32, #tpu.memory_space<hbm>> -> memref<1x1000000xf32, #tpu.memory_space<hbm>>
    %dma_start3A_729 = tpu.memref_squeeze %dma_start3A_728 : memref<1x1000000xf32, #tpu.memory_space<hbm>> -> memref<1000000xf32, #tpu.memory_space<hbm>>
    %dma_start3A_730 = arith.constant 0 : i32
    %dma_start3A_731 = tpu.memref_slice %dma_start3A_729[%dma_start3A_730] : memref<1000000xf32, #tpu.memory_space<hbm>> -> memref<1000000xf32, #tpu.memory_space<hbm>>
    tpu.enqueue_indirect_dma source(%dma_start3A_731 : memref<1000000xf32, #tpu.memory_space<hbm>>) target(%dma_start3A_726 : memref<512xf32, #tpu.memory_space<vmem>>) offsets(%arg7 : memref<512xi32, #tpu.memory_space<vmem>>) semaphore(%arg11 : memref<!tpu.dma_semaphore, #tpu.memory_space<semaphore_mem>>)
    %dma_start3A_732 = arith.constant 36 : i32
    %dma_start3A_733 = arith.constant 36 : i32
    %dma_start3A_734 = arith.constant 0 : i32
    %dma_start3A_735 = tpu.memref_slice %arg10[%dma_start3A_733, %dma_start3A_734] : memref<64x512xf32, #tpu.memory_space<vmem>> -> memref<1x512xf32, #tpu.memory_space<vmem>>
    %dma_start3A_736 = tpu.memref_squeeze %dma_start3A_735 : memref<1x512xf32, #tpu.memory_space<vmem>> -> memref<512xf32, #tpu.memory_space<vmem>>
    %dma_start3A_737 = arith.constant 0 : i32
    %dma_start3A_738 = tpu.memref_slice %arg4[%dma_start3A_732, %dma_start3A_737] : memref<64x1000000xf32, #tpu.memory_space<hbm>> -> memref<1x1000000xf32, #tpu.memory_space<hbm>>
    %dma_start3A_739 = tpu.memref_squeeze %dma_start3A_738 : memref<1x1000000xf32, #tpu.memory_space<hbm>> -> memref<1000000xf32, #tpu.memory_space<hbm>>
    %dma_start3A_740 = arith.constant 0 : i32
    %dma_start3A_741 = tpu.memref_slice %dma_start3A_739[%dma_start3A_740] : memref<1000000xf32, #tpu.memory_space<hbm>> -> memref<1000000xf32, #tpu.memory_space<hbm>>
    tpu.enqueue_indirect_dma source(%dma_start3A_741 : memref<1000000xf32, #tpu.memory_space<hbm>>) target(%dma_start3A_736 : memref<512xf32, #tpu.memory_space<vmem>>) offsets(%arg8 : memref<512xi32, #tpu.memory_space<vmem>>) semaphore(%arg11 : memref<!tpu.dma_semaphore, #tpu.memory_space<semaphore_mem>>)
    %dma_start3A_742 = arith.constant 37 : i32
    %dma_start3A_743 = arith.constant 37 : i32
    %dma_start3A_744 = arith.constant 0 : i32
    %dma_start3A_745 = tpu.memref_slice %arg9[%dma_start3A_743, %dma_start3A_744] : memref<64x512xf32, #tpu.memory_space<vmem>> -> memref<1x512xf32, #tpu.memory_space<vmem>>
    %dma_start3A_746 = tpu.memref_squeeze %dma_start3A_745 : memref<1x512xf32, #tpu.memory_space<vmem>> -> memref<512xf32, #tpu.memory_space<vmem>>
    %dma_start3A_747 = arith.constant 0 : i32
    %dma_start3A_748 = tpu.memref_slice %arg4[%dma_start3A_742, %dma_start3A_747] : memref<64x1000000xf32, #tpu.memory_space<hbm>> -> memref<1x1000000xf32, #tpu.memory_space<hbm>>
    %dma_start3A_749 = tpu.memref_squeeze %dma_start3A_748 : memref<1x1000000xf32, #tpu.memory_space<hbm>> -> memref<1000000xf32, #tpu.memory_space<hbm>>
    %dma_start3A_750 = arith.constant 0 : i32
    %dma_start3A_751 = tpu.memref_slice %dma_start3A_749[%dma_start3A_750] : memref<1000000xf32, #tpu.memory_space<hbm>> -> memref<1000000xf32, #tpu.memory_space<hbm>>
    tpu.enqueue_indirect_dma source(%dma_start3A_751 : memref<1000000xf32, #tpu.memory_space<hbm>>) target(%dma_start3A_746 : memref<512xf32, #tpu.memory_space<vmem>>) offsets(%arg7 : memref<512xi32, #tpu.memory_space<vmem>>) semaphore(%arg11 : memref<!tpu.dma_semaphore, #tpu.memory_space<semaphore_mem>>)
    %dma_start3A_752 = arith.constant 37 : i32
    %dma_start3A_753 = arith.constant 37 : i32
    %dma_start3A_754 = arith.constant 0 : i32
    %dma_start3A_755 = tpu.memref_slice %arg10[%dma_start3A_753, %dma_start3A_754] : memref<64x512xf32, #tpu.memory_space<vmem>> -> memref<1x512xf32, #tpu.memory_space<vmem>>
    %dma_start3A_756 = tpu.memref_squeeze %dma_start3A_755 : memref<1x512xf32, #tpu.memory_space<vmem>> -> memref<512xf32, #tpu.memory_space<vmem>>
    %dma_start3A_757 = arith.constant 0 : i32
    %dma_start3A_758 = tpu.memref_slice %arg4[%dma_start3A_752, %dma_start3A_757] : memref<64x1000000xf32, #tpu.memory_space<hbm>> -> memref<1x1000000xf32, #tpu.memory_space<hbm>>
    %dma_start3A_759 = tpu.memref_squeeze %dma_start3A_758 : memref<1x1000000xf32, #tpu.memory_space<hbm>> -> memref<1000000xf32, #tpu.memory_space<hbm>>
    %dma_start3A_760 = arith.constant 0 : i32
    %dma_start3A_761 = tpu.memref_slice %dma_start3A_759[%dma_start3A_760] : memref<1000000xf32, #tpu.memory_space<hbm>> -> memref<1000000xf32, #tpu.memory_space<hbm>>
    tpu.enqueue_indirect_dma source(%dma_start3A_761 : memref<1000000xf32, #tpu.memory_space<hbm>>) target(%dma_start3A_756 : memref<512xf32, #tpu.memory_space<vmem>>) offsets(%arg8 : memref<512xi32, #tpu.memory_space<vmem>>) semaphore(%arg11 : memref<!tpu.dma_semaphore, #tpu.memory_space<semaphore_mem>>)
    %dma_start3A_762 = arith.constant 38 : i32
    %dma_start3A_763 = arith.constant 38 : i32
    %dma_start3A_764 = arith.constant 0 : i32
    %dma_start3A_765 = tpu.memref_slice %arg9[%dma_start3A_763, %dma_start3A_764] : memref<64x512xf32, #tpu.memory_space<vmem>> -> memref<1x512xf32, #tpu.memory_space<vmem>>
    %dma_start3A_766 = tpu.memref_squeeze %dma_start3A_765 : memref<1x512xf32, #tpu.memory_space<vmem>> -> memref<512xf32, #tpu.memory_space<vmem>>
    %dma_start3A_767 = arith.constant 0 : i32
    %dma_start3A_768 = tpu.memref_slice %arg4[%dma_start3A_762, %dma_start3A_767] : memref<64x1000000xf32, #tpu.memory_space<hbm>> -> memref<1x1000000xf32, #tpu.memory_space<hbm>>
    %dma_start3A_769 = tpu.memref_squeeze %dma_start3A_768 : memref<1x1000000xf32, #tpu.memory_space<hbm>> -> memref<1000000xf32, #tpu.memory_space<hbm>>
    %dma_start3A_770 = arith.constant 0 : i32
    %dma_start3A_771 = tpu.memref_slice %dma_start3A_769[%dma_start3A_770] : memref<1000000xf32, #tpu.memory_space<hbm>> -> memref<1000000xf32, #tpu.memory_space<hbm>>
    tpu.enqueue_indirect_dma source(%dma_start3A_771 : memref<1000000xf32, #tpu.memory_space<hbm>>) target(%dma_start3A_766 : memref<512xf32, #tpu.memory_space<vmem>>) offsets(%arg7 : memref<512xi32, #tpu.memory_space<vmem>>) semaphore(%arg11 : memref<!tpu.dma_semaphore, #tpu.memory_space<semaphore_mem>>)
    %dma_start3A_772 = arith.constant 38 : i32
    %dma_start3A_773 = arith.constant 38 : i32
    %dma_start3A_774 = arith.constant 0 : i32
    %dma_start3A_775 = tpu.memref_slice %arg10[%dma_start3A_773, %dma_start3A_774] : memref<64x512xf32, #tpu.memory_space<vmem>> -> memref<1x512xf32, #tpu.memory_space<vmem>>
    %dma_start3A_776 = tpu.memref_squeeze %dma_start3A_775 : memref<1x512xf32, #tpu.memory_space<vmem>> -> memref<512xf32, #tpu.memory_space<vmem>>
    %dma_start3A_777 = arith.constant 0 : i32
    %dma_start3A_778 = tpu.memref_slice %arg4[%dma_start3A_772, %dma_start3A_777] : memref<64x1000000xf32, #tpu.memory_space<hbm>> -> memref<1x1000000xf32, #tpu.memory_space<hbm>>
    %dma_start3A_779 = tpu.memref_squeeze %dma_start3A_778 : memref<1x1000000xf32, #tpu.memory_space<hbm>> -> memref<1000000xf32, #tpu.memory_space<hbm>>
    %dma_start3A_780 = arith.constant 0 : i32
    %dma_start3A_781 = tpu.memref_slice %dma_start3A_779[%dma_start3A_780] : memref<1000000xf32, #tpu.memory_space<hbm>> -> memref<1000000xf32, #tpu.memory_space<hbm>>
    tpu.enqueue_indirect_dma source(%dma_start3A_781 : memref<1000000xf32, #tpu.memory_space<hbm>>) target(%dma_start3A_776 : memref<512xf32, #tpu.memory_space<vmem>>) offsets(%arg8 : memref<512xi32, #tpu.memory_space<vmem>>) semaphore(%arg11 : memref<!tpu.dma_semaphore, #tpu.memory_space<semaphore_mem>>)
    %dma_start3A_782 = arith.constant 39 : i32
    %dma_start3A_783 = arith.constant 39 : i32
    %dma_start3A_784 = arith.constant 0 : i32
    %dma_start3A_785 = tpu.memref_slice %arg9[%dma_start3A_783, %dma_start3A_784] : memref<64x512xf32, #tpu.memory_space<vmem>> -> memref<1x512xf32, #tpu.memory_space<vmem>>
    %dma_start3A_786 = tpu.memref_squeeze %dma_start3A_785 : memref<1x512xf32, #tpu.memory_space<vmem>> -> memref<512xf32, #tpu.memory_space<vmem>>
    %dma_start3A_787 = arith.constant 0 : i32
    %dma_start3A_788 = tpu.memref_slice %arg4[%dma_start3A_782, %dma_start3A_787] : memref<64x1000000xf32, #tpu.memory_space<hbm>> -> memref<1x1000000xf32, #tpu.memory_space<hbm>>
    %dma_start3A_789 = tpu.memref_squeeze %dma_start3A_788 : memref<1x1000000xf32, #tpu.memory_space<hbm>> -> memref<1000000xf32, #tpu.memory_space<hbm>>
    %dma_start3A_790 = arith.constant 0 : i32
    %dma_start3A_791 = tpu.memref_slice %dma_start3A_789[%dma_start3A_790] : memref<1000000xf32, #tpu.memory_space<hbm>> -> memref<1000000xf32, #tpu.memory_space<hbm>>
    tpu.enqueue_indirect_dma source(%dma_start3A_791 : memref<1000000xf32, #tpu.memory_space<hbm>>) target(%dma_start3A_786 : memref<512xf32, #tpu.memory_space<vmem>>) offsets(%arg7 : memref<512xi32, #tpu.memory_space<vmem>>) semaphore(%arg11 : memref<!tpu.dma_semaphore, #tpu.memory_space<semaphore_mem>>)
    %dma_start3A_792 = arith.constant 39 : i32
    %dma_start3A_793 = arith.constant 39 : i32
    %dma_start3A_794 = arith.constant 0 : i32
    %dma_start3A_795 = tpu.memref_slice %arg10[%dma_start3A_793, %dma_start3A_794] : memref<64x512xf32, #tpu.memory_space<vmem>> -> memref<1x512xf32, #tpu.memory_space<vmem>>
    %dma_start3A_796 = tpu.memref_squeeze %dma_start3A_795 : memref<1x512xf32, #tpu.memory_space<vmem>> -> memref<512xf32, #tpu.memory_space<vmem>>
    %dma_start3A_797 = arith.constant 0 : i32
    %dma_start3A_798 = tpu.memref_slice %arg4[%dma_start3A_792, %dma_start3A_797] : memref<64x1000000xf32, #tpu.memory_space<hbm>> -> memref<1x1000000xf32, #tpu.memory_space<hbm>>
    %dma_start3A_799 = tpu.memref_squeeze %dma_start3A_798 : memref<1x1000000xf32, #tpu.memory_space<hbm>> -> memref<1000000xf32, #tpu.memory_space<hbm>>
    %dma_start3A_800 = arith.constant 0 : i32
    %dma_start3A_801 = tpu.memref_slice %dma_start3A_799[%dma_start3A_800] : memref<1000000xf32, #tpu.memory_space<hbm>> -> memref<1000000xf32, #tpu.memory_space<hbm>>
    tpu.enqueue_indirect_dma source(%dma_start3A_801 : memref<1000000xf32, #tpu.memory_space<hbm>>) target(%dma_start3A_796 : memref<512xf32, #tpu.memory_space<vmem>>) offsets(%arg8 : memref<512xi32, #tpu.memory_space<vmem>>) semaphore(%arg11 : memref<!tpu.dma_semaphore, #tpu.memory_space<semaphore_mem>>)
    %dma_start3A_802 = arith.constant 40 : i32
    %dma_start3A_803 = arith.constant 40 : i32
    %dma_start3A_804 = arith.constant 0 : i32
    %dma_start3A_805 = tpu.memref_slice %arg9[%dma_start3A_803, %dma_start3A_804] : memref<64x512xf32, #tpu.memory_space<vmem>> -> memref<1x512xf32, #tpu.memory_space<vmem>>
    %dma_start3A_806 = tpu.memref_squeeze %dma_start3A_805 : memref<1x512xf32, #tpu.memory_space<vmem>> -> memref<512xf32, #tpu.memory_space<vmem>>
    %dma_start3A_807 = arith.constant 0 : i32
    %dma_start3A_808 = tpu.memref_slice %arg4[%dma_start3A_802, %dma_start3A_807] : memref<64x1000000xf32, #tpu.memory_space<hbm>> -> memref<1x1000000xf32, #tpu.memory_space<hbm>>
    %dma_start3A_809 = tpu.memref_squeeze %dma_start3A_808 : memref<1x1000000xf32, #tpu.memory_space<hbm>> -> memref<1000000xf32, #tpu.memory_space<hbm>>
    %dma_start3A_810 = arith.constant 0 : i32
    %dma_start3A_811 = tpu.memref_slice %dma_start3A_809[%dma_start3A_810] : memref<1000000xf32, #tpu.memory_space<hbm>> -> memref<1000000xf32, #tpu.memory_space<hbm>>
    tpu.enqueue_indirect_dma source(%dma_start3A_811 : memref<1000000xf32, #tpu.memory_space<hbm>>) target(%dma_start3A_806 : memref<512xf32, #tpu.memory_space<vmem>>) offsets(%arg7 : memref<512xi32, #tpu.memory_space<vmem>>) semaphore(%arg11 : memref<!tpu.dma_semaphore, #tpu.memory_space<semaphore_mem>>)
    %dma_start3A_812 = arith.constant 40 : i32
    %dma_start3A_813 = arith.constant 40 : i32
    %dma_start3A_814 = arith.constant 0 : i32
    %dma_start3A_815 = tpu.memref_slice %arg10[%dma_start3A_813, %dma_start3A_814] : memref<64x512xf32, #tpu.memory_space<vmem>> -> memref<1x512xf32, #tpu.memory_space<vmem>>
    %dma_start3A_816 = tpu.memref_squeeze %dma_start3A_815 : memref<1x512xf32, #tpu.memory_space<vmem>> -> memref<512xf32, #tpu.memory_space<vmem>>
    %dma_start3A_817 = arith.constant 0 : i32
    %dma_start3A_818 = tpu.memref_slice %arg4[%dma_start3A_812, %dma_start3A_817] : memref<64x1000000xf32, #tpu.memory_space<hbm>> -> memref<1x1000000xf32, #tpu.memory_space<hbm>>
    %dma_start3A_819 = tpu.memref_squeeze %dma_start3A_818 : memref<1x1000000xf32, #tpu.memory_space<hbm>> -> memref<1000000xf32, #tpu.memory_space<hbm>>
    %dma_start3A_820 = arith.constant 0 : i32
    %dma_start3A_821 = tpu.memref_slice %dma_start3A_819[%dma_start3A_820] : memref<1000000xf32, #tpu.memory_space<hbm>> -> memref<1000000xf32, #tpu.memory_space<hbm>>
    tpu.enqueue_indirect_dma source(%dma_start3A_821 : memref<1000000xf32, #tpu.memory_space<hbm>>) target(%dma_start3A_816 : memref<512xf32, #tpu.memory_space<vmem>>) offsets(%arg8 : memref<512xi32, #tpu.memory_space<vmem>>) semaphore(%arg11 : memref<!tpu.dma_semaphore, #tpu.memory_space<semaphore_mem>>)
    %dma_start3A_822 = arith.constant 41 : i32
    %dma_start3A_823 = arith.constant 41 : i32
    %dma_start3A_824 = arith.constant 0 : i32
    %dma_start3A_825 = tpu.memref_slice %arg9[%dma_start3A_823, %dma_start3A_824] : memref<64x512xf32, #tpu.memory_space<vmem>> -> memref<1x512xf32, #tpu.memory_space<vmem>>
    %dma_start3A_826 = tpu.memref_squeeze %dma_start3A_825 : memref<1x512xf32, #tpu.memory_space<vmem>> -> memref<512xf32, #tpu.memory_space<vmem>>
    %dma_start3A_827 = arith.constant 0 : i32
    %dma_start3A_828 = tpu.memref_slice %arg4[%dma_start3A_822, %dma_start3A_827] : memref<64x1000000xf32, #tpu.memory_space<hbm>> -> memref<1x1000000xf32, #tpu.memory_space<hbm>>
    %dma_start3A_829 = tpu.memref_squeeze %dma_start3A_828 : memref<1x1000000xf32, #tpu.memory_space<hbm>> -> memref<1000000xf32, #tpu.memory_space<hbm>>
    %dma_start3A_830 = arith.constant 0 : i32
    %dma_start3A_831 = tpu.memref_slice %dma_start3A_829[%dma_start3A_830] : memref<1000000xf32, #tpu.memory_space<hbm>> -> memref<1000000xf32, #tpu.memory_space<hbm>>
    tpu.enqueue_indirect_dma source(%dma_start3A_831 : memref<1000000xf32, #tpu.memory_space<hbm>>) target(%dma_start3A_826 : memref<512xf32, #tpu.memory_space<vmem>>) offsets(%arg7 : memref<512xi32, #tpu.memory_space<vmem>>) semaphore(%arg11 : memref<!tpu.dma_semaphore, #tpu.memory_space<semaphore_mem>>)
    %dma_start3A_832 = arith.constant 41 : i32
    %dma_start3A_833 = arith.constant 41 : i32
    %dma_start3A_834 = arith.constant 0 : i32
    %dma_start3A_835 = tpu.memref_slice %arg10[%dma_start3A_833, %dma_start3A_834] : memref<64x512xf32, #tpu.memory_space<vmem>> -> memref<1x512xf32, #tpu.memory_space<vmem>>
    %dma_start3A_836 = tpu.memref_squeeze %dma_start3A_835 : memref<1x512xf32, #tpu.memory_space<vmem>> -> memref<512xf32, #tpu.memory_space<vmem>>
    %dma_start3A_837 = arith.constant 0 : i32
    %dma_start3A_838 = tpu.memref_slice %arg4[%dma_start3A_832, %dma_start3A_837] : memref<64x1000000xf32, #tpu.memory_space<hbm>> -> memref<1x1000000xf32, #tpu.memory_space<hbm>>
    %dma_start3A_839 = tpu.memref_squeeze %dma_start3A_838 : memref<1x1000000xf32, #tpu.memory_space<hbm>> -> memref<1000000xf32, #tpu.memory_space<hbm>>
    %dma_start3A_840 = arith.constant 0 : i32
    %dma_start3A_841 = tpu.memref_slice %dma_start3A_839[%dma_start3A_840] : memref<1000000xf32, #tpu.memory_space<hbm>> -> memref<1000000xf32, #tpu.memory_space<hbm>>
    tpu.enqueue_indirect_dma source(%dma_start3A_841 : memref<1000000xf32, #tpu.memory_space<hbm>>) target(%dma_start3A_836 : memref<512xf32, #tpu.memory_space<vmem>>) offsets(%arg8 : memref<512xi32, #tpu.memory_space<vmem>>) semaphore(%arg11 : memref<!tpu.dma_semaphore, #tpu.memory_space<semaphore_mem>>)
    %dma_start3A_842 = arith.constant 42 : i32
    %dma_start3A_843 = arith.constant 42 : i32
    %dma_start3A_844 = arith.constant 0 : i32
    %dma_start3A_845 = tpu.memref_slice %arg9[%dma_start3A_843, %dma_start3A_844] : memref<64x512xf32, #tpu.memory_space<vmem>> -> memref<1x512xf32, #tpu.memory_space<vmem>>
    %dma_start3A_846 = tpu.memref_squeeze %dma_start3A_845 : memref<1x512xf32, #tpu.memory_space<vmem>> -> memref<512xf32, #tpu.memory_space<vmem>>
    %dma_start3A_847 = arith.constant 0 : i32
    %dma_start3A_848 = tpu.memref_slice %arg4[%dma_start3A_842, %dma_start3A_847] : memref<64x1000000xf32, #tpu.memory_space<hbm>> -> memref<1x1000000xf32, #tpu.memory_space<hbm>>
    %dma_start3A_849 = tpu.memref_squeeze %dma_start3A_848 : memref<1x1000000xf32, #tpu.memory_space<hbm>> -> memref<1000000xf32, #tpu.memory_space<hbm>>
    %dma_start3A_850 = arith.constant 0 : i32
    %dma_start3A_851 = tpu.memref_slice %dma_start3A_849[%dma_start3A_850] : memref<1000000xf32, #tpu.memory_space<hbm>> -> memref<1000000xf32, #tpu.memory_space<hbm>>
    tpu.enqueue_indirect_dma source(%dma_start3A_851 : memref<1000000xf32, #tpu.memory_space<hbm>>) target(%dma_start3A_846 : memref<512xf32, #tpu.memory_space<vmem>>) offsets(%arg7 : memref<512xi32, #tpu.memory_space<vmem>>) semaphore(%arg11 : memref<!tpu.dma_semaphore, #tpu.memory_space<semaphore_mem>>)
    %dma_start3A_852 = arith.constant 42 : i32
    %dma_start3A_853 = arith.constant 42 : i32
    %dma_start3A_854 = arith.constant 0 : i32
    %dma_start3A_855 = tpu.memref_slice %arg10[%dma_start3A_853, %dma_start3A_854] : memref<64x512xf32, #tpu.memory_space<vmem>> -> memref<1x512xf32, #tpu.memory_space<vmem>>
    %dma_start3A_856 = tpu.memref_squeeze %dma_start3A_855 : memref<1x512xf32, #tpu.memory_space<vmem>> -> memref<512xf32, #tpu.memory_space<vmem>>
    %dma_start3A_857 = arith.constant 0 : i32
    %dma_start3A_858 = tpu.memref_slice %arg4[%dma_start3A_852, %dma_start3A_857] : memref<64x1000000xf32, #tpu.memory_space<hbm>> -> memref<1x1000000xf32, #tpu.memory_space<hbm>>
    %dma_start3A_859 = tpu.memref_squeeze %dma_start3A_858 : memref<1x1000000xf32, #tpu.memory_space<hbm>> -> memref<1000000xf32, #tpu.memory_space<hbm>>
    %dma_start3A_860 = arith.constant 0 : i32
    %dma_start3A_861 = tpu.memref_slice %dma_start3A_859[%dma_start3A_860] : memref<1000000xf32, #tpu.memory_space<hbm>> -> memref<1000000xf32, #tpu.memory_space<hbm>>
    tpu.enqueue_indirect_dma source(%dma_start3A_861 : memref<1000000xf32, #tpu.memory_space<hbm>>) target(%dma_start3A_856 : memref<512xf32, #tpu.memory_space<vmem>>) offsets(%arg8 : memref<512xi32, #tpu.memory_space<vmem>>) semaphore(%arg11 : memref<!tpu.dma_semaphore, #tpu.memory_space<semaphore_mem>>)
    %dma_start3A_862 = arith.constant 43 : i32
    %dma_start3A_863 = arith.constant 43 : i32
    %dma_start3A_864 = arith.constant 0 : i32
    %dma_start3A_865 = tpu.memref_slice %arg9[%dma_start3A_863, %dma_start3A_864] : memref<64x512xf32, #tpu.memory_space<vmem>> -> memref<1x512xf32, #tpu.memory_space<vmem>>
    %dma_start3A_866 = tpu.memref_squeeze %dma_start3A_865 : memref<1x512xf32, #tpu.memory_space<vmem>> -> memref<512xf32, #tpu.memory_space<vmem>>
    %dma_start3A_867 = arith.constant 0 : i32
    %dma_start3A_868 = tpu.memref_slice %arg4[%dma_start3A_862, %dma_start3A_867] : memref<64x1000000xf32, #tpu.memory_space<hbm>> -> memref<1x1000000xf32, #tpu.memory_space<hbm>>
    %dma_start3A_869 = tpu.memref_squeeze %dma_start3A_868 : memref<1x1000000xf32, #tpu.memory_space<hbm>> -> memref<1000000xf32, #tpu.memory_space<hbm>>
    %dma_start3A_870 = arith.constant 0 : i32
    %dma_start3A_871 = tpu.memref_slice %dma_start3A_869[%dma_start3A_870] : memref<1000000xf32, #tpu.memory_space<hbm>> -> memref<1000000xf32, #tpu.memory_space<hbm>>
    tpu.enqueue_indirect_dma source(%dma_start3A_871 : memref<1000000xf32, #tpu.memory_space<hbm>>) target(%dma_start3A_866 : memref<512xf32, #tpu.memory_space<vmem>>) offsets(%arg7 : memref<512xi32, #tpu.memory_space<vmem>>) semaphore(%arg11 : memref<!tpu.dma_semaphore, #tpu.memory_space<semaphore_mem>>)
    %dma_start3A_872 = arith.constant 43 : i32
    %dma_start3A_873 = arith.constant 43 : i32
    %dma_start3A_874 = arith.constant 0 : i32
    %dma_start3A_875 = tpu.memref_slice %arg10[%dma_start3A_873, %dma_start3A_874] : memref<64x512xf32, #tpu.memory_space<vmem>> -> memref<1x512xf32, #tpu.memory_space<vmem>>
    %dma_start3A_876 = tpu.memref_squeeze %dma_start3A_875 : memref<1x512xf32, #tpu.memory_space<vmem>> -> memref<512xf32, #tpu.memory_space<vmem>>
    %dma_start3A_877 = arith.constant 0 : i32
    %dma_start3A_878 = tpu.memref_slice %arg4[%dma_start3A_872, %dma_start3A_877] : memref<64x1000000xf32, #tpu.memory_space<hbm>> -> memref<1x1000000xf32, #tpu.memory_space<hbm>>
    %dma_start3A_879 = tpu.memref_squeeze %dma_start3A_878 : memref<1x1000000xf32, #tpu.memory_space<hbm>> -> memref<1000000xf32, #tpu.memory_space<hbm>>
    %dma_start3A_880 = arith.constant 0 : i32
    %dma_start3A_881 = tpu.memref_slice %dma_start3A_879[%dma_start3A_880] : memref<1000000xf32, #tpu.memory_space<hbm>> -> memref<1000000xf32, #tpu.memory_space<hbm>>
    tpu.enqueue_indirect_dma source(%dma_start3A_881 : memref<1000000xf32, #tpu.memory_space<hbm>>) target(%dma_start3A_876 : memref<512xf32, #tpu.memory_space<vmem>>) offsets(%arg8 : memref<512xi32, #tpu.memory_space<vmem>>) semaphore(%arg11 : memref<!tpu.dma_semaphore, #tpu.memory_space<semaphore_mem>>)
    %dma_start3A_882 = arith.constant 44 : i32
    %dma_start3A_883 = arith.constant 44 : i32
    %dma_start3A_884 = arith.constant 0 : i32
    %dma_start3A_885 = tpu.memref_slice %arg9[%dma_start3A_883, %dma_start3A_884] : memref<64x512xf32, #tpu.memory_space<vmem>> -> memref<1x512xf32, #tpu.memory_space<vmem>>
    %dma_start3A_886 = tpu.memref_squeeze %dma_start3A_885 : memref<1x512xf32, #tpu.memory_space<vmem>> -> memref<512xf32, #tpu.memory_space<vmem>>
    %dma_start3A_887 = arith.constant 0 : i32
    %dma_start3A_888 = tpu.memref_slice %arg4[%dma_start3A_882, %dma_start3A_887] : memref<64x1000000xf32, #tpu.memory_space<hbm>> -> memref<1x1000000xf32, #tpu.memory_space<hbm>>
    %dma_start3A_889 = tpu.memref_squeeze %dma_start3A_888 : memref<1x1000000xf32, #tpu.memory_space<hbm>> -> memref<1000000xf32, #tpu.memory_space<hbm>>
    %dma_start3A_890 = arith.constant 0 : i32
    %dma_start3A_891 = tpu.memref_slice %dma_start3A_889[%dma_start3A_890] : memref<1000000xf32, #tpu.memory_space<hbm>> -> memref<1000000xf32, #tpu.memory_space<hbm>>
    tpu.enqueue_indirect_dma source(%dma_start3A_891 : memref<1000000xf32, #tpu.memory_space<hbm>>) target(%dma_start3A_886 : memref<512xf32, #tpu.memory_space<vmem>>) offsets(%arg7 : memref<512xi32, #tpu.memory_space<vmem>>) semaphore(%arg11 : memref<!tpu.dma_semaphore, #tpu.memory_space<semaphore_mem>>)
    %dma_start3A_892 = arith.constant 44 : i32
    %dma_start3A_893 = arith.constant 44 : i32
    %dma_start3A_894 = arith.constant 0 : i32
    %dma_start3A_895 = tpu.memref_slice %arg10[%dma_start3A_893, %dma_start3A_894] : memref<64x512xf32, #tpu.memory_space<vmem>> -> memref<1x512xf32, #tpu.memory_space<vmem>>
    %dma_start3A_896 = tpu.memref_squeeze %dma_start3A_895 : memref<1x512xf32, #tpu.memory_space<vmem>> -> memref<512xf32, #tpu.memory_space<vmem>>
    %dma_start3A_897 = arith.constant 0 : i32
    %dma_start3A_898 = tpu.memref_slice %arg4[%dma_start3A_892, %dma_start3A_897] : memref<64x1000000xf32, #tpu.memory_space<hbm>> -> memref<1x1000000xf32, #tpu.memory_space<hbm>>
    %dma_start3A_899 = tpu.memref_squeeze %dma_start3A_898 : memref<1x1000000xf32, #tpu.memory_space<hbm>> -> memref<1000000xf32, #tpu.memory_space<hbm>>
    %dma_start3A_900 = arith.constant 0 : i32
    %dma_start3A_901 = tpu.memref_slice %dma_start3A_899[%dma_start3A_900] : memref<1000000xf32, #tpu.memory_space<hbm>> -> memref<1000000xf32, #tpu.memory_space<hbm>>
    tpu.enqueue_indirect_dma source(%dma_start3A_901 : memref<1000000xf32, #tpu.memory_space<hbm>>) target(%dma_start3A_896 : memref<512xf32, #tpu.memory_space<vmem>>) offsets(%arg8 : memref<512xi32, #tpu.memory_space<vmem>>) semaphore(%arg11 : memref<!tpu.dma_semaphore, #tpu.memory_space<semaphore_mem>>)
    %dma_start3A_902 = arith.constant 45 : i32
    %dma_start3A_903 = arith.constant 45 : i32
    %dma_start3A_904 = arith.constant 0 : i32
    %dma_start3A_905 = tpu.memref_slice %arg9[%dma_start3A_903, %dma_start3A_904] : memref<64x512xf32, #tpu.memory_space<vmem>> -> memref<1x512xf32, #tpu.memory_space<vmem>>
    %dma_start3A_906 = tpu.memref_squeeze %dma_start3A_905 : memref<1x512xf32, #tpu.memory_space<vmem>> -> memref<512xf32, #tpu.memory_space<vmem>>
    %dma_start3A_907 = arith.constant 0 : i32
    %dma_start3A_908 = tpu.memref_slice %arg4[%dma_start3A_902, %dma_start3A_907] : memref<64x1000000xf32, #tpu.memory_space<hbm>> -> memref<1x1000000xf32, #tpu.memory_space<hbm>>
    %dma_start3A_909 = tpu.memref_squeeze %dma_start3A_908 : memref<1x1000000xf32, #tpu.memory_space<hbm>> -> memref<1000000xf32, #tpu.memory_space<hbm>>
    %dma_start3A_910 = arith.constant 0 : i32
    %dma_start3A_911 = tpu.memref_slice %dma_start3A_909[%dma_start3A_910] : memref<1000000xf32, #tpu.memory_space<hbm>> -> memref<1000000xf32, #tpu.memory_space<hbm>>
    tpu.enqueue_indirect_dma source(%dma_start3A_911 : memref<1000000xf32, #tpu.memory_space<hbm>>) target(%dma_start3A_906 : memref<512xf32, #tpu.memory_space<vmem>>) offsets(%arg7 : memref<512xi32, #tpu.memory_space<vmem>>) semaphore(%arg11 : memref<!tpu.dma_semaphore, #tpu.memory_space<semaphore_mem>>)
    %dma_start3A_912 = arith.constant 45 : i32
    %dma_start3A_913 = arith.constant 45 : i32
    %dma_start3A_914 = arith.constant 0 : i32
    %dma_start3A_915 = tpu.memref_slice %arg10[%dma_start3A_913, %dma_start3A_914] : memref<64x512xf32, #tpu.memory_space<vmem>> -> memref<1x512xf32, #tpu.memory_space<vmem>>
    %dma_start3A_916 = tpu.memref_squeeze %dma_start3A_915 : memref<1x512xf32, #tpu.memory_space<vmem>> -> memref<512xf32, #tpu.memory_space<vmem>>
    %dma_start3A_917 = arith.constant 0 : i32
    %dma_start3A_918 = tpu.memref_slice %arg4[%dma_start3A_912, %dma_start3A_917] : memref<64x1000000xf32, #tpu.memory_space<hbm>> -> memref<1x1000000xf32, #tpu.memory_space<hbm>>
    %dma_start3A_919 = tpu.memref_squeeze %dma_start3A_918 : memref<1x1000000xf32, #tpu.memory_space<hbm>> -> memref<1000000xf32, #tpu.memory_space<hbm>>
    %dma_start3A_920 = arith.constant 0 : i32
    %dma_start3A_921 = tpu.memref_slice %dma_start3A_919[%dma_start3A_920] : memref<1000000xf32, #tpu.memory_space<hbm>> -> memref<1000000xf32, #tpu.memory_space<hbm>>
    tpu.enqueue_indirect_dma source(%dma_start3A_921 : memref<1000000xf32, #tpu.memory_space<hbm>>) target(%dma_start3A_916 : memref<512xf32, #tpu.memory_space<vmem>>) offsets(%arg8 : memref<512xi32, #tpu.memory_space<vmem>>) semaphore(%arg11 : memref<!tpu.dma_semaphore, #tpu.memory_space<semaphore_mem>>)
    %dma_start3A_922 = arith.constant 46 : i32
    %dma_start3A_923 = arith.constant 46 : i32
    %dma_start3A_924 = arith.constant 0 : i32
    %dma_start3A_925 = tpu.memref_slice %arg9[%dma_start3A_923, %dma_start3A_924] : memref<64x512xf32, #tpu.memory_space<vmem>> -> memref<1x512xf32, #tpu.memory_space<vmem>>
    %dma_start3A_926 = tpu.memref_squeeze %dma_start3A_925 : memref<1x512xf32, #tpu.memory_space<vmem>> -> memref<512xf32, #tpu.memory_space<vmem>>
    %dma_start3A_927 = arith.constant 0 : i32
    %dma_start3A_928 = tpu.memref_slice %arg4[%dma_start3A_922, %dma_start3A_927] : memref<64x1000000xf32, #tpu.memory_space<hbm>> -> memref<1x1000000xf32, #tpu.memory_space<hbm>>
    %dma_start3A_929 = tpu.memref_squeeze %dma_start3A_928 : memref<1x1000000xf32, #tpu.memory_space<hbm>> -> memref<1000000xf32, #tpu.memory_space<hbm>>
    %dma_start3A_930 = arith.constant 0 : i32
    %dma_start3A_931 = tpu.memref_slice %dma_start3A_929[%dma_start3A_930] : memref<1000000xf32, #tpu.memory_space<hbm>> -> memref<1000000xf32, #tpu.memory_space<hbm>>
    tpu.enqueue_indirect_dma source(%dma_start3A_931 : memref<1000000xf32, #tpu.memory_space<hbm>>) target(%dma_start3A_926 : memref<512xf32, #tpu.memory_space<vmem>>) offsets(%arg7 : memref<512xi32, #tpu.memory_space<vmem>>) semaphore(%arg11 : memref<!tpu.dma_semaphore, #tpu.memory_space<semaphore_mem>>)
    %dma_start3A_932 = arith.constant 46 : i32
    %dma_start3A_933 = arith.constant 46 : i32
    %dma_start3A_934 = arith.constant 0 : i32
    %dma_start3A_935 = tpu.memref_slice %arg10[%dma_start3A_933, %dma_start3A_934] : memref<64x512xf32, #tpu.memory_space<vmem>> -> memref<1x512xf32, #tpu.memory_space<vmem>>
    %dma_start3A_936 = tpu.memref_squeeze %dma_start3A_935 : memref<1x512xf32, #tpu.memory_space<vmem>> -> memref<512xf32, #tpu.memory_space<vmem>>
    %dma_start3A_937 = arith.constant 0 : i32
    %dma_start3A_938 = tpu.memref_slice %arg4[%dma_start3A_932, %dma_start3A_937] : memref<64x1000000xf32, #tpu.memory_space<hbm>> -> memref<1x1000000xf32, #tpu.memory_space<hbm>>
    %dma_start3A_939 = tpu.memref_squeeze %dma_start3A_938 : memref<1x1000000xf32, #tpu.memory_space<hbm>> -> memref<1000000xf32, #tpu.memory_space<hbm>>
    %dma_start3A_940 = arith.constant 0 : i32
    %dma_start3A_941 = tpu.memref_slice %dma_start3A_939[%dma_start3A_940] : memref<1000000xf32, #tpu.memory_space<hbm>> -> memref<1000000xf32, #tpu.memory_space<hbm>>
    tpu.enqueue_indirect_dma source(%dma_start3A_941 : memref<1000000xf32, #tpu.memory_space<hbm>>) target(%dma_start3A_936 : memref<512xf32, #tpu.memory_space<vmem>>) offsets(%arg8 : memref<512xi32, #tpu.memory_space<vmem>>) semaphore(%arg11 : memref<!tpu.dma_semaphore, #tpu.memory_space<semaphore_mem>>)
    %dma_start3A_942 = arith.constant 47 : i32
    %dma_start3A_943 = arith.constant 47 : i32
    %dma_start3A_944 = arith.constant 0 : i32
    %dma_start3A_945 = tpu.memref_slice %arg9[%dma_start3A_943, %dma_start3A_944] : memref<64x512xf32, #tpu.memory_space<vmem>> -> memref<1x512xf32, #tpu.memory_space<vmem>>
    %dma_start3A_946 = tpu.memref_squeeze %dma_start3A_945 : memref<1x512xf32, #tpu.memory_space<vmem>> -> memref<512xf32, #tpu.memory_space<vmem>>
    %dma_start3A_947 = arith.constant 0 : i32
    %dma_start3A_948 = tpu.memref_slice %arg4[%dma_start3A_942, %dma_start3A_947] : memref<64x1000000xf32, #tpu.memory_space<hbm>> -> memref<1x1000000xf32, #tpu.memory_space<hbm>>
    %dma_start3A_949 = tpu.memref_squeeze %dma_start3A_948 : memref<1x1000000xf32, #tpu.memory_space<hbm>> -> memref<1000000xf32, #tpu.memory_space<hbm>>
    %dma_start3A_950 = arith.constant 0 : i32
    %dma_start3A_951 = tpu.memref_slice %dma_start3A_949[%dma_start3A_950] : memref<1000000xf32, #tpu.memory_space<hbm>> -> memref<1000000xf32, #tpu.memory_space<hbm>>
    tpu.enqueue_indirect_dma source(%dma_start3A_951 : memref<1000000xf32, #tpu.memory_space<hbm>>) target(%dma_start3A_946 : memref<512xf32, #tpu.memory_space<vmem>>) offsets(%arg7 : memref<512xi32, #tpu.memory_space<vmem>>) semaphore(%arg11 : memref<!tpu.dma_semaphore, #tpu.memory_space<semaphore_mem>>)
    %dma_start3A_952 = arith.constant 47 : i32
    %dma_start3A_953 = arith.constant 47 : i32
    %dma_start3A_954 = arith.constant 0 : i32
    %dma_start3A_955 = tpu.memref_slice %arg10[%dma_start3A_953, %dma_start3A_954] : memref<64x512xf32, #tpu.memory_space<vmem>> -> memref<1x512xf32, #tpu.memory_space<vmem>>
    %dma_start3A_956 = tpu.memref_squeeze %dma_start3A_955 : memref<1x512xf32, #tpu.memory_space<vmem>> -> memref<512xf32, #tpu.memory_space<vmem>>
    %dma_start3A_957 = arith.constant 0 : i32
    %dma_start3A_958 = tpu.memref_slice %arg4[%dma_start3A_952, %dma_start3A_957] : memref<64x1000000xf32, #tpu.memory_space<hbm>> -> memref<1x1000000xf32, #tpu.memory_space<hbm>>
    %dma_start3A_959 = tpu.memref_squeeze %dma_start3A_958 : memref<1x1000000xf32, #tpu.memory_space<hbm>> -> memref<1000000xf32, #tpu.memory_space<hbm>>
    %dma_start3A_960 = arith.constant 0 : i32
    %dma_start3A_961 = tpu.memref_slice %dma_start3A_959[%dma_start3A_960] : memref<1000000xf32, #tpu.memory_space<hbm>> -> memref<1000000xf32, #tpu.memory_space<hbm>>
    tpu.enqueue_indirect_dma source(%dma_start3A_961 : memref<1000000xf32, #tpu.memory_space<hbm>>) target(%dma_start3A_956 : memref<512xf32, #tpu.memory_space<vmem>>) offsets(%arg8 : memref<512xi32, #tpu.memory_space<vmem>>) semaphore(%arg11 : memref<!tpu.dma_semaphore, #tpu.memory_space<semaphore_mem>>)
    %dma_start3A_962 = arith.constant 48 : i32
    %dma_start3A_963 = arith.constant 48 : i32
    %dma_start3A_964 = arith.constant 0 : i32
    %dma_start3A_965 = tpu.memref_slice %arg9[%dma_start3A_963, %dma_start3A_964] : memref<64x512xf32, #tpu.memory_space<vmem>> -> memref<1x512xf32, #tpu.memory_space<vmem>>
    %dma_start3A_966 = tpu.memref_squeeze %dma_start3A_965 : memref<1x512xf32, #tpu.memory_space<vmem>> -> memref<512xf32, #tpu.memory_space<vmem>>
    %dma_start3A_967 = arith.constant 0 : i32
    %dma_start3A_968 = tpu.memref_slice %arg4[%dma_start3A_962, %dma_start3A_967] : memref<64x1000000xf32, #tpu.memory_space<hbm>> -> memref<1x1000000xf32, #tpu.memory_space<hbm>>
    %dma_start3A_969 = tpu.memref_squeeze %dma_start3A_968 : memref<1x1000000xf32, #tpu.memory_space<hbm>> -> memref<1000000xf32, #tpu.memory_space<hbm>>
    %dma_start3A_970 = arith.constant 0 : i32
    %dma_start3A_971 = tpu.memref_slice %dma_start3A_969[%dma_start3A_970] : memref<1000000xf32, #tpu.memory_space<hbm>> -> memref<1000000xf32, #tpu.memory_space<hbm>>
    tpu.enqueue_indirect_dma source(%dma_start3A_971 : memref<1000000xf32, #tpu.memory_space<hbm>>) target(%dma_start3A_966 : memref<512xf32, #tpu.memory_space<vmem>>) offsets(%arg7 : memref<512xi32, #tpu.memory_space<vmem>>) semaphore(%arg11 : memref<!tpu.dma_semaphore, #tpu.memory_space<semaphore_mem>>)
    %dma_start3A_972 = arith.constant 48 : i32
    %dma_start3A_973 = arith.constant 48 : i32
    %dma_start3A_974 = arith.constant 0 : i32
    %dma_start3A_975 = tpu.memref_slice %arg10[%dma_start3A_973, %dma_start3A_974] : memref<64x512xf32, #tpu.memory_space<vmem>> -> memref<1x512xf32, #tpu.memory_space<vmem>>
    %dma_start3A_976 = tpu.memref_squeeze %dma_start3A_975 : memref<1x512xf32, #tpu.memory_space<vmem>> -> memref<512xf32, #tpu.memory_space<vmem>>
    %dma_start3A_977 = arith.constant 0 : i32
    %dma_start3A_978 = tpu.memref_slice %arg4[%dma_start3A_972, %dma_start3A_977] : memref<64x1000000xf32, #tpu.memory_space<hbm>> -> memref<1x1000000xf32, #tpu.memory_space<hbm>>
    %dma_start3A_979 = tpu.memref_squeeze %dma_start3A_978 : memref<1x1000000xf32, #tpu.memory_space<hbm>> -> memref<1000000xf32, #tpu.memory_space<hbm>>
    %dma_start3A_980 = arith.constant 0 : i32
    %dma_start3A_981 = tpu.memref_slice %dma_start3A_979[%dma_start3A_980] : memref<1000000xf32, #tpu.memory_space<hbm>> -> memref<1000000xf32, #tpu.memory_space<hbm>>
    tpu.enqueue_indirect_dma source(%dma_start3A_981 : memref<1000000xf32, #tpu.memory_space<hbm>>) target(%dma_start3A_976 : memref<512xf32, #tpu.memory_space<vmem>>) offsets(%arg8 : memref<512xi32, #tpu.memory_space<vmem>>) semaphore(%arg11 : memref<!tpu.dma_semaphore, #tpu.memory_space<semaphore_mem>>)
    %dma_start3A_982 = arith.constant 49 : i32
    %dma_start3A_983 = arith.constant 49 : i32
    %dma_start3A_984 = arith.constant 0 : i32
    %dma_start3A_985 = tpu.memref_slice %arg9[%dma_start3A_983, %dma_start3A_984] : memref<64x512xf32, #tpu.memory_space<vmem>> -> memref<1x512xf32, #tpu.memory_space<vmem>>
    %dma_start3A_986 = tpu.memref_squeeze %dma_start3A_985 : memref<1x512xf32, #tpu.memory_space<vmem>> -> memref<512xf32, #tpu.memory_space<vmem>>
    %dma_start3A_987 = arith.constant 0 : i32
    %dma_start3A_988 = tpu.memref_slice %arg4[%dma_start3A_982, %dma_start3A_987] : memref<64x1000000xf32, #tpu.memory_space<hbm>> -> memref<1x1000000xf32, #tpu.memory_space<hbm>>
    %dma_start3A_989 = tpu.memref_squeeze %dma_start3A_988 : memref<1x1000000xf32, #tpu.memory_space<hbm>> -> memref<1000000xf32, #tpu.memory_space<hbm>>
    %dma_start3A_990 = arith.constant 0 : i32
    %dma_start3A_991 = tpu.memref_slice %dma_start3A_989[%dma_start3A_990] : memref<1000000xf32, #tpu.memory_space<hbm>> -> memref<1000000xf32, #tpu.memory_space<hbm>>
    tpu.enqueue_indirect_dma source(%dma_start3A_991 : memref<1000000xf32, #tpu.memory_space<hbm>>) target(%dma_start3A_986 : memref<512xf32, #tpu.memory_space<vmem>>) offsets(%arg7 : memref<512xi32, #tpu.memory_space<vmem>>) semaphore(%arg11 : memref<!tpu.dma_semaphore, #tpu.memory_space<semaphore_mem>>)
    %dma_start3A_992 = arith.constant 49 : i32
    %dma_start3A_993 = arith.constant 49 : i32
    %dma_start3A_994 = arith.constant 0 : i32
    %dma_start3A_995 = tpu.memref_slice %arg10[%dma_start3A_993, %dma_start3A_994] : memref<64x512xf32, #tpu.memory_space<vmem>> -> memref<1x512xf32, #tpu.memory_space<vmem>>
    %dma_start3A_996 = tpu.memref_squeeze %dma_start3A_995 : memref<1x512xf32, #tpu.memory_space<vmem>> -> memref<512xf32, #tpu.memory_space<vmem>>
    %dma_start3A_997 = arith.constant 0 : i32
    %dma_start3A_998 = tpu.memref_slice %arg4[%dma_start3A_992, %dma_start3A_997] : memref<64x1000000xf32, #tpu.memory_space<hbm>> -> memref<1x1000000xf32, #tpu.memory_space<hbm>>
    %dma_start3A_999 = tpu.memref_squeeze %dma_start3A_998 : memref<1x1000000xf32, #tpu.memory_space<hbm>> -> memref<1000000xf32, #tpu.memory_space<hbm>>
    %dma_start3A_1000 = arith.constant 0 : i32
    %dma_start3A_1001 = tpu.memref_slice %dma_start3A_999[%dma_start3A_1000] : memref<1000000xf32, #tpu.memory_space<hbm>> -> memref<1000000xf32, #tpu.memory_space<hbm>>
    tpu.enqueue_indirect_dma source(%dma_start3A_1001 : memref<1000000xf32, #tpu.memory_space<hbm>>) target(%dma_start3A_996 : memref<512xf32, #tpu.memory_space<vmem>>) offsets(%arg8 : memref<512xi32, #tpu.memory_space<vmem>>) semaphore(%arg11 : memref<!tpu.dma_semaphore, #tpu.memory_space<semaphore_mem>>)
    %dma_start3A_1002 = arith.constant 50 : i32
    %dma_start3A_1003 = arith.constant 50 : i32
    %dma_start3A_1004 = arith.constant 0 : i32
    %dma_start3A_1005 = tpu.memref_slice %arg9[%dma_start3A_1003, %dma_start3A_1004] : memref<64x512xf32, #tpu.memory_space<vmem>> -> memref<1x512xf32, #tpu.memory_space<vmem>>
    %dma_start3A_1006 = tpu.memref_squeeze %dma_start3A_1005 : memref<1x512xf32, #tpu.memory_space<vmem>> -> memref<512xf32, #tpu.memory_space<vmem>>
    %dma_start3A_1007 = arith.constant 0 : i32
    %dma_start3A_1008 = tpu.memref_slice %arg4[%dma_start3A_1002, %dma_start3A_1007] : memref<64x1000000xf32, #tpu.memory_space<hbm>> -> memref<1x1000000xf32, #tpu.memory_space<hbm>>
    %dma_start3A_1009 = tpu.memref_squeeze %dma_start3A_1008 : memref<1x1000000xf32, #tpu.memory_space<hbm>> -> memref<1000000xf32, #tpu.memory_space<hbm>>
    %dma_start3A_1010 = arith.constant 0 : i32
    %dma_start3A_1011 = tpu.memref_slice %dma_start3A_1009[%dma_start3A_1010] : memref<1000000xf32, #tpu.memory_space<hbm>> -> memref<1000000xf32, #tpu.memory_space<hbm>>
    tpu.enqueue_indirect_dma source(%dma_start3A_1011 : memref<1000000xf32, #tpu.memory_space<hbm>>) target(%dma_start3A_1006 : memref<512xf32, #tpu.memory_space<vmem>>) offsets(%arg7 : memref<512xi32, #tpu.memory_space<vmem>>) semaphore(%arg11 : memref<!tpu.dma_semaphore, #tpu.memory_space<semaphore_mem>>)
    %dma_start3A_1012 = arith.constant 50 : i32
    %dma_start3A_1013 = arith.constant 50 : i32
    %dma_start3A_1014 = arith.constant 0 : i32
    %dma_start3A_1015 = tpu.memref_slice %arg10[%dma_start3A_1013, %dma_start3A_1014] : memref<64x512xf32, #tpu.memory_space<vmem>> -> memref<1x512xf32, #tpu.memory_space<vmem>>
    %dma_start3A_1016 = tpu.memref_squeeze %dma_start3A_1015 : memref<1x512xf32, #tpu.memory_space<vmem>> -> memref<512xf32, #tpu.memory_space<vmem>>
    %dma_start3A_1017 = arith.constant 0 : i32
    %dma_start3A_1018 = tpu.memref_slice %arg4[%dma_start3A_1012, %dma_start3A_1017] : memref<64x1000000xf32, #tpu.memory_space<hbm>> -> memref<1x1000000xf32, #tpu.memory_space<hbm>>
    %dma_start3A_1019 = tpu.memref_squeeze %dma_start3A_1018 : memref<1x1000000xf32, #tpu.memory_space<hbm>> -> memref<1000000xf32, #tpu.memory_space<hbm>>
    %dma_start3A_1020 = arith.constant 0 : i32
    %dma_start3A_1021 = tpu.memref_slice %dma_start3A_1019[%dma_start3A_1020] : memref<1000000xf32, #tpu.memory_space<hbm>> -> memref<1000000xf32, #tpu.memory_space<hbm>>
    tpu.enqueue_indirect_dma source(%dma_start3A_1021 : memref<1000000xf32, #tpu.memory_space<hbm>>) target(%dma_start3A_1016 : memref<512xf32, #tpu.memory_space<vmem>>) offsets(%arg8 : memref<512xi32, #tpu.memory_space<vmem>>) semaphore(%arg11 : memref<!tpu.dma_semaphore, #tpu.memory_space<semaphore_mem>>)
    %dma_start3A_1022 = arith.constant 51 : i32
    %dma_start3A_1023 = arith.constant 51 : i32
    %dma_start3A_1024 = arith.constant 0 : i32
    %dma_start3A_1025 = tpu.memref_slice %arg9[%dma_start3A_1023, %dma_start3A_1024] : memref<64x512xf32, #tpu.memory_space<vmem>> -> memref<1x512xf32, #tpu.memory_space<vmem>>
    %dma_start3A_1026 = tpu.memref_squeeze %dma_start3A_1025 : memref<1x512xf32, #tpu.memory_space<vmem>> -> memref<512xf32, #tpu.memory_space<vmem>>
    %dma_start3A_1027 = arith.constant 0 : i32
    %dma_start3A_1028 = tpu.memref_slice %arg4[%dma_start3A_1022, %dma_start3A_1027] : memref<64x1000000xf32, #tpu.memory_space<hbm>> -> memref<1x1000000xf32, #tpu.memory_space<hbm>>
    %dma_start3A_1029 = tpu.memref_squeeze %dma_start3A_1028 : memref<1x1000000xf32, #tpu.memory_space<hbm>> -> memref<1000000xf32, #tpu.memory_space<hbm>>
    %dma_start3A_1030 = arith.constant 0 : i32
    %dma_start3A_1031 = tpu.memref_slice %dma_start3A_1029[%dma_start3A_1030] : memref<1000000xf32, #tpu.memory_space<hbm>> -> memref<1000000xf32, #tpu.memory_space<hbm>>
    tpu.enqueue_indirect_dma source(%dma_start3A_1031 : memref<1000000xf32, #tpu.memory_space<hbm>>) target(%dma_start3A_1026 : memref<512xf32, #tpu.memory_space<vmem>>) offsets(%arg7 : memref<512xi32, #tpu.memory_space<vmem>>) semaphore(%arg11 : memref<!tpu.dma_semaphore, #tpu.memory_space<semaphore_mem>>)
    %dma_start3A_1032 = arith.constant 51 : i32
    %dma_start3A_1033 = arith.constant 51 : i32
    %dma_start3A_1034 = arith.constant 0 : i32
    %dma_start3A_1035 = tpu.memref_slice %arg10[%dma_start3A_1033, %dma_start3A_1034] : memref<64x512xf32, #tpu.memory_space<vmem>> -> memref<1x512xf32, #tpu.memory_space<vmem>>
    %dma_start3A_1036 = tpu.memref_squeeze %dma_start3A_1035 : memref<1x512xf32, #tpu.memory_space<vmem>> -> memref<512xf32, #tpu.memory_space<vmem>>
    %dma_start3A_1037 = arith.constant 0 : i32
    %dma_start3A_1038 = tpu.memref_slice %arg4[%dma_start3A_1032, %dma_start3A_1037] : memref<64x1000000xf32, #tpu.memory_space<hbm>> -> memref<1x1000000xf32, #tpu.memory_space<hbm>>
    %dma_start3A_1039 = tpu.memref_squeeze %dma_start3A_1038 : memref<1x1000000xf32, #tpu.memory_space<hbm>> -> memref<1000000xf32, #tpu.memory_space<hbm>>
    %dma_start3A_1040 = arith.constant 0 : i32
    %dma_start3A_1041 = tpu.memref_slice %dma_start3A_1039[%dma_start3A_1040] : memref<1000000xf32, #tpu.memory_space<hbm>> -> memref<1000000xf32, #tpu.memory_space<hbm>>
    tpu.enqueue_indirect_dma source(%dma_start3A_1041 : memref<1000000xf32, #tpu.memory_space<hbm>>) target(%dma_start3A_1036 : memref<512xf32, #tpu.memory_space<vmem>>) offsets(%arg8 : memref<512xi32, #tpu.memory_space<vmem>>) semaphore(%arg11 : memref<!tpu.dma_semaphore, #tpu.memory_space<semaphore_mem>>)
    %dma_start3A_1042 = arith.constant 52 : i32
    %dma_start3A_1043 = arith.constant 52 : i32
    %dma_start3A_1044 = arith.constant 0 : i32
    %dma_start3A_1045 = tpu.memref_slice %arg9[%dma_start3A_1043, %dma_start3A_1044] : memref<64x512xf32, #tpu.memory_space<vmem>> -> memref<1x512xf32, #tpu.memory_space<vmem>>
    %dma_start3A_1046 = tpu.memref_squeeze %dma_start3A_1045 : memref<1x512xf32, #tpu.memory_space<vmem>> -> memref<512xf32, #tpu.memory_space<vmem>>
    %dma_start3A_1047 = arith.constant 0 : i32
    %dma_start3A_1048 = tpu.memref_slice %arg4[%dma_start3A_1042, %dma_start3A_1047] : memref<64x1000000xf32, #tpu.memory_space<hbm>> -> memref<1x1000000xf32, #tpu.memory_space<hbm>>
    %dma_start3A_1049 = tpu.memref_squeeze %dma_start3A_1048 : memref<1x1000000xf32, #tpu.memory_space<hbm>> -> memref<1000000xf32, #tpu.memory_space<hbm>>
    %dma_start3A_1050 = arith.constant 0 : i32
    %dma_start3A_1051 = tpu.memref_slice %dma_start3A_1049[%dma_start3A_1050] : memref<1000000xf32, #tpu.memory_space<hbm>> -> memref<1000000xf32, #tpu.memory_space<hbm>>
    tpu.enqueue_indirect_dma source(%dma_start3A_1051 : memref<1000000xf32, #tpu.memory_space<hbm>>) target(%dma_start3A_1046 : memref<512xf32, #tpu.memory_space<vmem>>) offsets(%arg7 : memref<512xi32, #tpu.memory_space<vmem>>) semaphore(%arg11 : memref<!tpu.dma_semaphore, #tpu.memory_space<semaphore_mem>>)
    %dma_start3A_1052 = arith.constant 52 : i32
    %dma_start3A_1053 = arith.constant 52 : i32
    %dma_start3A_1054 = arith.constant 0 : i32
    %dma_start3A_1055 = tpu.memref_slice %arg10[%dma_start3A_1053, %dma_start3A_1054] : memref<64x512xf32, #tpu.memory_space<vmem>> -> memref<1x512xf32, #tpu.memory_space<vmem>>
    %dma_start3A_1056 = tpu.memref_squeeze %dma_start3A_1055 : memref<1x512xf32, #tpu.memory_space<vmem>> -> memref<512xf32, #tpu.memory_space<vmem>>
    %dma_start3A_1057 = arith.constant 0 : i32
    %dma_start3A_1058 = tpu.memref_slice %arg4[%dma_start3A_1052, %dma_start3A_1057] : memref<64x1000000xf32, #tpu.memory_space<hbm>> -> memref<1x1000000xf32, #tpu.memory_space<hbm>>
    %dma_start3A_1059 = tpu.memref_squeeze %dma_start3A_1058 : memref<1x1000000xf32, #tpu.memory_space<hbm>> -> memref<1000000xf32, #tpu.memory_space<hbm>>
    %dma_start3A_1060 = arith.constant 0 : i32
    %dma_start3A_1061 = tpu.memref_slice %dma_start3A_1059[%dma_start3A_1060] : memref<1000000xf32, #tpu.memory_space<hbm>> -> memref<1000000xf32, #tpu.memory_space<hbm>>
    tpu.enqueue_indirect_dma source(%dma_start3A_1061 : memref<1000000xf32, #tpu.memory_space<hbm>>) target(%dma_start3A_1056 : memref<512xf32, #tpu.memory_space<vmem>>) offsets(%arg8 : memref<512xi32, #tpu.memory_space<vmem>>) semaphore(%arg11 : memref<!tpu.dma_semaphore, #tpu.memory_space<semaphore_mem>>)
    %dma_start3A_1062 = arith.constant 53 : i32
    %dma_start3A_1063 = arith.constant 53 : i32
    %dma_start3A_1064 = arith.constant 0 : i32
    %dma_start3A_1065 = tpu.memref_slice %arg9[%dma_start3A_1063, %dma_start3A_1064] : memref<64x512xf32, #tpu.memory_space<vmem>> -> memref<1x512xf32, #tpu.memory_space<vmem>>
    %dma_start3A_1066 = tpu.memref_squeeze %dma_start3A_1065 : memref<1x512xf32, #tpu.memory_space<vmem>> -> memref<512xf32, #tpu.memory_space<vmem>>
    %dma_start3A_1067 = arith.constant 0 : i32
    %dma_start3A_1068 = tpu.memref_slice %arg4[%dma_start3A_1062, %dma_start3A_1067] : memref<64x1000000xf32, #tpu.memory_space<hbm>> -> memref<1x1000000xf32, #tpu.memory_space<hbm>>
    %dma_start3A_1069 = tpu.memref_squeeze %dma_start3A_1068 : memref<1x1000000xf32, #tpu.memory_space<hbm>> -> memref<1000000xf32, #tpu.memory_space<hbm>>
    %dma_start3A_1070 = arith.constant 0 : i32
    %dma_start3A_1071 = tpu.memref_slice %dma_start3A_1069[%dma_start3A_1070] : memref<1000000xf32, #tpu.memory_space<hbm>> -> memref<1000000xf32, #tpu.memory_space<hbm>>
    tpu.enqueue_indirect_dma source(%dma_start3A_1071 : memref<1000000xf32, #tpu.memory_space<hbm>>) target(%dma_start3A_1066 : memref<512xf32, #tpu.memory_space<vmem>>) offsets(%arg7 : memref<512xi32, #tpu.memory_space<vmem>>) semaphore(%arg11 : memref<!tpu.dma_semaphore, #tpu.memory_space<semaphore_mem>>)
    %dma_start3A_1072 = arith.constant 53 : i32
    %dma_start3A_1073 = arith.constant 53 : i32
    %dma_start3A_1074 = arith.constant 0 : i32
    %dma_start3A_1075 = tpu.memref_slice %arg10[%dma_start3A_1073, %dma_start3A_1074] : memref<64x512xf32, #tpu.memory_space<vmem>> -> memref<1x512xf32, #tpu.memory_space<vmem>>
    %dma_start3A_1076 = tpu.memref_squeeze %dma_start3A_1075 : memref<1x512xf32, #tpu.memory_space<vmem>> -> memref<512xf32, #tpu.memory_space<vmem>>
    %dma_start3A_1077 = arith.constant 0 : i32
    %dma_start3A_1078 = tpu.memref_slice %arg4[%dma_start3A_1072, %dma_start3A_1077] : memref<64x1000000xf32, #tpu.memory_space<hbm>> -> memref<1x1000000xf32, #tpu.memory_space<hbm>>
    %dma_start3A_1079 = tpu.memref_squeeze %dma_start3A_1078 : memref<1x1000000xf32, #tpu.memory_space<hbm>> -> memref<1000000xf32, #tpu.memory_space<hbm>>
    %dma_start3A_1080 = arith.constant 0 : i32
    %dma_start3A_1081 = tpu.memref_slice %dma_start3A_1079[%dma_start3A_1080] : memref<1000000xf32, #tpu.memory_space<hbm>> -> memref<1000000xf32, #tpu.memory_space<hbm>>
    tpu.enqueue_indirect_dma source(%dma_start3A_1081 : memref<1000000xf32, #tpu.memory_space<hbm>>) target(%dma_start3A_1076 : memref<512xf32, #tpu.memory_space<vmem>>) offsets(%arg8 : memref<512xi32, #tpu.memory_space<vmem>>) semaphore(%arg11 : memref<!tpu.dma_semaphore, #tpu.memory_space<semaphore_mem>>)
    %dma_start3A_1082 = arith.constant 54 : i32
    %dma_start3A_1083 = arith.constant 54 : i32
    %dma_start3A_1084 = arith.constant 0 : i32
    %dma_start3A_1085 = tpu.memref_slice %arg9[%dma_start3A_1083, %dma_start3A_1084] : memref<64x512xf32, #tpu.memory_space<vmem>> -> memref<1x512xf32, #tpu.memory_space<vmem>>
    %dma_start3A_1086 = tpu.memref_squeeze %dma_start3A_1085 : memref<1x512xf32, #tpu.memory_space<vmem>> -> memref<512xf32, #tpu.memory_space<vmem>>
    %dma_start3A_1087 = arith.constant 0 : i32
    %dma_start3A_1088 = tpu.memref_slice %arg4[%dma_start3A_1082, %dma_start3A_1087] : memref<64x1000000xf32, #tpu.memory_space<hbm>> -> memref<1x1000000xf32, #tpu.memory_space<hbm>>
    %dma_start3A_1089 = tpu.memref_squeeze %dma_start3A_1088 : memref<1x1000000xf32, #tpu.memory_space<hbm>> -> memref<1000000xf32, #tpu.memory_space<hbm>>
    %dma_start3A_1090 = arith.constant 0 : i32
    %dma_start3A_1091 = tpu.memref_slice %dma_start3A_1089[%dma_start3A_1090] : memref<1000000xf32, #tpu.memory_space<hbm>> -> memref<1000000xf32, #tpu.memory_space<hbm>>
    tpu.enqueue_indirect_dma source(%dma_start3A_1091 : memref<1000000xf32, #tpu.memory_space<hbm>>) target(%dma_start3A_1086 : memref<512xf32, #tpu.memory_space<vmem>>) offsets(%arg7 : memref<512xi32, #tpu.memory_space<vmem>>) semaphore(%arg11 : memref<!tpu.dma_semaphore, #tpu.memory_space<semaphore_mem>>)
    %dma_start3A_1092 = arith.constant 54 : i32
    %dma_start3A_1093 = arith.constant 54 : i32
    %dma_start3A_1094 = arith.constant 0 : i32
    %dma_start3A_1095 = tpu.memref_slice %arg10[%dma_start3A_1093, %dma_start3A_1094] : memref<64x512xf32, #tpu.memory_space<vmem>> -> memref<1x512xf32, #tpu.memory_space<vmem>>
    %dma_start3A_1096 = tpu.memref_squeeze %dma_start3A_1095 : memref<1x512xf32, #tpu.memory_space<vmem>> -> memref<512xf32, #tpu.memory_space<vmem>>
    %dma_start3A_1097 = arith.constant 0 : i32
    %dma_start3A_1098 = tpu.memref_slice %arg4[%dma_start3A_1092, %dma_start3A_1097] : memref<64x1000000xf32, #tpu.memory_space<hbm>> -> memref<1x1000000xf32, #tpu.memory_space<hbm>>
    %dma_start3A_1099 = tpu.memref_squeeze %dma_start3A_1098 : memref<1x1000000xf32, #tpu.memory_space<hbm>> -> memref<1000000xf32, #tpu.memory_space<hbm>>
    %dma_start3A_1100 = arith.constant 0 : i32
    %dma_start3A_1101 = tpu.memref_slice %dma_start3A_1099[%dma_start3A_1100] : memref<1000000xf32, #tpu.memory_space<hbm>> -> memref<1000000xf32, #tpu.memory_space<hbm>>
    tpu.enqueue_indirect_dma source(%dma_start3A_1101 : memref<1000000xf32, #tpu.memory_space<hbm>>) target(%dma_start3A_1096 : memref<512xf32, #tpu.memory_space<vmem>>) offsets(%arg8 : memref<512xi32, #tpu.memory_space<vmem>>) semaphore(%arg11 : memref<!tpu.dma_semaphore, #tpu.memory_space<semaphore_mem>>)
    %dma_start3A_1102 = arith.constant 55 : i32
    %dma_start3A_1103 = arith.constant 55 : i32
    %dma_start3A_1104 = arith.constant 0 : i32
    %dma_start3A_1105 = tpu.memref_slice %arg9[%dma_start3A_1103, %dma_start3A_1104] : memref<64x512xf32, #tpu.memory_space<vmem>> -> memref<1x512xf32, #tpu.memory_space<vmem>>
    %dma_start3A_1106 = tpu.memref_squeeze %dma_start3A_1105 : memref<1x512xf32, #tpu.memory_space<vmem>> -> memref<512xf32, #tpu.memory_space<vmem>>
    %dma_start3A_1107 = arith.constant 0 : i32
    %dma_start3A_1108 = tpu.memref_slice %arg4[%dma_start3A_1102, %dma_start3A_1107] : memref<64x1000000xf32, #tpu.memory_space<hbm>> -> memref<1x1000000xf32, #tpu.memory_space<hbm>>
    %dma_start3A_1109 = tpu.memref_squeeze %dma_start3A_1108 : memref<1x1000000xf32, #tpu.memory_space<hbm>> -> memref<1000000xf32, #tpu.memory_space<hbm>>
    %dma_start3A_1110 = arith.constant 0 : i32
    %dma_start3A_1111 = tpu.memref_slice %dma_start3A_1109[%dma_start3A_1110] : memref<1000000xf32, #tpu.memory_space<hbm>> -> memref<1000000xf32, #tpu.memory_space<hbm>>
    tpu.enqueue_indirect_dma source(%dma_start3A_1111 : memref<1000000xf32, #tpu.memory_space<hbm>>) target(%dma_start3A_1106 : memref<512xf32, #tpu.memory_space<vmem>>) offsets(%arg7 : memref<512xi32, #tpu.memory_space<vmem>>) semaphore(%arg11 : memref<!tpu.dma_semaphore, #tpu.memory_space<semaphore_mem>>)
    %dma_start3A_1112 = arith.constant 55 : i32
    %dma_start3A_1113 = arith.constant 55 : i32
    %dma_start3A_1114 = arith.constant 0 : i32
    %dma_start3A_1115 = tpu.memref_slice %arg10[%dma_start3A_1113, %dma_start3A_1114] : memref<64x512xf32, #tpu.memory_space<vmem>> -> memref<1x512xf32, #tpu.memory_space<vmem>>
    %dma_start3A_1116 = tpu.memref_squeeze %dma_start3A_1115 : memref<1x512xf32, #tpu.memory_space<vmem>> -> memref<512xf32, #tpu.memory_space<vmem>>
    %dma_start3A_1117 = arith.constant 0 : i32
    %dma_start3A_1118 = tpu.memref_slice %arg4[%dma_start3A_1112, %dma_start3A_1117] : memref<64x1000000xf32, #tpu.memory_space<hbm>> -> memref<1x1000000xf32, #tpu.memory_space<hbm>>
    %dma_start3A_1119 = tpu.memref_squeeze %dma_start3A_1118 : memref<1x1000000xf32, #tpu.memory_space<hbm>> -> memref<1000000xf32, #tpu.memory_space<hbm>>
    %dma_start3A_1120 = arith.constant 0 : i32
    %dma_start3A_1121 = tpu.memref_slice %dma_start3A_1119[%dma_start3A_1120] : memref<1000000xf32, #tpu.memory_space<hbm>> -> memref<1000000xf32, #tpu.memory_space<hbm>>
    tpu.enqueue_indirect_dma source(%dma_start3A_1121 : memref<1000000xf32, #tpu.memory_space<hbm>>) target(%dma_start3A_1116 : memref<512xf32, #tpu.memory_space<vmem>>) offsets(%arg8 : memref<512xi32, #tpu.memory_space<vmem>>) semaphore(%arg11 : memref<!tpu.dma_semaphore, #tpu.memory_space<semaphore_mem>>)
    %dma_start3A_1122 = arith.constant 56 : i32
    %dma_start3A_1123 = arith.constant 56 : i32
    %dma_start3A_1124 = arith.constant 0 : i32
    %dma_start3A_1125 = tpu.memref_slice %arg9[%dma_start3A_1123, %dma_start3A_1124] : memref<64x512xf32, #tpu.memory_space<vmem>> -> memref<1x512xf32, #tpu.memory_space<vmem>>
    %dma_start3A_1126 = tpu.memref_squeeze %dma_start3A_1125 : memref<1x512xf32, #tpu.memory_space<vmem>> -> memref<512xf32, #tpu.memory_space<vmem>>
    %dma_start3A_1127 = arith.constant 0 : i32
    %dma_start3A_1128 = tpu.memref_slice %arg4[%dma_start3A_1122, %dma_start3A_1127] : memref<64x1000000xf32, #tpu.memory_space<hbm>> -> memref<1x1000000xf32, #tpu.memory_space<hbm>>
    %dma_start3A_1129 = tpu.memref_squeeze %dma_start3A_1128 : memref<1x1000000xf32, #tpu.memory_space<hbm>> -> memref<1000000xf32, #tpu.memory_space<hbm>>
    %dma_start3A_1130 = arith.constant 0 : i32
    %dma_start3A_1131 = tpu.memref_slice %dma_start3A_1129[%dma_start3A_1130] : memref<1000000xf32, #tpu.memory_space<hbm>> -> memref<1000000xf32, #tpu.memory_space<hbm>>
    tpu.enqueue_indirect_dma source(%dma_start3A_1131 : memref<1000000xf32, #tpu.memory_space<hbm>>) target(%dma_start3A_1126 : memref<512xf32, #tpu.memory_space<vmem>>) offsets(%arg7 : memref<512xi32, #tpu.memory_space<vmem>>) semaphore(%arg11 : memref<!tpu.dma_semaphore, #tpu.memory_space<semaphore_mem>>)
    %dma_start3A_1132 = arith.constant 56 : i32
    %dma_start3A_1133 = arith.constant 56 : i32
    %dma_start3A_1134 = arith.constant 0 : i32
    %dma_start3A_1135 = tpu.memref_slice %arg10[%dma_start3A_1133, %dma_start3A_1134] : memref<64x512xf32, #tpu.memory_space<vmem>> -> memref<1x512xf32, #tpu.memory_space<vmem>>
    %dma_start3A_1136 = tpu.memref_squeeze %dma_start3A_1135 : memref<1x512xf32, #tpu.memory_space<vmem>> -> memref<512xf32, #tpu.memory_space<vmem>>
    %dma_start3A_1137 = arith.constant 0 : i32
    %dma_start3A_1138 = tpu.memref_slice %arg4[%dma_start3A_1132, %dma_start3A_1137] : memref<64x1000000xf32, #tpu.memory_space<hbm>> -> memref<1x1000000xf32, #tpu.memory_space<hbm>>
    %dma_start3A_1139 = tpu.memref_squeeze %dma_start3A_1138 : memref<1x1000000xf32, #tpu.memory_space<hbm>> -> memref<1000000xf32, #tpu.memory_space<hbm>>
    %dma_start3A_1140 = arith.constant 0 : i32
    %dma_start3A_1141 = tpu.memref_slice %dma_start3A_1139[%dma_start3A_1140] : memref<1000000xf32, #tpu.memory_space<hbm>> -> memref<1000000xf32, #tpu.memory_space<hbm>>
    tpu.enqueue_indirect_dma source(%dma_start3A_1141 : memref<1000000xf32, #tpu.memory_space<hbm>>) target(%dma_start3A_1136 : memref<512xf32, #tpu.memory_space<vmem>>) offsets(%arg8 : memref<512xi32, #tpu.memory_space<vmem>>) semaphore(%arg11 : memref<!tpu.dma_semaphore, #tpu.memory_space<semaphore_mem>>)
    %dma_start3A_1142 = arith.constant 57 : i32
    %dma_start3A_1143 = arith.constant 57 : i32
    %dma_start3A_1144 = arith.constant 0 : i32
    %dma_start3A_1145 = tpu.memref_slice %arg9[%dma_start3A_1143, %dma_start3A_1144] : memref<64x512xf32, #tpu.memory_space<vmem>> -> memref<1x512xf32, #tpu.memory_space<vmem>>
    %dma_start3A_1146 = tpu.memref_squeeze %dma_start3A_1145 : memref<1x512xf32, #tpu.memory_space<vmem>> -> memref<512xf32, #tpu.memory_space<vmem>>
    %dma_start3A_1147 = arith.constant 0 : i32
    %dma_start3A_1148 = tpu.memref_slice %arg4[%dma_start3A_1142, %dma_start3A_1147] : memref<64x1000000xf32, #tpu.memory_space<hbm>> -> memref<1x1000000xf32, #tpu.memory_space<hbm>>
    %dma_start3A_1149 = tpu.memref_squeeze %dma_start3A_1148 : memref<1x1000000xf32, #tpu.memory_space<hbm>> -> memref<1000000xf32, #tpu.memory_space<hbm>>
    %dma_start3A_1150 = arith.constant 0 : i32
    %dma_start3A_1151 = tpu.memref_slice %dma_start3A_1149[%dma_start3A_1150] : memref<1000000xf32, #tpu.memory_space<hbm>> -> memref<1000000xf32, #tpu.memory_space<hbm>>
    tpu.enqueue_indirect_dma source(%dma_start3A_1151 : memref<1000000xf32, #tpu.memory_space<hbm>>) target(%dma_start3A_1146 : memref<512xf32, #tpu.memory_space<vmem>>) offsets(%arg7 : memref<512xi32, #tpu.memory_space<vmem>>) semaphore(%arg11 : memref<!tpu.dma_semaphore, #tpu.memory_space<semaphore_mem>>)
    %dma_start3A_1152 = arith.constant 57 : i32
    %dma_start3A_1153 = arith.constant 57 : i32
    %dma_start3A_1154 = arith.constant 0 : i32
    %dma_start3A_1155 = tpu.memref_slice %arg10[%dma_start3A_1153, %dma_start3A_1154] : memref<64x512xf32, #tpu.memory_space<vmem>> -> memref<1x512xf32, #tpu.memory_space<vmem>>
    %dma_start3A_1156 = tpu.memref_squeeze %dma_start3A_1155 : memref<1x512xf32, #tpu.memory_space<vmem>> -> memref<512xf32, #tpu.memory_space<vmem>>
    %dma_start3A_1157 = arith.constant 0 : i32
    %dma_start3A_1158 = tpu.memref_slice %arg4[%dma_start3A_1152, %dma_start3A_1157] : memref<64x1000000xf32, #tpu.memory_space<hbm>> -> memref<1x1000000xf32, #tpu.memory_space<hbm>>
    %dma_start3A_1159 = tpu.memref_squeeze %dma_start3A_1158 : memref<1x1000000xf32, #tpu.memory_space<hbm>> -> memref<1000000xf32, #tpu.memory_space<hbm>>
    %dma_start3A_1160 = arith.constant 0 : i32
    %dma_start3A_1161 = tpu.memref_slice %dma_start3A_1159[%dma_start3A_1160] : memref<1000000xf32, #tpu.memory_space<hbm>> -> memref<1000000xf32, #tpu.memory_space<hbm>>
    tpu.enqueue_indirect_dma source(%dma_start3A_1161 : memref<1000000xf32, #tpu.memory_space<hbm>>) target(%dma_start3A_1156 : memref<512xf32, #tpu.memory_space<vmem>>) offsets(%arg8 : memref<512xi32, #tpu.memory_space<vmem>>) semaphore(%arg11 : memref<!tpu.dma_semaphore, #tpu.memory_space<semaphore_mem>>)
    %dma_start3A_1162 = arith.constant 58 : i32
    %dma_start3A_1163 = arith.constant 58 : i32
    %dma_start3A_1164 = arith.constant 0 : i32
    %dma_start3A_1165 = tpu.memref_slice %arg9[%dma_start3A_1163, %dma_start3A_1164] : memref<64x512xf32, #tpu.memory_space<vmem>> -> memref<1x512xf32, #tpu.memory_space<vmem>>
    %dma_start3A_1166 = tpu.memref_squeeze %dma_start3A_1165 : memref<1x512xf32, #tpu.memory_space<vmem>> -> memref<512xf32, #tpu.memory_space<vmem>>
    %dma_start3A_1167 = arith.constant 0 : i32
    %dma_start3A_1168 = tpu.memref_slice %arg4[%dma_start3A_1162, %dma_start3A_1167] : memref<64x1000000xf32, #tpu.memory_space<hbm>> -> memref<1x1000000xf32, #tpu.memory_space<hbm>>
    %dma_start3A_1169 = tpu.memref_squeeze %dma_start3A_1168 : memref<1x1000000xf32, #tpu.memory_space<hbm>> -> memref<1000000xf32, #tpu.memory_space<hbm>>
    %dma_start3A_1170 = arith.constant 0 : i32
    %dma_start3A_1171 = tpu.memref_slice %dma_start3A_1169[%dma_start3A_1170] : memref<1000000xf32, #tpu.memory_space<hbm>> -> memref<1000000xf32, #tpu.memory_space<hbm>>
    tpu.enqueue_indirect_dma source(%dma_start3A_1171 : memref<1000000xf32, #tpu.memory_space<hbm>>) target(%dma_start3A_1166 : memref<512xf32, #tpu.memory_space<vmem>>) offsets(%arg7 : memref<512xi32, #tpu.memory_space<vmem>>) semaphore(%arg11 : memref<!tpu.dma_semaphore, #tpu.memory_space<semaphore_mem>>)
    %dma_start3A_1172 = arith.constant 58 : i32
    %dma_start3A_1173 = arith.constant 58 : i32
    %dma_start3A_1174 = arith.constant 0 : i32
    %dma_start3A_1175 = tpu.memref_slice %arg10[%dma_start3A_1173, %dma_start3A_1174] : memref<64x512xf32, #tpu.memory_space<vmem>> -> memref<1x512xf32, #tpu.memory_space<vmem>>
    %dma_start3A_1176 = tpu.memref_squeeze %dma_start3A_1175 : memref<1x512xf32, #tpu.memory_space<vmem>> -> memref<512xf32, #tpu.memory_space<vmem>>
    %dma_start3A_1177 = arith.constant 0 : i32
    %dma_start3A_1178 = tpu.memref_slice %arg4[%dma_start3A_1172, %dma_start3A_1177] : memref<64x1000000xf32, #tpu.memory_space<hbm>> -> memref<1x1000000xf32, #tpu.memory_space<hbm>>
    %dma_start3A_1179 = tpu.memref_squeeze %dma_start3A_1178 : memref<1x1000000xf32, #tpu.memory_space<hbm>> -> memref<1000000xf32, #tpu.memory_space<hbm>>
    %dma_start3A_1180 = arith.constant 0 : i32
    %dma_start3A_1181 = tpu.memref_slice %dma_start3A_1179[%dma_start3A_1180] : memref<1000000xf32, #tpu.memory_space<hbm>> -> memref<1000000xf32, #tpu.memory_space<hbm>>
    tpu.enqueue_indirect_dma source(%dma_start3A_1181 : memref<1000000xf32, #tpu.memory_space<hbm>>) target(%dma_start3A_1176 : memref<512xf32, #tpu.memory_space<vmem>>) offsets(%arg8 : memref<512xi32, #tpu.memory_space<vmem>>) semaphore(%arg11 : memref<!tpu.dma_semaphore, #tpu.memory_space<semaphore_mem>>)
    %dma_start3A_1182 = arith.constant 59 : i32
    %dma_start3A_1183 = arith.constant 59 : i32
    %dma_start3A_1184 = arith.constant 0 : i32
    %dma_start3A_1185 = tpu.memref_slice %arg9[%dma_start3A_1183, %dma_start3A_1184] : memref<64x512xf32, #tpu.memory_space<vmem>> -> memref<1x512xf32, #tpu.memory_space<vmem>>
    %dma_start3A_1186 = tpu.memref_squeeze %dma_start3A_1185 : memref<1x512xf32, #tpu.memory_space<vmem>> -> memref<512xf32, #tpu.memory_space<vmem>>
    %dma_start3A_1187 = arith.constant 0 : i32
    %dma_start3A_1188 = tpu.memref_slice %arg4[%dma_start3A_1182, %dma_start3A_1187] : memref<64x1000000xf32, #tpu.memory_space<hbm>> -> memref<1x1000000xf32, #tpu.memory_space<hbm>>
    %dma_start3A_1189 = tpu.memref_squeeze %dma_start3A_1188 : memref<1x1000000xf32, #tpu.memory_space<hbm>> -> memref<1000000xf32, #tpu.memory_space<hbm>>
    %dma_start3A_1190 = arith.constant 0 : i32
    %dma_start3A_1191 = tpu.memref_slice %dma_start3A_1189[%dma_start3A_1190] : memref<1000000xf32, #tpu.memory_space<hbm>> -> memref<1000000xf32, #tpu.memory_space<hbm>>
    tpu.enqueue_indirect_dma source(%dma_start3A_1191 : memref<1000000xf32, #tpu.memory_space<hbm>>) target(%dma_start3A_1186 : memref<512xf32, #tpu.memory_space<vmem>>) offsets(%arg7 : memref<512xi32, #tpu.memory_space<vmem>>) semaphore(%arg11 : memref<!tpu.dma_semaphore, #tpu.memory_space<semaphore_mem>>)
    %dma_start3A_1192 = arith.constant 59 : i32
    %dma_start3A_1193 = arith.constant 59 : i32
    %dma_start3A_1194 = arith.constant 0 : i32
    %dma_start3A_1195 = tpu.memref_slice %arg10[%dma_start3A_1193, %dma_start3A_1194] : memref<64x512xf32, #tpu.memory_space<vmem>> -> memref<1x512xf32, #tpu.memory_space<vmem>>
    %dma_start3A_1196 = tpu.memref_squeeze %dma_start3A_1195 : memref<1x512xf32, #tpu.memory_space<vmem>> -> memref<512xf32, #tpu.memory_space<vmem>>
    %dma_start3A_1197 = arith.constant 0 : i32
    %dma_start3A_1198 = tpu.memref_slice %arg4[%dma_start3A_1192, %dma_start3A_1197] : memref<64x1000000xf32, #tpu.memory_space<hbm>> -> memref<1x1000000xf32, #tpu.memory_space<hbm>>
    %dma_start3A_1199 = tpu.memref_squeeze %dma_start3A_1198 : memref<1x1000000xf32, #tpu.memory_space<hbm>> -> memref<1000000xf32, #tpu.memory_space<hbm>>
    %dma_start3A_1200 = arith.constant 0 : i32
    %dma_start3A_1201 = tpu.memref_slice %dma_start3A_1199[%dma_start3A_1200] : memref<1000000xf32, #tpu.memory_space<hbm>> -> memref<1000000xf32, #tpu.memory_space<hbm>>
    tpu.enqueue_indirect_dma source(%dma_start3A_1201 : memref<1000000xf32, #tpu.memory_space<hbm>>) target(%dma_start3A_1196 : memref<512xf32, #tpu.memory_space<vmem>>) offsets(%arg8 : memref<512xi32, #tpu.memory_space<vmem>>) semaphore(%arg11 : memref<!tpu.dma_semaphore, #tpu.memory_space<semaphore_mem>>)
    %dma_start3A_1202 = arith.constant 60 : i32
    %dma_start3A_1203 = arith.constant 60 : i32
    %dma_start3A_1204 = arith.constant 0 : i32
    %dma_start3A_1205 = tpu.memref_slice %arg9[%dma_start3A_1203, %dma_start3A_1204] : memref<64x512xf32, #tpu.memory_space<vmem>> -> memref<1x512xf32, #tpu.memory_space<vmem>>
    %dma_start3A_1206 = tpu.memref_squeeze %dma_start3A_1205 : memref<1x512xf32, #tpu.memory_space<vmem>> -> memref<512xf32, #tpu.memory_space<vmem>>
    %dma_start3A_1207 = arith.constant 0 : i32
    %dma_start3A_1208 = tpu.memref_slice %arg4[%dma_start3A_1202, %dma_start3A_1207] : memref<64x1000000xf32, #tpu.memory_space<hbm>> -> memref<1x1000000xf32, #tpu.memory_space<hbm>>
    %dma_start3A_1209 = tpu.memref_squeeze %dma_start3A_1208 : memref<1x1000000xf32, #tpu.memory_space<hbm>> -> memref<1000000xf32, #tpu.memory_space<hbm>>
    %dma_start3A_1210 = arith.constant 0 : i32
    %dma_start3A_1211 = tpu.memref_slice %dma_start3A_1209[%dma_start3A_1210] : memref<1000000xf32, #tpu.memory_space<hbm>> -> memref<1000000xf32, #tpu.memory_space<hbm>>
    tpu.enqueue_indirect_dma source(%dma_start3A_1211 : memref<1000000xf32, #tpu.memory_space<hbm>>) target(%dma_start3A_1206 : memref<512xf32, #tpu.memory_space<vmem>>) offsets(%arg7 : memref<512xi32, #tpu.memory_space<vmem>>) semaphore(%arg11 : memref<!tpu.dma_semaphore, #tpu.memory_space<semaphore_mem>>)
    %dma_start3A_1212 = arith.constant 60 : i32
    %dma_start3A_1213 = arith.constant 60 : i32
    %dma_start3A_1214 = arith.constant 0 : i32
    %dma_start3A_1215 = tpu.memref_slice %arg10[%dma_start3A_1213, %dma_start3A_1214] : memref<64x512xf32, #tpu.memory_space<vmem>> -> memref<1x512xf32, #tpu.memory_space<vmem>>
    %dma_start3A_1216 = tpu.memref_squeeze %dma_start3A_1215 : memref<1x512xf32, #tpu.memory_space<vmem>> -> memref<512xf32, #tpu.memory_space<vmem>>
    %dma_start3A_1217 = arith.constant 0 : i32
    %dma_start3A_1218 = tpu.memref_slice %arg4[%dma_start3A_1212, %dma_start3A_1217] : memref<64x1000000xf32, #tpu.memory_space<hbm>> -> memref<1x1000000xf32, #tpu.memory_space<hbm>>
    %dma_start3A_1219 = tpu.memref_squeeze %dma_start3A_1218 : memref<1x1000000xf32, #tpu.memory_space<hbm>> -> memref<1000000xf32, #tpu.memory_space<hbm>>
    %dma_start3A_1220 = arith.constant 0 : i32
    %dma_start3A_1221 = tpu.memref_slice %dma_start3A_1219[%dma_start3A_1220] : memref<1000000xf32, #tpu.memory_space<hbm>> -> memref<1000000xf32, #tpu.memory_space<hbm>>
    tpu.enqueue_indirect_dma source(%dma_start3A_1221 : memref<1000000xf32, #tpu.memory_space<hbm>>) target(%dma_start3A_1216 : memref<512xf32, #tpu.memory_space<vmem>>) offsets(%arg8 : memref<512xi32, #tpu.memory_space<vmem>>) semaphore(%arg11 : memref<!tpu.dma_semaphore, #tpu.memory_space<semaphore_mem>>)
    %dma_start3A_1222 = arith.constant 61 : i32
    %dma_start3A_1223 = arith.constant 61 : i32
    %dma_start3A_1224 = arith.constant 0 : i32
    %dma_start3A_1225 = tpu.memref_slice %arg9[%dma_start3A_1223, %dma_start3A_1224] : memref<64x512xf32, #tpu.memory_space<vmem>> -> memref<1x512xf32, #tpu.memory_space<vmem>>
    %dma_start3A_1226 = tpu.memref_squeeze %dma_start3A_1225 : memref<1x512xf32, #tpu.memory_space<vmem>> -> memref<512xf32, #tpu.memory_space<vmem>>
    %dma_start3A_1227 = arith.constant 0 : i32
    %dma_start3A_1228 = tpu.memref_slice %arg4[%dma_start3A_1222, %dma_start3A_1227] : memref<64x1000000xf32, #tpu.memory_space<hbm>> -> memref<1x1000000xf32, #tpu.memory_space<hbm>>
    %dma_start3A_1229 = tpu.memref_squeeze %dma_start3A_1228 : memref<1x1000000xf32, #tpu.memory_space<hbm>> -> memref<1000000xf32, #tpu.memory_space<hbm>>
    %dma_start3A_1230 = arith.constant 0 : i32
    %dma_start3A_1231 = tpu.memref_slice %dma_start3A_1229[%dma_start3A_1230] : memref<1000000xf32, #tpu.memory_space<hbm>> -> memref<1000000xf32, #tpu.memory_space<hbm>>
    tpu.enqueue_indirect_dma source(%dma_start3A_1231 : memref<1000000xf32, #tpu.memory_space<hbm>>) target(%dma_start3A_1226 : memref<512xf32, #tpu.memory_space<vmem>>) offsets(%arg7 : memref<512xi32, #tpu.memory_space<vmem>>) semaphore(%arg11 : memref<!tpu.dma_semaphore, #tpu.memory_space<semaphore_mem>>)
    %dma_start3A_1232 = arith.constant 61 : i32
    %dma_start3A_1233 = arith.constant 61 : i32
    %dma_start3A_1234 = arith.constant 0 : i32
    %dma_start3A_1235 = tpu.memref_slice %arg10[%dma_start3A_1233, %dma_start3A_1234] : memref<64x512xf32, #tpu.memory_space<vmem>> -> memref<1x512xf32, #tpu.memory_space<vmem>>
    %dma_start3A_1236 = tpu.memref_squeeze %dma_start3A_1235 : memref<1x512xf32, #tpu.memory_space<vmem>> -> memref<512xf32, #tpu.memory_space<vmem>>
    %dma_start3A_1237 = arith.constant 0 : i32
    %dma_start3A_1238 = tpu.memref_slice %arg4[%dma_start3A_1232, %dma_start3A_1237] : memref<64x1000000xf32, #tpu.memory_space<hbm>> -> memref<1x1000000xf32, #tpu.memory_space<hbm>>
    %dma_start3A_1239 = tpu.memref_squeeze %dma_start3A_1238 : memref<1x1000000xf32, #tpu.memory_space<hbm>> -> memref<1000000xf32, #tpu.memory_space<hbm>>
    %dma_start3A_1240 = arith.constant 0 : i32
    %dma_start3A_1241 = tpu.memref_slice %dma_start3A_1239[%dma_start3A_1240] : memref<1000000xf32, #tpu.memory_space<hbm>> -> memref<1000000xf32, #tpu.memory_space<hbm>>
    tpu.enqueue_indirect_dma source(%dma_start3A_1241 : memref<1000000xf32, #tpu.memory_space<hbm>>) target(%dma_start3A_1236 : memref<512xf32, #tpu.memory_space<vmem>>) offsets(%arg8 : memref<512xi32, #tpu.memory_space<vmem>>) semaphore(%arg11 : memref<!tpu.dma_semaphore, #tpu.memory_space<semaphore_mem>>)
    %dma_start3A_1242 = arith.constant 62 : i32
    %dma_start3A_1243 = arith.constant 62 : i32
    %dma_start3A_1244 = arith.constant 0 : i32
    %dma_start3A_1245 = tpu.memref_slice %arg9[%dma_start3A_1243, %dma_start3A_1244] : memref<64x512xf32, #tpu.memory_space<vmem>> -> memref<1x512xf32, #tpu.memory_space<vmem>>
    %dma_start3A_1246 = tpu.memref_squeeze %dma_start3A_1245 : memref<1x512xf32, #tpu.memory_space<vmem>> -> memref<512xf32, #tpu.memory_space<vmem>>
    %dma_start3A_1247 = arith.constant 0 : i32
    %dma_start3A_1248 = tpu.memref_slice %arg4[%dma_start3A_1242, %dma_start3A_1247] : memref<64x1000000xf32, #tpu.memory_space<hbm>> -> memref<1x1000000xf32, #tpu.memory_space<hbm>>
    %dma_start3A_1249 = tpu.memref_squeeze %dma_start3A_1248 : memref<1x1000000xf32, #tpu.memory_space<hbm>> -> memref<1000000xf32, #tpu.memory_space<hbm>>
    %dma_start3A_1250 = arith.constant 0 : i32
    %dma_start3A_1251 = tpu.memref_slice %dma_start3A_1249[%dma_start3A_1250] : memref<1000000xf32, #tpu.memory_space<hbm>> -> memref<1000000xf32, #tpu.memory_space<hbm>>
    tpu.enqueue_indirect_dma source(%dma_start3A_1251 : memref<1000000xf32, #tpu.memory_space<hbm>>) target(%dma_start3A_1246 : memref<512xf32, #tpu.memory_space<vmem>>) offsets(%arg7 : memref<512xi32, #tpu.memory_space<vmem>>) semaphore(%arg11 : memref<!tpu.dma_semaphore, #tpu.memory_space<semaphore_mem>>)
    %dma_start3A_1252 = arith.constant 62 : i32
    %dma_start3A_1253 = arith.constant 62 : i32
    %dma_start3A_1254 = arith.constant 0 : i32
    %dma_start3A_1255 = tpu.memref_slice %arg10[%dma_start3A_1253, %dma_start3A_1254] : memref<64x512xf32, #tpu.memory_space<vmem>> -> memref<1x512xf32, #tpu.memory_space<vmem>>
    %dma_start3A_1256 = tpu.memref_squeeze %dma_start3A_1255 : memref<1x512xf32, #tpu.memory_space<vmem>> -> memref<512xf32, #tpu.memory_space<vmem>>
    %dma_start3A_1257 = arith.constant 0 : i32
    %dma_start3A_1258 = tpu.memref_slice %arg4[%dma_start3A_1252, %dma_start3A_1257] : memref<64x1000000xf32, #tpu.memory_space<hbm>> -> memref<1x1000000xf32, #tpu.memory_space<hbm>>
    %dma_start3A_1259 = tpu.memref_squeeze %dma_start3A_1258 : memref<1x1000000xf32, #tpu.memory_space<hbm>> -> memref<1000000xf32, #tpu.memory_space<hbm>>
    %dma_start3A_1260 = arith.constant 0 : i32
    %dma_start3A_1261 = tpu.memref_slice %dma_start3A_1259[%dma_start3A_1260] : memref<1000000xf32, #tpu.memory_space<hbm>> -> memref<1000000xf32, #tpu.memory_space<hbm>>
    tpu.enqueue_indirect_dma source(%dma_start3A_1261 : memref<1000000xf32, #tpu.memory_space<hbm>>) target(%dma_start3A_1256 : memref<512xf32, #tpu.memory_space<vmem>>) offsets(%arg8 : memref<512xi32, #tpu.memory_space<vmem>>) semaphore(%arg11 : memref<!tpu.dma_semaphore, #tpu.memory_space<semaphore_mem>>)
    %dma_start3A_1262 = arith.constant 63 : i32
    %dma_start3A_1263 = arith.constant 63 : i32
    %dma_start3A_1264 = arith.constant 0 : i32
    %dma_start3A_1265 = tpu.memref_slice %arg9[%dma_start3A_1263, %dma_start3A_1264] : memref<64x512xf32, #tpu.memory_space<vmem>> -> memref<1x512xf32, #tpu.memory_space<vmem>>
    %dma_start3A_1266 = tpu.memref_squeeze %dma_start3A_1265 : memref<1x512xf32, #tpu.memory_space<vmem>> -> memref<512xf32, #tpu.memory_space<vmem>>
    %dma_start3A_1267 = arith.constant 0 : i32
    %dma_start3A_1268 = tpu.memref_slice %arg4[%dma_start3A_1262, %dma_start3A_1267] : memref<64x1000000xf32, #tpu.memory_space<hbm>> -> memref<1x1000000xf32, #tpu.memory_space<hbm>>
    %dma_start3A_1269 = tpu.memref_squeeze %dma_start3A_1268 : memref<1x1000000xf32, #tpu.memory_space<hbm>> -> memref<1000000xf32, #tpu.memory_space<hbm>>
    %dma_start3A_1270 = arith.constant 0 : i32
    %dma_start3A_1271 = tpu.memref_slice %dma_start3A_1269[%dma_start3A_1270] : memref<1000000xf32, #tpu.memory_space<hbm>> -> memref<1000000xf32, #tpu.memory_space<hbm>>
    tpu.enqueue_indirect_dma source(%dma_start3A_1271 : memref<1000000xf32, #tpu.memory_space<hbm>>) target(%dma_start3A_1266 : memref<512xf32, #tpu.memory_space<vmem>>) offsets(%arg7 : memref<512xi32, #tpu.memory_space<vmem>>) semaphore(%arg11 : memref<!tpu.dma_semaphore, #tpu.memory_space<semaphore_mem>>)
    %dma_start3A_1272 = arith.constant 63 : i32
    %dma_start3A_1273 = arith.constant 63 : i32
    %dma_start3A_1274 = arith.constant 0 : i32
    %dma_start3A_1275 = tpu.memref_slice %arg10[%dma_start3A_1273, %dma_start3A_1274] : memref<64x512xf32, #tpu.memory_space<vmem>> -> memref<1x512xf32, #tpu.memory_space<vmem>>
    %dma_start3A_1276 = tpu.memref_squeeze %dma_start3A_1275 : memref<1x512xf32, #tpu.memory_space<vmem>> -> memref<512xf32, #tpu.memory_space<vmem>>
    %dma_start3A_1277 = arith.constant 0 : i32
    %dma_start3A_1278 = tpu.memref_slice %arg4[%dma_start3A_1272, %dma_start3A_1277] : memref<64x1000000xf32, #tpu.memory_space<hbm>> -> memref<1x1000000xf32, #tpu.memory_space<hbm>>
    %dma_start3A_1279 = tpu.memref_squeeze %dma_start3A_1278 : memref<1x1000000xf32, #tpu.memory_space<hbm>> -> memref<1000000xf32, #tpu.memory_space<hbm>>
    %dma_start3A_1280 = arith.constant 0 : i32
    %dma_start3A_1281 = tpu.memref_slice %dma_start3A_1279[%dma_start3A_1280] : memref<1000000xf32, #tpu.memory_space<hbm>> -> memref<1000000xf32, #tpu.memory_space<hbm>>
    tpu.enqueue_indirect_dma source(%dma_start3A_1281 : memref<1000000xf32, #tpu.memory_space<hbm>>) target(%dma_start3A_1276 : memref<512xf32, #tpu.memory_space<vmem>>) offsets(%arg8 : memref<512xi32, #tpu.memory_space<vmem>>) semaphore(%arg11 : memref<!tpu.dma_semaphore, #tpu.memory_space<semaphore_mem>>)
    %dma_wait3A = arith.constant 0 : i32
    %dma_wait3A_1282 = arith.constant 0 : i32
    %dma_wait3A_1283 = tpu.memref_slice %arg5[%dma_wait3A, %dma_wait3A_1282] : memref<64x16384xf32, #tpu.memory_space<hbm>> -> memref<64x512xf32, #tpu.memory_space<hbm>>
    %dma_wait3A_1284 = arith.constant 0 : i32
    %dma_wait3A_1285 = arith.constant 0 : i32
    %dma_wait3A_1286 = tpu.memref_slice %arg5[%dma_wait3A_1284, %dma_wait3A_1285] : memref<64x16384xf32, #tpu.memory_space<hbm>> -> memref<64x512xf32, #tpu.memory_space<hbm>>
    tpu.wait_dma2 semaphore(%arg11 : memref<!tpu.dma_semaphore, #tpu.memory_space<semaphore_mem>>) src(%dma_wait3A_1286 : memref<64x512xf32, #tpu.memory_space<hbm>>) dst(%arg9 : memref<64x512xf32, #tpu.memory_space<vmem>>)
    %dma_wait3A_1287 = arith.constant 0 : i32
    %dma_wait3A_1288 = arith.constant 0 : i32
    %dma_wait3A_1289 = tpu.memref_slice %arg5[%dma_wait3A_1287, %dma_wait3A_1288] : memref<64x16384xf32, #tpu.memory_space<hbm>> -> memref<64x512xf32, #tpu.memory_space<hbm>>
    %dma_wait3A_1290 = arith.constant 0 : i32
    %dma_wait3A_1291 = arith.constant 0 : i32
    %dma_wait3A_1292 = tpu.memref_slice %arg5[%dma_wait3A_1290, %dma_wait3A_1291] : memref<64x16384xf32, #tpu.memory_space<hbm>> -> memref<64x512xf32, #tpu.memory_space<hbm>>
    tpu.wait_dma2 semaphore(%arg11 : memref<!tpu.dma_semaphore, #tpu.memory_space<semaphore_mem>>) src(%dma_wait3A_1292 : memref<64x512xf32, #tpu.memory_space<hbm>>) dst(%arg10 : memref<64x512xf32, #tpu.memory_space<vmem>>)
    "tpu.region"() ({
      %run_scoped3A = tpu.sem_alloc : memref<!tpu.dma_semaphore, #tpu.memory_space<semaphore_mem>>
      %dma_start3A_1293 = arith.constant 0 : i32
      %dma_start3A_1294 = tpu.memref_slice %arg5[%dma_start3A_1293, %mul3A_2] : memref<64x16384xf32, #tpu.memory_space<hbm>> -> memref<64x512xf32, #tpu.memory_space<hbm>>
      %dma_start3A_1295 = arith.constant 0 : i32
      %dma_start3A_1296 = tpu.memref_slice %arg5[%dma_start3A_1295, %mul3A_2] : memref<64x16384xf32, #tpu.memory_space<hbm>> -> memref<64x512xf32, #tpu.memory_space<hbm>>
      tpu.enqueue_dma source(%arg9 : memref<64x512xf32, #tpu.memory_space<vmem>>) target(%dma_start3A_1296 : memref<64x512xf32, #tpu.memory_space<hbm>>) target_semaphore(%run_scoped3A : memref<!tpu.dma_semaphore, #tpu.memory_space<semaphore_mem>>)
      %dma_wait3A_1297 = arith.constant 0 : i32
      %dma_wait3A_1298 = tpu.memref_slice %arg5[%dma_wait3A_1297, %mul3A_2] : memref<64x16384xf32, #tpu.memory_space<hbm>> -> memref<64x512xf32, #tpu.memory_space<hbm>>
      %dma_wait3A_1299 = arith.constant 0 : i32
      %dma_wait3A_1300 = tpu.memref_slice %arg5[%dma_wait3A_1299, %mul3A_2] : memref<64x16384xf32, #tpu.memory_space<hbm>> -> memref<64x512xf32, #tpu.memory_space<hbm>>
      tpu.wait_dma2 semaphore(%run_scoped3A : memref<!tpu.dma_semaphore, #tpu.memory_space<semaphore_mem>>) src(%arg9 : memref<64x512xf32, #tpu.memory_space<vmem>>) dst(%dma_wait3A_1300 : memref<64x512xf32, #tpu.memory_space<hbm>>)
      tpu.yield
    }) : () -> ()
    "tpu.region"() ({
      %run_scoped3A = tpu.sem_alloc : memref<!tpu.dma_semaphore, #tpu.memory_space<semaphore_mem>>
      %dma_start3A_1293 = arith.constant 0 : i32
      %dma_start3A_1294 = tpu.memref_slice %arg6[%dma_start3A_1293, %mul3A_2] : memref<64x16384xf32, #tpu.memory_space<hbm>> -> memref<64x512xf32, #tpu.memory_space<hbm>>
      %dma_start3A_1295 = arith.constant 0 : i32
      %dma_start3A_1296 = tpu.memref_slice %arg6[%dma_start3A_1295, %mul3A_2] : memref<64x16384xf32, #tpu.memory_space<hbm>> -> memref<64x512xf32, #tpu.memory_space<hbm>>
      tpu.enqueue_dma source(%arg10 : memref<64x512xf32, #tpu.memory_space<vmem>>) target(%dma_start3A_1296 : memref<64x512xf32, #tpu.memory_space<hbm>>) target_semaphore(%run_scoped3A : memref<!tpu.dma_semaphore, #tpu.memory_space<semaphore_mem>>)
      %dma_wait3A_1297 = arith.constant 0 : i32
      %dma_wait3A_1298 = tpu.memref_slice %arg6[%dma_wait3A_1297, %mul3A_2] : memref<64x16384xf32, #tpu.memory_space<hbm>> -> memref<64x512xf32, #tpu.memory_space<hbm>>
      %dma_wait3A_1299 = arith.constant 0 : i32
      %dma_wait3A_1300 = tpu.memref_slice %arg6[%dma_wait3A_1299, %mul3A_2] : memref<64x16384xf32, #tpu.memory_space<hbm>> -> memref<64x512xf32, #tpu.memory_space<hbm>>
      tpu.wait_dma2 semaphore(%run_scoped3A : memref<!tpu.dma_semaphore, #tpu.memory_space<semaphore_mem>>) src(%arg10 : memref<64x512xf32, #tpu.memory_space<vmem>>) dst(%dma_wait3A_1300 : memref<64x512xf32, #tpu.memory_space<hbm>>)
      tpu.yield
    }) : () -> ()
    return
  }
}

</mosaic_0001>

<sc_bundles>
// kernel: kernel.3.cloned.1.call-start
scs
__scs_entry_jumppad:
0x0: {  	(pc) =	sbr.rel $0x88, $3  }
0x1: {  	(tag) =	ssettag $0x0;
	lr =	simm.s32 $0x1  }
0x2: {  	[smem:$0x3F9E] =	sst lr;
	_ =	strace $0xD0000000  }
0x3: {  	_ = 	snop  }
0x4: {  	_ = 	snop  }
0x5: {  	_ = 	snop  }
0x6: {  	_ = 	snop  }
0x7: {  	_ = 	snop  }
__scs_overlays_trampoline_lowered:
0x8: {  	[smem:$0x3FAD] =	sst s0  }
0x9: {  	[smem:$0x3FAE] =	sst s1  }
0xa: {  	[smem:$0x3FAF] =	sst s2  }
0xb: {  	[smem:$0x3FB0] =	sst s3  }
0xc: {  	[smem:$0x3FB1] =	sst s4  }
0xd: {  	[smem:$0x3FB2] =	sst s5  }
0xe: {  	[smem:$0x3FB3] =	sst s6  }
0xf: {  	[smem:$0x3FB4] =	sst s7  }
0x10: {  	[smem:$0x3FB5] =	sst s8  }
0x11: {  	[smem:$0x3FB6] =	sst s9;
	s0 =	simm.s32 @!p0 $0x0  }
0x12: {  	s1 =	sld [smem:$0x3F9C];
	s0 =	simm.s32 @p0 $0x1  }
0x13: {  	[smem:$0x3FB7] =	sst s0;
	s0 =	simm.s32 @!p1 $0x0  }
0x14: {  	s2 =	sld [smem:$0x3F9B];
	s0 =	simm.s32 @p1 $0x1  }
0x15: {  	[smem:$0x3FB8] =	sst s0;
	s0 =	simm.s32 @!p2 $0x0  }
0x16: {  	s3 =	sld [smem:$0x3FDB];
	s0 =	simm.s32 @p2 $0x1  }
0x17: {  	s4 =	simm.s32 $0x1BF5;
	[smem:$0x3FBA] =	sst s0  }
0x18: {  	s0 =	sld [smem:$0x3F9D];
	_ =	swait.ge [sflag:s4], $0x0  }
0x19: {  	s7 =	sld [smem:$0x3F9E]  }
0x1a: {  	s8 =	sadd.s32 $0xFFFFE003, lr  }
0x1b: {  	s9 =	sadd.s32 $0xFFFFFEF7, lr;
	s5 =	simm.s32 $0xFFFFFFFF;
	p2 =	slt.u32 s8, $0xFFFFF086  }
0x1c: {  	p1 =	slt.u32 s9, $0xF7A;
	s5 =	simm.s32 @!p2 $0x0  }
0x1d: {  	s5 =	simm.s32 @p1 $0x1;
	p0 =	seq.s32 s7, s2  }
0x1e: {  	s7 =	smul.u32 @!p0 $0xF7A, s2;
	p2 =	seq.s32 @!p0 s5, $0x0  }
0x1f: {  	s9 =	smul.u32 $0xF7A, s1;
	s8 =	simm.s32 @!p0 $0x1BF5;
	p2 =	por !p2, p0  }
0x20: {  	[sflag:s8] =	ssyncset.s32 @!p0 $0xFFFFF086;
	s6 =	sadd.s32 @!p0 s3, s7;
	s7 =	simm.s32 @!p0 $0x108  }
0x21: {  	s3 =	sadd.s32 s3, s9;
	s6 =	sadd.s32 @!p0 $0x88, s6;
	s7 =	simm.s32 @p2 $0x1082  }
0x22: {  	[simem:s7], [sflag:s8] =	dma.local @!p0 [hbm:s6], $0xF7A  }
0x23: {  	s9 =	sor.u32 $0xD0000000, s2;
	s6 =	simm.s32 $0x108;
	_ =	swait.ge @!p0 [sflag:s8], $0x0  }
0x24: {  	s3 =	sadd.s32 $0x88, s3;
	s6 =	simm.s32 @!p1 $0x1082;
	[sflag:s4] =	ssyncset.s32 $0xFFFFF086  }
0x25: {  	[simem:s6], [sflag:s4] =	dma.local [hbm:s3], $0xF7A  }
0x26: {  	[smem:$0x3F9E] =	sst s1;
	(tag) =	ssettag s2;
	_ =	strace s9  }
0x27: {  	s1 =	sld [smem:$0x3FAE]  }
0x28: {  	s2 =	sld [smem:$0x3FAF]  }
0x29: {  	s4 =	sld [smem:$0x3FB1]  }
0x2a: {  	p0 =	seq.s32 s5, $0x0;
	s5 =	sld [smem:$0x3FB2]  }
0x2b: {  	s6 =	sld [smem:$0x3FB3]  }
0x2c: {  	s7 =	sld [smem:$0x3FB4]  }
0x2d: {  	s3 =	simm.s32 $0x108;
	s8 =	sld [smem:$0x3FB5]  }
0x2e: {  	s3 =	simm.s32 @!p0 $0x1082;
	s9 =	sld [smem:$0x3FB6]  }
0x2f: {  	lr =	sadd.s32 s0, s3;
	s0 =	sld [smem:$0x3FAD]  }
0x30: {  	s3 =	sld [smem:$0x3FB0]  }
0x31: {  	[smem:$0x3FB9] =	sst s10  }
0x32: {  	s10 =	sld [smem:$0x3FB7];
	_ =	sdelay $0x3  }
0x33: {  	p0 =	seq.s32 s10, $0x1;
	s10 =	sld [smem:$0x3FB9];
	_ =	sdelay $0x3  }
0x34: {  	[smem:$0x3FB9] =	sst s10  }
0x35: {  	s10 =	sld [smem:$0x3FB8];
	_ =	sdelay $0x3  }
0x36: {  	p1 =	seq.s32 s10, $0x1;
	s10 =	sld [smem:$0x3FB9];
	_ =	sdelay $0x3  }
0x37: {  	[smem:$0x3FB9] =	sst s10  }
0x38: {  	s10 =	sld [smem:$0x3FBA]  }
0x39: {  	_ = 	snop;
	(pc) =	sbr.ind lr, $3  }
0x3a: {  	_ = 	snop  }
0x3b: {  	_ = 	snop  }
0x3c: {  	p2 =	seq.s32 s10, $0x1;
	s10 =	sld [smem:$0x3FB9]  }
0x3d: {  	_ =	shalt  }
0x3e: {  	_ =	shalt  }
0x3f: {  	_ =	shalt  }
0x40: {  	_ =	shalt  }
0x41: {  	_ =	shalt  }
0x42: {  	_ =	shalt  }
0x43: {  	_ =	shalt  }
0x44: {  	_ =	shalt  }
0x45: {  	_ =	shalt  }
0x46: {  	_ =	shalt  }
0x47: {  	_ =	shalt  }
0x48: {  	_ =	shalt  }
0x49: {  	_ =	shalt  }
0x4a: {  	_ =	shalt  }
0x4b: {  	_ =	shalt  }
0x4c: {  	_ =	shalt  }
0x4d: {  	_ =	shalt  }
0x4e: {  	_ =	shalt  }
0x4f: {  	_ =	shalt  }
0x50: {  	_ =	shalt  }
0x51: {  	_ =	shalt  }
0x52: {  	_ =	shalt  }
0x53: {  	_ =	shalt  }
0x54: {  	_ =	shalt  }
0x55: {  	_ =	shalt  }
0x56: {  	_ =	shalt  }
0x57: {  	_ =	shalt  }
0x58: {  	_ =	shalt  }
0x59: {  	_ =	shalt  }
0x5a: {  	_ =	shalt  }
0x5b: {  	_ =	shalt  }
0x5c: {  	_ =	shalt  }
0x5d: {  	_ =	shalt  }
0x5e: {  	_ =	shalt  }
0x5f: {  	_ =	shalt  }
0x60: {  	_ =	shalt  }
0x61: {  	_ =	shalt  }
0x62: {  	_ =	shalt  }
0x63: {  	_ =	shalt  }
0x64: {  	_ =	shalt  }
0x65: {  	_ =	shalt  }
0x66: {  	_ =	shalt  }
0x67: {  	_ =	shalt  }
0x68: {  	_ =	shalt  }
0x69: {  	_ =	shalt  }
0x6a: {  	_ =	shalt  }
0x6b: {  	_ =	shalt  }
0x6c: {  	_ =	shalt  }
0x6d: {  	_ =	shalt  }
0x6e: {  	_ =	shalt  }
0x6f: {  	_ =	shalt  }
0x70: {  	_ =	shalt  }
0x71: {  	_ =	shalt  }
0x72: {  	_ =	shalt  }
0x73: {  	_ =	shalt  }
0x74: {  	_ =	shalt  }
0x75: {  	_ =	shalt  }
0x76: {  	_ =	shalt  }
0x77: {  	_ =	shalt  }
0x78: {  	_ =	shalt  }
0x79: {  	_ =	shalt  }
0x7a: {  	_ =	shalt  }
0x7b: {  	_ =	shalt  }
0x7c: {  	_ =	shalt  }
0x7d: {  	_ =	shalt  }
0x7e: {  	_ =	shalt  }
0x7f: {  	_ =	shalt  }
0x80: {  	_ =	shalt  }
0x81: {  	_ =	shalt  }
0x82: {  	_ =	shalt  }
0x83: {  	_ =	shalt  }
0x84: {  	_ =	shalt  }
0x85: {  	_ =	shalt  }
0x86: {  	_ =	shalt  }
0x87: {  	_ =	shalt  }
.Lfunc_end0:
.L_simem_size_0:
called_computation_lowered:
.L_overlay_start_0:
0x88: {  	s2 =	sld [smem:$0x3FD9]  }
0x89: {  	s3 =	sld [smem:$0x3FFE];
	_ =	sdelay $0x1  }
0x8a: {  	s1 =	srdreg.scid  }
0x8b: {  	s0 =	sand.u32 $0x1, s1  }
0x8c: {  	s14 =	sshll.u32 s0, $0xA;
	s2 =	sadd.s32 s3, s2  }
0x8d: {  	s2 =	sadd.s32 s2, s14  }
0x8e: {  	[smem:$0x3FC5] =	sst s2  }
0x8f: {  	_ = 	snop  }
0x90: {  	s2 =	sld [smem:$0x3FD0];
	_ =	sdelay $0x1  }
0x91: {  	s15 =	sld [smem:$0x3FC9]  }
0x92: {  	s5 =	simm.s32 $0xA;
	s6 =	simm.s32 $0x10;
	s4 =	sld [smem:$0x3FC8]  }
0x93: {  	[smem:s6], [sflag:s5] =	dma.local [hbm:s2], $0x1  }
0x94: {  	_ =	swait.eq [sflag:s5], $0x1  }
0x95: {  	[sflag:s5] =	ssyncset.done $0x0  }
0x96: {  	[sflag:s5] =	ssyncadd.s32 $0xFFFFFFFF  }
0x97: {  	s16 =	sld [smem:$0x11];
	(tm) =	ssettm $0x1  }
0x98: {  	s17 =	sld [smem:$0x3FFB];
	_ =	sdelay $0x3  }
0x99: {  	_ =	strace s17  }
0x9a: {  	s5 =	sld [smem:$0x3FFC];
	_ =	sdelay $0x3  }
0x9b: {  	_ =	strace s5  }
0x9c: {  	s5 =	sld [smem:$0x3FFD];
	_ =	sdelay $0x3  }
0x9d: {  	_ =	strace s5  }
0x9e: {  	_ =	strace $0x8FFFFFFF  }
0x9f: {  	s18 =	sld [smem:$0x3FDB];
	_ =	sdelay $0x1  }
0xa0: {  	s19 =	simm.s32 $_scs_section_size  }
0xa1: {  	s7 =	simm.s32 $_size__tile_overlayer_lowered;
	s8 =	simm.s32 $_tile_overlayer_lowered  }
0xa2: {  	s22 =	simm.s32 $0x1BFF;
	s21 =	sshll.u32 s8, $0x1;
	s5 =	sadd.s32 s19, s18  }
0xa3: {  	s9 =	simm.s32 $0x0;
	s20 =	sshll.u32 s7, $0x1;
	s7 =	sadd.s32 s21, s5  }
0xa4: {  	[timem:s9], [sflag:s22] =	dma.local [hbm:s7], s20  }
0xa5: {  	_ =	swait.ge [sflag:s22], s20  }
0xa6: {  	s6 =	ssub.s32 $0x0, s20;
	[sflag:s22] =	ssyncset.done $0x0  }
0xa7: {  	[sflag:s22] =	ssyncadd.s32 s6;
	_ =	sdelay $0x1  }
0xa8: {  	s23 =	simm.s32 $0x1B8B  }
0xa9: {  	_ =	swait.ge [sflag:s23], $0x1  }
0xaa: {  	[sflag:s23] =	ssyncset.done $0x0  }
0xab: {  	s25 =	simm.s32 $0x1B8E;
	s24 =	sld [smem:$0x3FFE];
	[sflag:s23] =	ssyncadd.s32 $0xFFFFFFFF  }
0xac: {  	s26 =	simm.s32 $execute0_lowered;
	[smem:$0x3FD2] =	sst s25  }
0xad: {  	s7 =	sshll.u32 s26, $0x1;
	_ =	strace $0x80000046;
	[dreg:$0x1] =	wrdreg $0xFFFFFFFF  }
0xae: {  	s28 =	simm.s32 $_size_execute0_lowered;
	s5 =	sadd.s32 s5, s7;
	[dreg:$0x0] =	wrdreg $0x0  }
0xaf: {  	s7 =	sshll.u32 s28, $0x1;
	[dreg:$0x2] =	wrdreg s5  }
0xb0: {  	[dreg:$0x3] =	wrdreg s7  }
0xb1: {  	[dreg:$0x4] =	wrdreg $0xC0  }
0xb2: {  	_ =	task [dreg:s9], $0x5FFFF  }
0xb3: {  	[dreg:$0x1] =	wrdreg $0xFFFFFFFF  }
0xb4: {  	[dreg:$0x0] =	wrdreg $0x60  }
0xb5: {  	[dreg:$0x2] =	wrdreg s15  }
0xb6: {  	[dreg:$0x3] =	wrdreg s4  }
0xb7: {  	[dreg:$0x4] =	wrdreg s24  }
0xb8: {  	[dreg:$0x5] =	wrdreg s16  }
0xb9: {  	[dreg:$0x6] =	wrdreg $0x9  }
0xba: {  	_ =	task.clear_ibuf [dreg:s9], $0x7FFFF;
	_ =	strace $0x90000046  }
0xbb: {  	s29 =	simm.s32 $0x9;
	_ =	strace $0x80000048  }
0xbc: {  	_ =	swait.ge [sflag:s29], $0x1  }
0xbd: {  	[sflag:s29] =	ssyncadd.s32 $0xFFFFFFFF  }
0xbe: {  	_ =	strace $0x90000048  }
0xbf: {  	_ =	sfence  }
0xc0: {  	s30 =	sld [smem:$0x0];
	_ =	sdelay $0x2  }
0xc1: {  	s31 =	sshll.u32 s1, $0xD;
	s1 =	sshrl.u32 s1, $0x2  }
0xc2: {  	s3 =	sand.u32 $0x4000, s31;
	s1 =	sadd.s32 s1, s30  }
0xc3: {  	s0 =	sor.u32 s3, s0;
	s1 =	sshll.u32 s1, $0x11  }
0xc4: {  	s0 =	sor.u32 s1, s0  }
0xc5: {  	s0 =	sadd.s32 $0x8F2B, s0  }
0xc6: {  	[sflag:s0] =	ssyncadd.remote.s32 $0x1  }
0xc7: {  	_ =	sfence.sel $0xFFFF  }
0xc8: {  	[dreg:$0x0] =	wrdreg $0xFFFFFFFF;
	(pc) =	sbr.abs _section_cstart, $3  }
0xc9: {  	[dreg:$0x1] =	wrdreg $0xFFFFFFFF  }
0xca: {  	_ =	task.clear_ibuf [dreg:s9], $0x2FFFF;
	_ =	strace $0x9FFFFFFF  }
0xcb: {  	(tm) =	ssettm $0x7FFFFFFF  }
tec
execute0_lowered:
.L_overlay_start_1:
0x0: {  	(tag) =	ssettag $0x1  }
0x1: {  	s1 =	rddreg [dreg:$0x0]  }
0x2: {  	s4 =	rddreg [dreg:$0x1]  }
0x3: {  	s3 =	rddreg [dreg:$0x2]  }
0x4: {  	s5 =	rddreg [dreg:$0x3]  }
0x5: {  	s21 =	rddreg [dreg:$0x4];
	s2 =	simm.s32 $0x0  }
0x6: {  	s8 =	simm.s32 $0x800;
	[smem:$0x7FF] =	sst s2  }
0x7: {  	s9 =	simm.s32 $0x8800;
	_ =	strace $0x80000047;
	[dreg:$0xb] =	wrdreg s8  }
0x8: {  	s10 =	simm.s32 $0xA00;
	[dreg:$0xc] =	wrdreg s9  }
0x9: {  	s11 =	simm.s32 $0x8A00;
	[dreg:$0xd] =	wrdreg s10  }
0xa: {  	s12 =	simm.s32 $0xC00;
	[dreg:$0xe] =	wrdreg s11  }
0xb: {  	s13 =	simm.s32 $0x8C00;
	[dreg:$0xf] =	wrdreg s12  }
0xc: {  	s14 =	simm.s32 $0xE00;
	[dreg:$0x10] =	wrdreg s13  }
0xd: {  	s15 =	simm.s32 $0x8E00;
	[dreg:$0x11] =	wrdreg s14  }
0xe: {  	s16 =	simm.s32 $0x1000;
	[dreg:$0x12] =	wrdreg s15  }
0xf: {  	s17 =	simm.s32 $0x9000;
	[dreg:$0x13] =	wrdreg s16  }
0x10: {  	s18 =	simm.s32 $0x1200;
	[dreg:$0x14] =	wrdreg s17  }
0x11: {  	s19 =	simm.s32 $0x9200;
	[dreg:$0x15] =	wrdreg s18  }
0x12: {  	s20 =	simm.s32 $0x1400;
	[dreg:$0x16] =	wrdreg s19  }
0x13: {  	s22 =	simm.s32 $0x9400;
	[dreg:$0x17] =	wrdreg s20  }
0x14: {  	s23 =	simm.s32 $0x1600;
	[dreg:$0x18] =	wrdreg s22  }
0x15: {  	[dreg:$0x19] =	wrdreg s23;
	s8 =	simm.s32 $0x1E00  }
0x16: {  	s9 =	simm.s32 $0x9E00;
	[smem:$0x76A] =	sst s8  }
0x17: {  	s10 =	simm.s32 $0x2000;
	[smem:$0x76B] =	sst s9  }
0x18: {  	s11 =	simm.s32 $0xA000;
	[smem:$0x76C] =	sst s10  }
0x19: {  	s12 =	simm.s32 $0x2200;
	[smem:$0x76D] =	sst s11  }
0x1a: {  	s13 =	simm.s32 $0xA200;
	[smem:$0x76E] =	sst s12  }
0x1b: {  	s14 =	simm.s32 $0x2400;
	[smem:$0x76F] =	sst s13  }
0x1c: {  	s15 =	simm.s32 $0xA400;
	[smem:$0x770] =	sst s14  }
0x1d: {  	s16 =	simm.s32 $0x2600;
	[smem:$0x771] =	sst s15  }
0x1e: {  	s17 =	simm.s32 $0xA600;
	[smem:$0x772] =	sst s16  }
0x1f: {  	s0 =	srdreg.scid;
	s18 =	simm.s32 $0x2800;
	[smem:$0x773] =	sst s17  }
0x20: {  	s6 =	stileid.u32;
	s19 =	simm.s32 $0xA800;
	[smem:$0x774] =	sst s18  }
0x21: {  	s0 =	sand.u32 $0x1, s0;
	s20 =	simm.s32 $0x2A00;
	[smem:$0x775] =	sst s19  }
0x22: {  	s6 =	sshll.u32 s6, $0x7;
	s22 =	simm.s32 $0xAA00;
	[smem:$0x776] =	sst s20  }
0x23: {  	s7 =	sshll.u32 s0, $0x6;
	s23 =	simm.s32 $0x2C00;
	[smem:$0x777] =	sst s22  }
0x24: {  	s6 =	sor.u32 s7, s6;
	s7 =	simm.s32 $0x8600;
	[smem:$0x778] =	sst s23  }
0x25: {  	s8 =	simm.s32 $0x3400;
	[dreg:$0xa] =	wrdreg s7  }
0x26: {  	s9 =	simm.s32 $0xB400;
	[smem:$0x780] =	sst s8  }
0x27: {  	s10 =	simm.s32 $0x3600;
	[smem:$0x781] =	sst s9  }
0x28: {  	s11 =	simm.s32 $0xB600;
	[smem:$0x782] =	sst s10  }
0x29: {  	s12 =	simm.s32 $0x3800;
	[smem:$0x783] =	sst s11  }
0x2a: {  	s13 =	simm.s32 $0xB800;
	[smem:$0x784] =	sst s12  }
0x2b: {  	s14 =	simm.s32 $0x3A00;
	[smem:$0x785] =	sst s13  }
0x2c: {  	s15 =	simm.s32 $0xBA00;
	[smem:$0x786] =	sst s14  }
0x2d: {  	s16 =	simm.s32 $0x3C00;
	[smem:$0x787] =	sst s15  }
0x2e: {  	s17 =	simm.s32 $0xBC00;
	[smem:$0x788] =	sst s16  }
0x2f: {  	s18 =	simm.s32 $0x3E00;
	[smem:$0x789] =	sst s17  }
0x30: {  	s19 =	simm.s32 $0xBE00;
	[smem:$0x78A] =	sst s18  }
0x31: {  	s20 =	simm.s32 $0xC000;
	[smem:$0x78B] =	sst s19  }
0x32: {  	s22 =	simm.s32 $0x4200;
	[smem:$0x78C] =	sst s20  }
0x33: {  	s23 =	simm.s32 $0xC200;
	[smem:$0x78D] =	sst s22  }
0x34: {  	s1 =	sadd.s32 s1, s6;
	[smem:$0x78E] =	sst s23  }
0x35: {  	s24 =	sadd.s32 s4, s6;
	[dreg:$0x5] =	wrdreg s1  }
0x36: {  	s26 =	sadd.s32 s5, s6;
	[dreg:$0x6] =	wrdreg s24  }
0x37: {  	s25 =	sadd.s32 s6, s3;
	s6 =	simm.s32 $0x600;
	[dreg:$0x7] =	wrdreg s26  }
0x38: {  	s4 =	simm.s32 $0x1A00;
	[dreg:$0x9] =	wrdreg s6  }
0x39: {  	s7 =	simm.s32 $0x9C00;
	[dreg:$0x1d] =	wrdreg s4  }
0x3a: {  	s8 =	simm.s32 $0xCA00;
	[smem:$0x769] =	sst s7  }
0x3b: {  	s9 =	simm.s32 $0x4C00;
	[smem:$0x796] =	sst s8  }
0x3c: {  	s10 =	simm.s32 $0xCC00;
	[smem:$0x797] =	sst s9  }
0x3d: {  	s11 =	simm.s32 $0x4E00;
	[smem:$0x798] =	sst s10  }
0x3e: {  	s12 =	simm.s32 $0xCE00;
	[smem:$0x799] =	sst s11  }
0x3f: {  	s13 =	simm.s32 $0x5000;
	[smem:$0x79A] =	sst s12  }
0x40: {  	s14 =	simm.s32 $0xD000;
	[smem:$0x79B] =	sst s13  }
0x41: {  	s15 =	simm.s32 $0x5200;
	[smem:$0x79C] =	sst s14  }
0x42: {  	s16 =	simm.s32 $0xD200;
	[smem:$0x79D] =	sst s15  }
0x43: {  	s17 =	simm.s32 $0x5400;
	[smem:$0x79E] =	sst s16  }
0x44: {  	s18 =	simm.s32 $0xD400;
	[smem:$0x79F] =	sst s17  }
0x45: {  	s19 =	simm.s32 $0x5600;
	[smem:$0x7A0] =	sst s18  }
0x46: {  	s20 =	simm.s32 $0xD600;
	[smem:$0x7A1] =	sst s19  }
0x47: {  	s22 =	simm.s32 $0x5800;
	[smem:$0x7A2] =	sst s20  }
0x48: {  	s23 =	simm.s32 $0xD800;
	[smem:$0x7A3] =	sst s22  }
0x49: {  	s5 =	sadd.s32 $0x7A1800, s25;
	[smem:$0x7A4] =	sst s23  }
0x4a: {  	s24 =	simm.s32 $0x9600;
	[dreg:$0x8] =	wrdreg s5  }
0x4b: {  	s25 =	simm.s32 $0x1800;
	[dreg:$0x1a] =	wrdreg s24  }
0x4c: {  	s26 =	simm.s32 $0x9800;
	[dreg:$0x1b] =	wrdreg s25  }
0x4d: {  	s6 =	simm.s32 $0x1C00;
	[dreg:$0x1c] =	wrdreg s26  }
0x4e: {  	s4 =	simm.s32 $0x3000;
	[dreg:$0x1f] =	wrdreg s6  }
0x4f: {  	s7 =	simm.s32 $0xB200;
	[smem:$0x77C] =	sst s4  }
0x50: {  	s8 =	simm.s32 $0xE000;
	[smem:$0x77F] =	sst s7  }
0x51: {  	s9 =	simm.s32 $0x6200;
	[smem:$0x7AC] =	sst s8  }
0x52: {  	s11 =	simm.s32 $0xE200;
	[smem:$0x7AD] =	sst s9  }
0x53: {  	s13 =	sadd.s32 $0x113088, s3;
	[smem:$0x7AE] =	sst s11  }
0x54: {  	s12 =	simm.s32 $0x6400;
	[smem:$0x7AF] =	sst s13  }
0x55: {  	s15 =	sadd.s32 $0x1318D0, s3;
	[smem:$0x7B0] =	sst s12  }
0x56: {  	s14 =	simm.s32 $0xE400;
	[smem:$0x7B1] =	sst s15  }
0x57: {  	s17 =	sadd.s32 $0x150118, s3;
	[smem:$0x7B2] =	sst s14  }
0x58: {  	s16 =	simm.s32 $0x6600;
	[smem:$0x7B3] =	sst s17  }
0x59: {  	s19 =	sadd.s32 $0x16E960, s3;
	[smem:$0x7B4] =	sst s16  }
0x5a: {  	s18 =	simm.s32 $0xE600;
	[smem:$0x7B5] =	sst s19  }
0x5b: {  	s22 =	sadd.s32 $0x18D1A8, s3;
	[smem:$0x7B6] =	sst s18  }
0x5c: {  	s20 =	simm.s32 $0x6800;
	[smem:$0x7B7] =	sst s22  }
0x5d: {  	s23 =	sadd.s32 $0x1AB9F0, s3;
	[smem:$0x7B8] =	sst s20  }
0x5e: {  	s1 =	sadd.s32 $0x1E8A80, s3;
	[smem:$0x7B9] =	sst s23  }
0x5f: {  	s5 =	simm.s32 $0x9A00;
	[smem:$0x7BD] =	sst s1  }
0x60: {  	s24 =	simm.s32 $0xAC00;
	[dreg:$0x1e] =	wrdreg s5  }
0x61: {  	s25 =	simm.s32 $0x2E00;
	[smem:$0x779] =	sst s24  }
0x62: {  	s26 =	simm.s32 $0xAE00;
	[smem:$0x77A] =	sst s25  }
0x63: {  	s6 =	simm.s32 $0x3200;
	[smem:$0x77B] =	sst s26  }
0x64: {  	s4 =	simm.s32 $0xC600;
	[smem:$0x77E] =	sst s6  }
0x65: {  	s7 =	simm.s32 $0x4A00;
	[smem:$0x792] =	sst s4  }
0x66: {  	s9 =	simm.s32 $0xE800;
	[smem:$0x795] =	sst s7  }
0x67: {  	s8 =	sadd.s32 $0x225B10, s3;
	[smem:$0x7BA] =	sst s9  }
0x68: {  	s11 =	sadd.s32 $0x244358, s3;
	[smem:$0x7C1] =	sst s8  }
0x69: {  	s13 =	sadd.s32 $0x262BA0, s3;
	[smem:$0x7C3] =	sst s11  }
0x6a: {  	s12 =	simm.s32 $0xEE00;
	[smem:$0x7C5] =	sst s13  }
0x6b: {  	s15 =	sadd.s32 $0x2813E8, s3;
	[smem:$0x7C6] =	sst s12  }
0x6c: {  	s14 =	simm.s32 $0x7000;
	[smem:$0x7C7] =	sst s15  }
0x6d: {  	s17 =	sadd.s32 $0x29FC30, s3;
	[smem:$0x7C8] =	sst s14  }
0x6e: {  	s16 =	simm.s32 $0xF000;
	[smem:$0x7C9] =	sst s17  }
0x6f: {  	s19 =	sadd.s32 $0x2BE478, s3;
	[smem:$0x7CA] =	sst s16  }
0x70: {  	s18 =	simm.s32 $0x7200;
	[smem:$0x7CB] =	sst s19  }
0x71: {  	s22 =	sadd.s32 $0x2DCCC0, s3;
	[smem:$0x7CC] =	sst s18  }
0x72: {  	s20 =	simm.s32 $0xF200;
	[smem:$0x7CD] =	sst s22  }
0x73: {  	s23 =	simm.s32 $0x7400;
	[smem:$0x7CE] =	sst s20  }
0x74: {  	s1 =	simm.s32 $0x7600;
	[smem:$0x7D0] =	sst s23  }
0x75: {  	s5 =	simm.s32 $0xB000;
	[smem:$0x7D4] =	sst s1  }
0x76: {  	s24 =	simm.s32 $0x4400;
	[smem:$0x77D] =	sst s5  }
0x77: {  	s25 =	simm.s32 $0xC400;
	[smem:$0x78F] =	sst s24  }
0x78: {  	s26 =	simm.s32 $0x4600;
	[smem:$0x790] =	sst s25  }
0x79: {  	s6 =	simm.s32 $0xC800;
	[smem:$0x791] =	sst s26  }
0x7a: {  	s4 =	simm.s32 $0xDC00;
	[smem:$0x794] =	sst s6  }
0x7b: {  	s7 =	simm.s32 $0x6000;
	[smem:$0x7A8] =	sst s4  }
0x7c: {  	s8 =	simm.s32 $0x7800;
	[smem:$0x7AB] =	sst s7  }
0x7d: {  	s9 =	sadd.s32 $0x375628, s3;
	[smem:$0x7D7] =	sst s8  }
0x7e: {  	s11 =	sadd.s32 $0x393E70, s3;
	[smem:$0x7D8] =	sst s9  }
0x7f: {  	s12 =	simm.s32 $0x7A00;
	[smem:$0x7DA] =	sst s11  }
0x80: {  	s13 =	sadd.s32 $0x3B26B8, s3;
	[smem:$0x7DB] =	sst s12  }
0x81: {  	s14 =	sadd.s32 $0x3D0F00, s3;
	[smem:$0x7DC] =	sst s13  }
0x82: {  	s15 =	sadd.s32 $0x3EF748, s3;
	[smem:$0x7DD] =	sst s14  }
0x83: {  	s16 =	sadd.s32 $0x40DF90, s3;
	[smem:$0x7DE] =	sst s15  }
0x84: {  	s17 =	sadd.s32 $0x42C7D8, s3;
	[smem:$0x7E0] =	sst s16  }
0x85: {  	s18 =	sadd.s32 $0x44B020, s3;
	[smem:$0x7E1] =	sst s17  }
0x86: {  	s19 =	simm.s32 $0x7C00;
	[smem:$0x7E2] =	sst s18  }
0x87: {  	s20 =	sadd.s32 $0x469868, s3;
	[smem:$0x7E3] =	sst s19  }
0x88: {  	s22 =	sadd.s32 $0x4880B0, s3;
	[smem:$0x7E4] =	sst s20  }
0x89: {  	s23 =	sadd.s32 $0x4A68F8, s3;
	[smem:$0x7E5] =	sst s22  }
0x8a: {  	s1 =	sadd.s32 $0x5021D0, s3;
	[smem:$0x7E6] =	sst s23  }
0x8b: {  	s5 =	simm.s32 $0x4800;
	[smem:$0x7EA] =	sst s1  }
0x8c: {  	s24 =	simm.s32 $0x5A00;
	[smem:$0x793] =	sst s5  }
0x8d: {  	s25 =	simm.s32 $0xDA00;
	[smem:$0x7A5] =	sst s24  }
0x8e: {  	s26 =	simm.s32 $0x5C00;
	[smem:$0x7A6] =	sst s25  }
0x8f: {  	s0 =	ssub.s32 $0x2, s0;
	s6 =	simm.s32 $0xDE00;
	[smem:$0x7A7] =	sst s26  }
0x90: {  	s10 =	sshrl.u32 s0, $0x1;
	s7 =	simm.s32 $0xEC00;
	[smem:$0x7AA] =	sst s6  }
0x91: {  	s4 =	ssub.s32 s0, s10;
	s10 =	simm.s32 $0x6E00;
	[smem:$0x7C2] =	sst s7  }
0x92: {  	s8 =	sadd.s32 $0x55DAA8, s3;
	[smem:$0x7C4] =	sst s10  }
0x93: {  	s9 =	simm.s32 $0xFE00;
	[smem:$0x7EE] =	sst s8  }
0x94: {  	s12 =	sadd.s32 $0x57C2F0, s3;
	[smem:$0x7EF] =	sst s9  }
0x95: {  	s13 =	sadd.s32 $0x59AB38, s3;
	[smem:$0x7F0] =	sst s12  }
0x96: {  	s15 =	sadd.s32 $0x5B9380, s3;
	[smem:$0x7F1] =	sst s13  }
0x97: {  	s19 =	simm.s32 $0x8000;
	[smem:$0x7F2] =	sst s15  }
0x98: {  	s20 =	sadd.s32 $0x5D7BC8, s3;
	[smem:$0x7F3] =	sst s19  }
0x99: {  	s22 =	sadd.s32 $0x5F6410, s3;
	[smem:$0x7F4] =	sst s20  }
0x9a: {  	s23 =	sadd.s32 $0x614C58, s3;
	[smem:$0x7F5] =	sst s22  }
0x9b: {  	[smem:$0x7F6] =	sst s23  }
0x9c: {  	s0 =	sadd.s32 $0x670530, s3;
	s20 =	rddreg [dreg:$0x5]  }
0x9d: {  	s1 =	sadd.s32 $0x651CE8, s3;
	[smem:$0x7FA] =	sst s0  }
0x9e: {  	s5 =	simm.s32 $0x5E00;
	[smem:$0x7FB] =	sst s1  }
0x9f: {  	s25 =	sadd.s32 $0x1CA238, s3;
	[smem:$0x7A9] =	sst s5  }
0xa0: {  	s31 =	sadd.s32 $0x68ED78, s3;
	s24 =	simm.s32 $0x6A00;
	[smem:$0x7BB] =	sst s25  }
0xa1: {  	s30 =	sadd.s32 $0x6AD5C0, s3;
	s26 =	simm.s32 $0xEA00;
	[smem:$0x7BC] =	sst s24  }
0xa2: {  	s6 =	sadd.s32 $0x2072C8, s3;
	[smem:$0x7BE] =	sst s26  }
0xa3: {  	p0 =	por $0x0, $0x0;
	s7 =	sadd.s32 $0x356DE0, s3;
	[smem:$0x7BF] =	sst s6  }
0xa4: {  	s29 =	sadd.s32 $0x6CBE08, s3;
	s10 =	simm.s32 $0xF800;
	[smem:$0x7D5] =	sst s7  }
0xa5: {  	s28 =	sadd.s32 $0x6EA650, s3;
	s9 =	sadd.s32 $0xB77B0, s3;
	[smem:$0x7D9] =	sst s10  }
0xa6: {  	s11 =	sadd.s32 $0x600, s3;
	s5 =	simm.s32 $0x6C00;
	[smem:$0x7FD] =	sst s9  }
0xa7: {  	s17 =	sadd.s32 $0x1EE48, s3;
	s24 =	sadd.s32 $0x2FB508, s3;
	[smem:$0x7C0] =	sst s5  }
0xa8: {  	s18 =	sadd.s32 $0x3D690, s3;
	s26 =	sadd.s32 $0x319D50, s3;
	[smem:$0x7CF] =	sst s24  }
0xa9: {  	s16 =	sadd.s32 $0x5BED8, s3;
	s25 =	simm.s32 $0xF400;
	[smem:$0x7D1] =	sst s26  }
0xaa: {  	s14 =	sadd.s32 $0x7A720, s3;
	s6 =	simm.s32 $0xF600;
	[smem:$0x7D2] =	sst s25  }
0xab: {  	s23 =	sadd.s32 $0x764770, s3;
	s10 =	simm.s32 $0xFA00;
	[smem:$0x7D6] =	sst s6  }
0xac: {  	s13 =	sadd.s32 $0x98F68, s3;
	s7 =	sadd.s32 $0x53F260, s3;
	[smem:$0x7DF] =	sst s10  }
0xad: {  	s12 =	sadd.s32 $0xD5FF8, s3;
	s5 =	sadd.s32 $0x338598, s3;
	[smem:$0x7ED] =	sst s7  }
0xae: {  	s22 =	sadd.s32 $0x782FB8, s3;
	s24 =	simm.s32 $0xFC00;
	[smem:$0x7D3] =	sst s5  }
0xaf: {  	s8 =	sadd.s32 $0xF4840, s3;
	s25 =	sadd.s32 $0x4C5140, s3;
	[smem:$0x7E7] =	sst s24  }
0xb0: {  	s4 =	smax.u32 s4, $0x1;
	s26 =	sadd.s32 $0x4E3988, s3;
	[smem:$0x7E8] =	sst s25  }
0xb1: {  	s19 =	simm.s32 $0x8400;
	s6 =	sadd.s32 $0x520A18, s3;
	[smem:$0x7E9] =	sst s26  }
0xb2: {  	p1 =	sne.s32 s4, $0x1;
	s5 =	simm.s32 $0x7E00;
	[smem:$0x7EC] =	sst s6  }
0xb3: {  	s7 =	simm.s32 $0x400;
	s24 =	simm.s32 $0x10000;
	[smem:$0x7EB] =	sst s5  }
.Ltmp0:
0xb4: {  	s25 =	simm.s32 $0x8200;
	[smem:$0x7F7] =	sst s24;
	(pc) =	sbr.rel @!p1 .LBB2_5-.Ltmp0, $4  }
0xb5: {  	s26 =	simm.s32 $0x10200;
	s6 =	sadd.s32 $0xFFFFFFFF, s4;
	[smem:$0x7F8] =	sst s25  }
0xb6: {  	s4 =	simm.s32 $0x200;
	s5 =	sadd.s32 $0x6334A0, s3;
	[smem:$0x7F9] =	sst s26  }
0xb7: {  	s10 =	simm.s32 $0x1;
	s26 =	sadd.s32 $0x708E98, s3;
	s25 =	sadd.s32 $0x7276E0, s3  }
0xb8: {  	s24 =	sadd.s32 $0x745F28, s3;
	s3 =	simm.s32 $0x2;
	[smem:$0x7FC] =	sst s5  }
0xb9: {  	[tilespmem:s2], [sflag:$0x2] =	stream.linear.gather [hbm4b:s20+s2], $0x200, $0x38;
	[tilespmem:$0x10400] =	vst v63  }
0xba: {  	_ =	swait.ge [sflag:s3], $0x200  }
0xbb: {  	[sflag:s3] =	ssyncset.done $0x0  }
0xbc: {  	s21 =	rddreg [dreg:$0x6];
	[sflag:s3] =	ssyncadd.s32 $0xFFFFFE00  }
0xbd: {  	[tilespmem:s4], [sflag:$0x2] =	stream.linear.gather [hbm4b:s21+s2], $0x200, $0x38;
	[tilespmem:$0x10400] =	vst v63  }
0xbe: {  	_ =	swait.ge [sflag:s3], $0x200  }
0xbf: {  	[sflag:s3] =	ssyncset.done $0x0  }
0xc0: {  	[sflag:s3] =	ssyncadd.s32 $0xFFFFFE00  }
0xc1: {  	[tilespmem:s7], [sflag:$0x1] =	stream.indirect.gather [hbm4b:s11+s4], $0x1, s2, s4, $0xb8;
	[tilespmem:$0x10400] =	vst v63  }
0xc2: {  	_ = 	snop  }
0xc3: {  	[tilespmem:s19], [sflag:$0x1] =	stream.indirect.gather [hbm4b:s11+s4], $0x1, s4, s4, $0xb8;
	[tilespmem:$0x10400] =	vst v63  }
0xc4: {  	s15 =	rddreg [dreg:$0x9]  }
0xc5: {  	[tilespmem:s15], [sflag:$0x1] =	stream.indirect.gather [hbm4b:s17+s4], $0x1, s2, s4, $0xb8;
	[tilespmem:$0x10400] =	vst v63  }
0xc6: {  	s21 =	rddreg [dreg:$0xa]  }
0xc7: {  	[tilespmem:s21], [sflag:$0x1] =	stream.indirect.gather [hbm4b:s17+s4], $0x1, s4, s4, $0xb8;
	[tilespmem:$0x10400] =	vst v63  }
0xc8: {  	s15 =	rddreg [dreg:$0xb]  }
0xc9: {  	[tilespmem:s15], [sflag:$0x1] =	stream.indirect.gather [hbm4b:s18+s4], $0x1, s2, s4, $0xb8;
	[tilespmem:$0x10400] =	vst v63  }
0xca: {  	s21 =	rddreg [dreg:$0xc]  }
0xcb: {  	[tilespmem:s21], [sflag:$0x1] =	stream.indirect.gather [hbm4b:s18+s4], $0x1, s4, s4, $0xb8;
	[tilespmem:$0x10400] =	vst v63  }
0xcc: {  	s15 =	rddreg [dreg:$0xd]  }
0xcd: {  	[tilespmem:s15], [sflag:$0x1] =	stream.indirect.gather [hbm4b:s16+s4], $0x1, s2, s4, $0xb8;
	[tilespmem:$0x10400] =	vst v63  }
0xce: {  	s21 =	rddreg [dreg:$0xe]  }
0xcf: {  	[tilespmem:s21], [sflag:$0x1] =	stream.indirect.gather [hbm4b:s16+s4], $0x1, s4, s4, $0xb8;
	[tilespmem:$0x10400] =	vst v63  }
0xd0: {  	s15 =	rddreg [dreg:$0xf]  }
0xd1: {  	[tilespmem:s15], [sflag:$0x1] =	stream.indirect.gather [hbm4b:s14+s4], $0x1, s2, s4, $0xb8;
	[tilespmem:$0x10400] =	vst v63  }
0xd2: {  	s21 =	rddreg [dreg:$0x10]  }
0xd3: {  	[tilespmem:s21], [sflag:$0x1] =	stream.indirect.gather [hbm4b:s14+s4], $0x1, s4, s4, $0xb8;
	[tilespmem:$0x10400] =	vst v63  }
0xd4: {  	s15 =	rddreg [dreg:$0x11]  }
0xd5: {  	[tilespmem:s15], [sflag:$0x1] =	stream.indirect.gather [hbm4b:s13+s4], $0x1, s2, s4, $0xb8;
	[tilespmem:$0x10400] =	vst v63  }
0xd6: {  	s21 =	rddreg [dreg:$0x12]  }
0xd7: {  	[tilespmem:s21], [sflag:$0x1] =	stream.indirect.gather [hbm4b:s13+s4], $0x1, s4, s4, $0xb8;
	[tilespmem:$0x10400] =	vst v63  }
0xd8: {  	s15 =	rddreg [dreg:$0x13]  }
0xd9: {  	[tilespmem:s15], [sflag:$0x1] =	stream.indirect.gather [hbm4b:s9+s4], $0x1, s2, s4, $0xb8;
	[tilespmem:$0x10400] =	vst v63  }
0xda: {  	s21 =	rddreg [dreg:$0x14]  }
0xdb: {  	[tilespmem:s21], [sflag:$0x1] =	stream.indirect.gather [hbm4b:s9+s4], $0x1, s4, s4, $0xb8;
	[tilespmem:$0x10400] =	vst v63  }
0xdc: {  	s15 =	rddreg [dreg:$0x15]  }
0xdd: {  	[tilespmem:s15], [sflag:$0x1] =	stream.indirect.gather [hbm4b:s12+s4], $0x1, s2, s4, $0xb8;
	[tilespmem:$0x10400] =	vst v63  }
0xde: {  	s21 =	rddreg [dreg:$0x16]  }
0xdf: {  	[tilespmem:s21], [sflag:$0x1] =	stream.indirect.gather [hbm4b:s12+s4], $0x1, s4, s4, $0xb8;
	[tilespmem:$0x10400] =	vst v63  }
0xe0: {  	s15 =	rddreg [dreg:$0x17]  }
0xe1: {  	[tilespmem:s15], [sflag:$0x1] =	stream.indirect.gather [hbm4b:s8+s4], $0x1, s2, s4, $0xb8;
	[tilespmem:$0x10400] =	vst v63  }
0xe2: {  	s21 =	rddreg [dreg:$0x18]  }
0xe3: {  	[tilespmem:s21], [sflag:$0x1] =	stream.indirect.gather [hbm4b:s8+s4], $0x1, s4, s4, $0xb8;
	[tilespmem:$0x10400] =	vst v63  }
0xe4: {  	s21 =	sld [smem:$0x7AF];
	_ =	sdelay $0x1  }
0xe5: {  	s20 =	rddreg [dreg:$0x19]  }
0xe6: {  	[tilespmem:s20], [sflag:$0x1] =	stream.indirect.gather [hbm4b:s21+s4], $0x1, s2, s4, $0xb8;
	[tilespmem:$0x10400] =	vst v63  }
0xe7: {  	s15 =	rddreg [dreg:$0x1a]  }
0xe8: {  	[tilespmem:s15], [sflag:$0x1] =	stream.indirect.gather [hbm4b:s21+s4], $0x1, s4, s4, $0xb8;
	[tilespmem:$0x10400] =	vst v63  }
0xe9: {  	s15 =	sld [smem:$0x7B1];
	_ =	sdelay $0x1  }
0xea: {  	s20 =	rddreg [dreg:$0x1b]  }
0xeb: {  	[tilespmem:s20], [sflag:$0x1] =	stream.indirect.gather [hbm4b:s15+s4], $0x1, s2, s4, $0xb8;
	[tilespmem:$0x10400] =	vst v63  }
0xec: {  	s21 =	rddreg [dreg:$0x1c]  }
0xed: {  	[tilespmem:s21], [sflag:$0x1] =	stream.indirect.gather [hbm4b:s15+s4], $0x1, s4, s4, $0xb8;
	[tilespmem:$0x10400] =	vst v63  }
0xee: {  	s21 =	sld [smem:$0x7B3];
	_ =	sdelay $0x1  }
0xef: {  	s20 =	rddreg [dreg:$0x1d]  }
0xf0: {  	[tilespmem:s20], [sflag:$0x1] =	stream.indirect.gather [hbm4b:s21+s4], $0x1, s2, s4, $0xb8;
	[tilespmem:$0x10400] =	vst v63  }
0xf1: {  	s15 =	rddreg [dreg:$0x1e]  }
0xf2: {  	[tilespmem:s15], [sflag:$0x1] =	stream.indirect.gather [hbm4b:s21+s4], $0x1, s4, s4, $0xb8;
	[tilespmem:$0x10400] =	vst v63  }
0xf3: {  	s21 =	sld [smem:$0x7B5]  }
0xf4: {  	s20 =	rddreg [dreg:$0x1f]  }
0xf5: {  	s15 =	sld [smem:$0x769]  }
0xf6: {  	[tilespmem:s20], [sflag:$0x1] =	stream.indirect.gather [hbm4b:s21+s4], $0x1, s2, s4, $0xb8;
	[tilespmem:$0x10400] =	vst v63  }
0xf7: {  	s20 =	sld [smem:$0x76A]  }
0xf8: {  	[tilespmem:s15], [sflag:$0x1] =	stream.indirect.gather [hbm4b:s21+s4], $0x1, s4, s4, $0xb8;
	[tilespmem:$0x10400] =	vst v63  }
0xf9: {  	s21 =	sld [smem:$0x7B7];
	_ =	sdelay $0x1  }
0xfa: {  	s15 =	sld [smem:$0x76B]  }
0xfb: {  	[tilespmem:s20], [sflag:$0x1] =	stream.indirect.gather [hbm4b:s21+s4], $0x1, s2, s4, $0xb8;
	[tilespmem:$0x10400] =	vst v63  }
0xfc: {  	s20 =	sld [smem:$0x76C]  }
0xfd: {  	[tilespmem:s15], [sflag:$0x1] =	stream.indirect.gather [hbm4b:s21+s4], $0x1, s4, s4, $0xb8;
	[tilespmem:$0x10400] =	vst v63  }
0xfe: {  	s21 =	sld [smem:$0x7B9];
	_ =	sdelay $0x1  }
0xff: {  	s15 =	sld [smem:$0x76D]  }
0x100: {  	[tilespmem:s20], [sflag:$0x1] =	stream.indirect.gather [hbm4b:s21+s4], $0x1, s2, s4, $0xb8;
	[tilespmem:$0x10400] =	vst v63  }
0x101: {  	s20 =	sld [smem:$0x76E]  }
0x102: {  	[tilespmem:s15], [sflag:$0x1] =	stream.indirect.gather [hbm4b:s21+s4], $0x1, s4, s4, $0xb8;
	[tilespmem:$0x10400] =	vst v63  }
0x103: {  	s21 =	sld [smem:$0x7BB];
	_ =	sdelay $0x1  }
0x104: {  	s15 =	sld [smem:$0x76F]  }
0x105: {  	[tilespmem:s20], [sflag:$0x1] =	stream.indirect.gather [hbm4b:s21+s4], $0x1, s2, s4, $0xb8;
	[tilespmem:$0x10400] =	vst v63  }
0x106: {  	s20 =	sld [smem:$0x770]  }
0x107: {  	[tilespmem:s15], [sflag:$0x1] =	stream.indirect.gather [hbm4b:s21+s4], $0x1, s4, s4, $0xb8;
	[tilespmem:$0x10400] =	vst v63  }
0x108: {  	s21 =	sld [smem:$0x7BD];
	_ =	sdelay $0x1  }
0x109: {  	s15 =	sld [smem:$0x771]  }
0x10a: {  	[tilespmem:s20], [sflag:$0x1] =	stream.indirect.gather [hbm4b:s21+s4], $0x1, s2, s4, $0xb8;
	[tilespmem:$0x10400] =	vst v63  }
0x10b: {  	s20 =	sld [smem:$0x772]  }
0x10c: {  	[tilespmem:s15], [sflag:$0x1] =	stream.indirect.gather [hbm4b:s21+s4], $0x1, s4, s4, $0xb8;
	[tilespmem:$0x10400] =	vst v63  }
0x10d: {  	s21 =	sld [smem:$0x7BF];
	_ =	sdelay $0x1  }
0x10e: {  	s15 =	sld [smem:$0x773]  }
0x10f: {  	[tilespmem:s20], [sflag:$0x1] =	stream.indirect.gather [hbm4b:s21+s4], $0x1, s2, s4, $0xb8;
	[tilespmem:$0x10400] =	vst v63  }
0x110: {  	s20 =	sld [smem:$0x774]  }
0x111: {  	[tilespmem:s15], [sflag:$0x1] =	stream.indirect.gather [hbm4b:s21+s4], $0x1, s4, s4, $0xb8;
	[tilespmem:$0x10400] =	vst v63  }
0x112: {  	s21 =	sld [smem:$0x7C1];
	_ =	sdelay $0x1  }
0x113: {  	s15 =	sld [smem:$0x775]  }
0x114: {  	[tilespmem:s20], [sflag:$0x1] =	stream.indirect.gather [hbm4b:s21+s4], $0x1, s2, s4, $0xb8;
	[tilespmem:$0x10400] =	vst v63  }
0x115: {  	s20 =	sld [smem:$0x776]  }
0x116: {  	[tilespmem:s15], [sflag:$0x1] =	stream.indirect.gather [hbm4b:s21+s4], $0x1, s4, s4, $0xb8;
	[tilespmem:$0x10400] =	vst v63  }
0x117: {  	s21 =	sld [smem:$0x7C3];
	_ =	sdelay $0x1  }
0x118: {  	s15 =	sld [smem:$0x777]  }
0x119: {  	[tilespmem:s20], [sflag:$0x1] =	stream.indirect.gather [hbm4b:s21+s4], $0x1, s2, s4, $0xb8;
	[tilespmem:$0x10400] =	vst v63  }
0x11a: {  	s20 =	sld [smem:$0x778]  }
0x11b: {  	[tilespmem:s15], [sflag:$0x1] =	stream.indirect.gather [hbm4b:s21+s4], $0x1, s4, s4, $0xb8;
	[tilespmem:$0x10400] =	vst v63  }
0x11c: {  	s21 =	sld [smem:$0x7C5];
	_ =	sdelay $0x1  }
0x11d: {  	s15 =	sld [smem:$0x779]  }
0x11e: {  	[tilespmem:s20], [sflag:$0x1] =	stream.indirect.gather [hbm4b:s21+s4], $0x1, s2, s4, $0xb8;
	[tilespmem:$0x10400] =	vst v63  }
0x11f: {  	s20 =	sld [smem:$0x77A]  }
0x120: {  	[tilespmem:s15], [sflag:$0x1] =	stream.indirect.gather [hbm4b:s21+s4], $0x1, s4, s4, $0xb8;
	[tilespmem:$0x10400] =	vst v63  }
0x121: {  	s21 =	sld [smem:$0x7C7];
	_ =	sdelay $0x1  }
0x122: {  	s15 =	sld [smem:$0x77B]  }
0x123: {  	[tilespmem:s20], [sflag:$0x1] =	stream.indirect.gather [hbm4b:s21+s4], $0x1, s2, s4, $0xb8;
	[tilespmem:$0x10400] =	vst v63  }
0x124: {  	s20 =	sld [smem:$0x77C]  }
0x125: {  	[tilespmem:s15], [sflag:$0x1] =	stream.indirect.gather [hbm4b:s21+s4], $0x1, s4, s4, $0xb8;
	[tilespmem:$0x10400] =	vst v63  }
0x126: {  	s21 =	sld [smem:$0x7C9];
	_ =	sdelay $0x1  }
0x127: {  	s15 =	sld [smem:$0x77D]  }
0x128: {  	[tilespmem:s20], [sflag:$0x1] =	stream.indirect.gather [hbm4b:s21+s4], $0x1, s2, s4, $0xb8;
	[tilespmem:$0x10400] =	vst v63  }
0x129: {  	s20 =	sld [smem:$0x77E]  }
0x12a: {  	[tilespmem:s15], [sflag:$0x1] =	stream.indirect.gather [hbm4b:s21+s4], $0x1, s4, s4, $0xb8;
	[tilespmem:$0x10400] =	vst v63  }
0x12b: {  	s21 =	sld [smem:$0x7CB];
	_ =	sdelay $0x1  }
0x12c: {  	s15 =	sld [smem:$0x77F]  }
0x12d: {  	[tilespmem:s20], [sflag:$0x1] =	stream.indirect.gather [hbm4b:s21+s4], $0x1, s2, s4, $0xb8;
	[tilespmem:$0x10400] =	vst v63  }
0x12e: {  	s20 =	sld [smem:$0x780]  }
0x12f: {  	[tilespmem:s15], [sflag:$0x1] =	stream.indirect.gather [hbm4b:s21+s4], $0x1, s4, s4, $0xb8;
	[tilespmem:$0x10400] =	vst v63  }
0x130: {  	s21 =	sld [smem:$0x7CD];
	_ =	sdelay $0x1  }
0x131: {  	s15 =	sld [smem:$0x781]  }
0x132: {  	[tilespmem:s20], [sflag:$0x1] =	stream.indirect.gather [hbm4b:s21+s4], $0x1, s2, s4, $0xb8;
	[tilespmem:$0x10400] =	vst v63  }
0x133: {  	s20 =	sld [smem:$0x782]  }
0x134: {  	[tilespmem:s15], [sflag:$0x1] =	stream.indirect.gather [hbm4b:s21+s4], $0x1, s4, s4, $0xb8;
	[tilespmem:$0x10400] =	vst v63  }
0x135: {  	s21 =	sld [smem:$0x7CF];
	_ =	sdelay $0x1  }
0x136: {  	s15 =	sld [smem:$0x783]  }
0x137: {  	[tilespmem:s20], [sflag:$0x1] =	stream.indirect.gather [hbm4b:s21+s4], $0x1, s2, s4, $0xb8;
	[tilespmem:$0x10400] =	vst v63  }
0x138: {  	s20 =	sld [smem:$0x784]  }
0x139: {  	[tilespmem:s15], [sflag:$0x1] =	stream.indirect.gather [hbm4b:s21+s4], $0x1, s4, s4, $0xb8;
	[tilespmem:$0x10400] =	vst v63  }
0x13a: {  	s21 =	sld [smem:$0x7D1];
	_ =	sdelay $0x1  }
0x13b: {  	s15 =	sld [smem:$0x785]  }
0x13c: {  	[tilespmem:s20], [sflag:$0x1] =	stream.indirect.gather [hbm4b:s21+s4], $0x1, s2, s4, $0xb8;
	[tilespmem:$0x10400] =	vst v63  }
0x13d: {  	s20 =	sld [smem:$0x786]  }
0x13e: {  	[tilespmem:s15], [sflag:$0x1] =	stream.indirect.gather [hbm4b:s21+s4], $0x1, s4, s4, $0xb8;
	[tilespmem:$0x10400] =	vst v63  }
0x13f: {  	s21 =	sld [smem:$0x7D3];
	_ =	sdelay $0x1  }
0x140: {  	s15 =	sld [smem:$0x787]  }
0x141: {  	[tilespmem:s20], [sflag:$0x1] =	stream.indirect.gather [hbm4b:s21+s4], $0x1, s2, s4, $0xb8;
	[tilespmem:$0x10400] =	vst v63  }
0x142: {  	s20 =	sld [smem:$0x788]  }
0x143: {  	[tilespmem:s15], [sflag:$0x1] =	stream.indirect.gather [hbm4b:s21+s4], $0x1, s4, s4, $0xb8;
	[tilespmem:$0x10400] =	vst v63  }
0x144: {  	s21 =	sld [smem:$0x7D5];
	_ =	sdelay $0x1  }
0x145: {  	s15 =	sld [smem:$0x789]  }
0x146: {  	[tilespmem:s20], [sflag:$0x1] =	stream.indirect.gather [hbm4b:s21+s4], $0x1, s2, s4, $0xb8;
	[tilespmem:$0x10400] =	vst v63  }
0x147: {  	s20 =	sld [smem:$0x78A]  }
0x148: {  	[tilespmem:s15], [sflag:$0x1] =	stream.indirect.gather [hbm4b:s21+s4], $0x1, s4, s4, $0xb8;
	[tilespmem:$0x10400] =	vst v63  }
0x149: {  	s21 =	sld [smem:$0x7D8];
	_ =	sdelay $0x1  }
0x14a: {  	s15 =	sld [smem:$0x78B]  }
0x14b: {  	[tilespmem:s20], [sflag:$0x1] =	stream.indirect.gather [hbm4b:s21+s4], $0x1, s2, s4, $0xb8;
	[tilespmem:$0x10400] =	vst v63  }
0x14c: {  	_ = 	snop  }
0x14d: {  	[tilespmem:s15], [sflag:$0x1] =	stream.indirect.gather [hbm4b:s21+s4], $0x1, s4, s4, $0xb8;
	[tilespmem:$0x10400] =	vst v63  }
0x14e: {  	s15 =	sld [smem:$0x7DA];
	_ =	sdelay $0x1  }
0x14f: {  	s19 =	sld [smem:$0x78C];
	s21 =	smov.u32 s6;
	s6 =	simm.s32 $0x4000  }
0x150: {  	[tilespmem:s6], [sflag:$0x1] =	stream.indirect.gather [hbm4b:s15+s4], $0x1, s2, s4, $0xb8;
	[tilespmem:$0x10400] =	vst v63  }
0x151: {  	s20 =	sld [smem:$0x78D]  }
0x152: {  	[tilespmem:s19], [sflag:$0x1] =	stream.indirect.gather [hbm4b:s15+s4], $0x1, s4, s4, $0xb8;
	[tilespmem:$0x10400] =	vst v63  }
0x153: {  	s15 =	sld [smem:$0x7DC];
	_ =	sdelay $0x1  }
0x154: {  	s19 =	sld [smem:$0x78E]  }
0x155: {  	[tilespmem:s20], [sflag:$0x1] =	stream.indirect.gather [hbm4b:s15+s4], $0x1, s2, s4, $0xb8;
	[tilespmem:$0x10400] =	vst v63  }
0x156: {  	s20 =	sld [smem:$0x78F]  }
0x157: {  	[tilespmem:s19], [sflag:$0x1] =	stream.indirect.gather [hbm4b:s15+s4], $0x1, s4, s4, $0xb8;
	[tilespmem:$0x10400] =	vst v63  }
0x158: {  	s15 =	sld [smem:$0x7DD];
	_ =	sdelay $0x1  }
0x159: {  	s19 =	sld [smem:$0x790]  }
0x15a: {  	[tilespmem:s20], [sflag:$0x1] =	stream.indirect.gather [hbm4b:s15+s4], $0x1, s2, s4, $0xb8;
	[tilespmem:$0x10400] =	vst v63  }
0x15b: {  	s20 =	sld [smem:$0x791]  }
0x15c: {  	[tilespmem:s19], [sflag:$0x1] =	stream.indirect.gather [hbm4b:s15+s4], $0x1, s4, s4, $0xb8;
	[tilespmem:$0x10400] =	vst v63  }
0x15d: {  	s15 =	sld [smem:$0x7DE];
	_ =	sdelay $0x1  }
0x15e: {  	s19 =	sld [smem:$0x792]  }
0x15f: {  	[tilespmem:s20], [sflag:$0x1] =	stream.indirect.gather [hbm4b:s15+s4], $0x1, s2, s4, $0xb8;
	[tilespmem:$0x10400] =	vst v63  }
0x160: {  	s20 =	sld [smem:$0x793]  }
0x161: {  	[tilespmem:s19], [sflag:$0x1] =	stream.indirect.gather [hbm4b:s15+s4], $0x1, s4, s4, $0xb8;
	[tilespmem:$0x10400] =	vst v63  }
0x162: {  	s15 =	sld [smem:$0x7E0];
	_ =	sdelay $0x1  }
0x163: {  	s19 =	sld [smem:$0x794]  }
0x164: {  	[tilespmem:s20], [sflag:$0x1] =	stream.indirect.gather [hbm4b:s15+s4], $0x1, s2, s4, $0xb8;
	[tilespmem:$0x10400] =	vst v63  }
0x165: {  	s20 =	sld [smem:$0x795]  }
0x166: {  	[tilespmem:s19], [sflag:$0x1] =	stream.indirect.gather [hbm4b:s15+s4], $0x1, s4, s4, $0xb8;
	[tilespmem:$0x10400] =	vst v63  }
0x167: {  	s15 =	sld [smem:$0x7E1];
	_ =	sdelay $0x1  }
0x168: {  	s19 =	sld [smem:$0x796]  }
0x169: {  	[tilespmem:s20], [sflag:$0x1] =	stream.indirect.gather [hbm4b:s15+s4], $0x1, s2, s4, $0xb8;
	[tilespmem:$0x10400] =	vst v63  }
0x16a: {  	s20 =	sld [smem:$0x797]  }
0x16b: {  	[tilespmem:s19], [sflag:$0x1] =	stream.indirect.gather [hbm4b:s15+s4], $0x1, s4, s4, $0xb8;
	[tilespmem:$0x10400] =	vst v63  }
0x16c: {  	s15 =	sld [smem:$0x7E2];
	_ =	sdelay $0x1  }
0x16d: {  	s19 =	sld [smem:$0x798]  }
0x16e: {  	[tilespmem:s20], [sflag:$0x1] =	stream.indirect.gather [hbm4b:s15+s4], $0x1, s2, s4, $0xb8;
	[tilespmem:$0x10400] =	vst v63  }
0x16f: {  	s20 =	sld [smem:$0x799]  }
0x170: {  	[tilespmem:s19], [sflag:$0x1] =	stream.indirect.gather [hbm4b:s15+s4], $0x1, s4, s4, $0xb8;
	[tilespmem:$0x10400] =	vst v63  }
0x171: {  	s15 =	sld [smem:$0x7E4];
	_ =	sdelay $0x1  }
0x172: {  	s19 =	sld [smem:$0x79A]  }
0x173: {  	[tilespmem:s20], [sflag:$0x1] =	stream.indirect.gather [hbm4b:s15+s4], $0x1, s2, s4, $0xb8;
	[tilespmem:$0x10400] =	vst v63  }
0x174: {  	s20 =	sld [smem:$0x79B]  }
0x175: {  	[tilespmem:s19], [sflag:$0x1] =	stream.indirect.gather [hbm4b:s15+s4], $0x1, s4, s4, $0xb8;
	[tilespmem:$0x10400] =	vst v63  }
0x176: {  	s15 =	sld [smem:$0x7E5];
	_ =	sdelay $0x1  }
0x177: {  	s19 =	sld [smem:$0x79C]  }
0x178: {  	[tilespmem:s20], [sflag:$0x1] =	stream.indirect.gather [hbm4b:s15+s4], $0x1, s2, s4, $0xb8;
	[tilespmem:$0x10400] =	vst v63  }
0x179: {  	s20 =	sld [smem:$0x79D]  }
0x17a: {  	[tilespmem:s19], [sflag:$0x1] =	stream.indirect.gather [hbm4b:s15+s4], $0x1, s4, s4, $0xb8;
	[tilespmem:$0x10400] =	vst v63  }
0x17b: {  	s15 =	sld [smem:$0x7E6];
	_ =	sdelay $0x1  }
0x17c: {  	s19 =	sld [smem:$0x79E]  }
0x17d: {  	[tilespmem:s20], [sflag:$0x1] =	stream.indirect.gather [hbm4b:s15+s4], $0x1, s2, s4, $0xb8;
	[tilespmem:$0x10400] =	vst v63  }
0x17e: {  	s20 =	sld [smem:$0x79F]  }
0x17f: {  	[tilespmem:s19], [sflag:$0x1] =	stream.indirect.gather [hbm4b:s15+s4], $0x1, s4, s4, $0xb8;
	[tilespmem:$0x10400] =	vst v63  }
0x180: {  	s15 =	sld [smem:$0x7E8];
	_ =	sdelay $0x1  }
0x181: {  	s19 =	sld [smem:$0x7A0]  }
0x182: {  	[tilespmem:s20], [sflag:$0x1] =	stream.indirect.gather [hbm4b:s15+s4], $0x1, s2, s4, $0xb8;
	[tilespmem:$0x10400] =	vst v63  }
0x183: {  	s20 =	sld [smem:$0x7A1]  }
0x184: {  	[tilespmem:s19], [sflag:$0x1] =	stream.indirect.gather [hbm4b:s15+s4], $0x1, s4, s4, $0xb8;
	[tilespmem:$0x10400] =	vst v63  }
0x185: {  	s15 =	sld [smem:$0x7E9];
	_ =	sdelay $0x1  }
0x186: {  	s19 =	sld [smem:$0x7A2]  }
0x187: {  	[tilespmem:s20], [sflag:$0x1] =	stream.indirect.gather [hbm4b:s15+s4], $0x1, s2, s4, $0xb8;
	[tilespmem:$0x10400] =	vst v63  }
0x188: {  	s20 =	sld [smem:$0x7A3]  }
0x189: {  	[tilespmem:s19], [sflag:$0x1] =	stream.indirect.gather [hbm4b:s15+s4], $0x1, s4, s4, $0xb8;
	[tilespmem:$0x10400] =	vst v63  }
0x18a: {  	s15 =	sld [smem:$0x7EA];
	_ =	sdelay $0x1  }
0x18b: {  	s19 =	sld [smem:$0x7A4]  }
0x18c: {  	[tilespmem:s20], [sflag:$0x1] =	stream.indirect.gather [hbm4b:s15+s4], $0x1, s2, s4, $0xb8;
	[tilespmem:$0x10400] =	vst v63  }
0x18d: {  	s20 =	sld [smem:$0x7A5]  }
0x18e: {  	[tilespmem:s19], [sflag:$0x1] =	stream.indirect.gather [hbm4b:s15+s4], $0x1, s4, s4, $0xb8;
	[tilespmem:$0x10400] =	vst v63  }
0x18f: {  	s15 =	sld [smem:$0x7EC];
	_ =	sdelay $0x1  }
0x190: {  	s19 =	sld [smem:$0x7A6]  }
0x191: {  	[tilespmem:s20], [sflag:$0x1] =	stream.indirect.gather [hbm4b:s15+s4], $0x1, s2, s4, $0xb8;
	[tilespmem:$0x10400] =	vst v63  }
0x192: {  	s20 =	sld [smem:$0x7A7]  }
0x193: {  	[tilespmem:s19], [sflag:$0x1] =	stream.indirect.gather [hbm4b:s15+s4], $0x1, s4, s4, $0xb8;
	[tilespmem:$0x10400] =	vst v63  }
0x194: {  	s15 =	sld [smem:$0x7ED];
	_ =	sdelay $0x1  }
0x195: {  	s19 =	sld [smem:$0x7A8]  }
0x196: {  	[tilespmem:s20], [sflag:$0x1] =	stream.indirect.gather [hbm4b:s15+s4], $0x1, s2, s4, $0xb8;
	[tilespmem:$0x10400] =	vst v63  }
0x197: {  	s20 =	sld [smem:$0x7A9]  }
0x198: {  	[tilespmem:s19], [sflag:$0x1] =	stream.indirect.gather [hbm4b:s15+s4], $0x1, s4, s4, $0xb8;
	[tilespmem:$0x10400] =	vst v63  }
0x199: {  	s15 =	sld [smem:$0x7EE];
	_ =	sdelay $0x1  }
0x19a: {  	s19 =	sld [smem:$0x7AA]  }
0x19b: {  	[tilespmem:s20], [sflag:$0x1] =	stream.indirect.gather [hbm4b:s15+s4], $0x1, s2, s4, $0xb8;
	[tilespmem:$0x10400] =	vst v63  }
0x19c: {  	s20 =	sld [smem:$0x7AB]  }
0x19d: {  	[tilespmem:s19], [sflag:$0x1] =	stream.indirect.gather [hbm4b:s15+s4], $0x1, s4, s4, $0xb8;
	[tilespmem:$0x10400] =	vst v63  }
0x19e: {  	s15 =	sld [smem:$0x7F0];
	_ =	sdelay $0x1  }
0x19f: {  	s19 =	sld [smem:$0x7AC]  }
0x1a0: {  	[tilespmem:s20], [sflag:$0x1] =	stream.indirect.gather [hbm4b:s15+s4], $0x1, s2, s4, $0xb8;
	[tilespmem:$0x10400] =	vst v63  }
0x1a1: {  	s20 =	sld [smem:$0x7AD]  }
0x1a2: {  	[tilespmem:s19], [sflag:$0x1] =	stream.indirect.gather [hbm4b:s15+s4], $0x1, s4, s4, $0xb8;
	[tilespmem:$0x10400] =	vst v63  }
0x1a3: {  	s15 =	sld [smem:$0x7F1];
	_ =	sdelay $0x1  }
0x1a4: {  	s19 =	sld [smem:$0x7AE]  }
0x1a5: {  	[tilespmem:s20], [sflag:$0x1] =	stream.indirect.gather [hbm4b:s15+s4], $0x1, s2, s4, $0xb8;
	[tilespmem:$0x10400] =	vst v63  }
0x1a6: {  	s20 =	sld [smem:$0x7B0]  }
0x1a7: {  	[tilespmem:s19], [sflag:$0x1] =	stream.indirect.gather [hbm4b:s15+s4], $0x1, s4, s4, $0xb8;
	[tilespmem:$0x10400] =	vst v63  }
0x1a8: {  	s15 =	sld [smem:$0x7F2];
	_ =	sdelay $0x1  }
0x1a9: {  	s19 =	sld [smem:$0x7B2]  }
0x1aa: {  	[tilespmem:s20], [sflag:$0x1] =	stream.indirect.gather [hbm4b:s15+s4], $0x1, s2, s4, $0xb8;
	[tilespmem:$0x10400] =	vst v63  }
0x1ab: {  	s20 =	sld [smem:$0x7B4]  }
0x1ac: {  	[tilespmem:s19], [sflag:$0x1] =	stream.indirect.gather [hbm4b:s15+s4], $0x1, s4, s4, $0xb8;
	[tilespmem:$0x10400] =	vst v63  }
0x1ad: {  	s15 =	sld [smem:$0x7F4];
	_ =	sdelay $0x1  }
0x1ae: {  	s19 =	sld [smem:$0x7B6]  }
0x1af: {  	[tilespmem:s20], [sflag:$0x1] =	stream.indirect.gather [hbm4b:s15+s4], $0x1, s2, s4, $0xb8;
	[tilespmem:$0x10400] =	vst v63  }
0x1b0: {  	s20 =	sld [smem:$0x7B8]  }
0x1b1: {  	[tilespmem:s19], [sflag:$0x1] =	stream.indirect.gather [hbm4b:s15+s4], $0x1, s4, s4, $0xb8;
	[tilespmem:$0x10400] =	vst v63  }
0x1b2: {  	s15 =	sld [smem:$0x7F5];
	_ =	sdelay $0x1  }
0x1b3: {  	s19 =	sld [smem:$0x7BA]  }
0x1b4: {  	[tilespmem:s20], [sflag:$0x1] =	stream.indirect.gather [hbm4b:s15+s4], $0x1, s2, s4, $0xb8;
	[tilespmem:$0x10400] =	vst v63  }
0x1b5: {  	s20 =	sld [smem:$0x7BC]  }
0x1b6: {  	[tilespmem:s19], [sflag:$0x1] =	stream.indirect.gather [hbm4b:s15+s4], $0x1, s4, s4, $0xb8;
	[tilespmem:$0x10400] =	vst v63  }
0x1b7: {  	s15 =	sld [smem:$0x7F6];
	_ =	sdelay $0x1  }
0x1b8: {  	s19 =	sld [smem:$0x7BE]  }
0x1b9: {  	[tilespmem:s20], [sflag:$0x1] =	stream.indirect.gather [hbm4b:s15+s4], $0x1, s2, s4, $0xb8;
	[tilespmem:$0x10400] =	vst v63  }
0x1ba: {  	s20 =	sld [smem:$0x7C0]  }
0x1bb: {  	[tilespmem:s19], [sflag:$0x1] =	stream.indirect.gather [hbm4b:s15+s4], $0x1, s4, s4, $0xb8;
	[tilespmem:$0x10400] =	vst v63  }
0x1bc: {  	s15 =	sld [smem:$0x7C2]  }
0x1bd: {  	[tilespmem:s20], [sflag:$0x1] =	stream.indirect.gather [hbm4b:s5+s4], $0x1, s2, s4, $0xb8;
	[tilespmem:$0x10400] =	vst v63  }
0x1be: {  	s20 =	sld [smem:$0x7C4]  }
0x1bf: {  	[tilespmem:s15], [sflag:$0x1] =	stream.indirect.gather [hbm4b:s5+s4], $0x1, s4, s4, $0xb8;
	[tilespmem:$0x10400] =	vst v63  }
0x1c0: {  	s15 =	sld [smem:$0x7C6]  }
0x1c1: {  	[tilespmem:s20], [sflag:$0x1] =	stream.indirect.gather [hbm4b:s1+s4], $0x1, s2, s4, $0xb8;
	[tilespmem:$0x10400] =	vst v63  }
0x1c2: {  	s20 =	sld [smem:$0x7C8]  }
0x1c3: {  	[tilespmem:s15], [sflag:$0x1] =	stream.indirect.gather [hbm4b:s1+s4], $0x1, s4, s4, $0xb8;
	[tilespmem:$0x10400] =	vst v63  }
0x1c4: {  	s15 =	sld [smem:$0x7CA]  }
0x1c5: {  	[tilespmem:s20], [sflag:$0x1] =	stream.indirect.gather [hbm4b:s0+s4], $0x1, s2, s4, $0xb8;
	[tilespmem:$0x10400] =	vst v63  }
0x1c6: {  	s20 =	sld [smem:$0x7CC]  }
0x1c7: {  	[tilespmem:s15], [sflag:$0x1] =	stream.indirect.gather [hbm4b:s0+s4], $0x1, s4, s4, $0xb8;
	[tilespmem:$0x10400] =	vst v63  }
0x1c8: {  	s15 =	sld [smem:$0x7CE]  }
0x1c9: {  	[tilespmem:s20], [sflag:$0x1] =	stream.indirect.gather [hbm4b:s31+s4], $0x1, s2, s4, $0xb8;
	[tilespmem:$0x10400] =	vst v63  }
0x1ca: {  	s20 =	sld [smem:$0x7D0]  }
0x1cb: {  	[tilespmem:s15], [sflag:$0x1] =	stream.indirect.gather [hbm4b:s31+s4], $0x1, s4, s4, $0xb8;
	[tilespmem:$0x10400] =	vst v63  }
0x1cc: {  	s15 =	sld [smem:$0x7D2]  }
0x1cd: {  	[tilespmem:s20], [sflag:$0x1] =	stream.indirect.gather [hbm4b:s30+s4], $0x1, s2, s4, $0xb8;
	[tilespmem:$0x10400] =	vst v63  }
0x1ce: {  	s20 =	sld [smem:$0x7D4]  }
0x1cf: {  	[tilespmem:s15], [sflag:$0x1] =	stream.indirect.gather [hbm4b:s30+s4], $0x1, s4, s4, $0xb8;
	[tilespmem:$0x10400] =	vst v63  }
0x1d0: {  	s15 =	sld [smem:$0x7D6]  }
0x1d1: {  	[tilespmem:s20], [sflag:$0x1] =	stream.indirect.gather [hbm4b:s29+s4], $0x1, s2, s4, $0xb8;
	[tilespmem:$0x10400] =	vst v63  }
0x1d2: {  	s20 =	sld [smem:$0x7D7]  }
0x1d3: {  	[tilespmem:s15], [sflag:$0x1] =	stream.indirect.gather [hbm4b:s29+s4], $0x1, s4, s4, $0xb8;
	[tilespmem:$0x10400] =	vst v63  }
0x1d4: {  	s15 =	sld [smem:$0x7D9]  }
0x1d5: {  	[tilespmem:s20], [sflag:$0x1] =	stream.indirect.gather [hbm4b:s28+s4], $0x1, s2, s4, $0xb8;
	[tilespmem:$0x10400] =	vst v63  }
0x1d6: {  	s20 =	sld [smem:$0x7DB]  }
0x1d7: {  	[tilespmem:s15], [sflag:$0x1] =	stream.indirect.gather [hbm4b:s28+s4], $0x1, s4, s4, $0xb8;
	[tilespmem:$0x10400] =	vst v63  }
0x1d8: {  	s15 =	sld [smem:$0x7DF]  }
0x1d9: {  	[tilespmem:s20], [sflag:$0x1] =	stream.indirect.gather [hbm4b:s26+s4], $0x1, s2, s4, $0xb8;
	[tilespmem:$0x10400] =	vst v63  }
0x1da: {  	s20 =	sld [smem:$0x7E3]  }
0x1db: {  	[tilespmem:s15], [sflag:$0x1] =	stream.indirect.gather [hbm4b:s26+s4], $0x1, s4, s4, $0xb8;
	[tilespmem:$0x10400] =	vst v63  }
0x1dc: {  	s15 =	sld [smem:$0x7E7]  }
0x1dd: {  	[tilespmem:s20], [sflag:$0x1] =	stream.indirect.gather [hbm4b:s25+s4], $0x1, s2, s4, $0xb8;
	[tilespmem:$0x10400] =	vst v63  }
0x1de: {  	s20 =	sld [smem:$0x7EB]  }
0x1df: {  	[tilespmem:s15], [sflag:$0x1] =	stream.indirect.gather [hbm4b:s25+s4], $0x1, s4, s4, $0xb8;
	[tilespmem:$0x10400] =	vst v63  }
0x1e0: {  	s15 =	sld [smem:$0x7EF]  }
0x1e1: {  	[tilespmem:s20], [sflag:$0x1] =	stream.indirect.gather [hbm4b:s24+s4], $0x1, s2, s4, $0xb8;
	[tilespmem:$0x10400] =	vst v63  }
0x1e2: {  	s20 =	sld [smem:$0x7F3]  }
0x1e3: {  	[tilespmem:s15], [sflag:$0x1] =	stream.indirect.gather [hbm4b:s24+s4], $0x1, s4, s4, $0xb8;
	[tilespmem:$0x10400] =	vst v63  }
0x1e4: {  	s15 =	sld [smem:$0x7F7]  }
0x1e5: {  	[tilespmem:s20], [sflag:$0x1] =	stream.indirect.gather [hbm4b:s23+s4], $0x1, s2, s4, $0xb8;
	[tilespmem:$0x10400] =	vst v63  }
0x1e6: {  	s20 =	sld [smem:$0x7F8]  }
0x1e7: {  	[tilespmem:s15], [sflag:$0x1] =	stream.indirect.gather [hbm4b:s23+s4], $0x1, s4, s4, $0xb8;
	[tilespmem:$0x10400] =	vst v63  }
0x1e8: {  	s15 =	sld [smem:$0x7F9]  }
0x1e9: {  	[tilespmem:s20], [sflag:$0x1] =	stream.indirect.gather [hbm4b:s22+s4], $0x1, s2, s4, $0xb8;
	[tilespmem:$0x10400] =	vst v63  }
0x1ea: {  	_ = 	snop  }
0x1eb: {  	[tilespmem:s15], [sflag:$0x1] =	stream.indirect.gather [hbm4b:s22+s4], $0x1, s4, s4, $0xb8;
	[tilespmem:$0x10400] =	vst v63  }
0x1ec: {  	_ =	swait.ge [sflag:s10], $0x8000  }
0x1ed: {  	[sflag:s10] =	ssyncset.done $0x0  }
0x1ee: {  	[sflag:s10] =	ssyncadd.s32 $0xFFFF8000  }
0x1ef: {  	_ =	swait.ge [sflag:s10], $0x8000  }
0x1f0: {  	[sflag:s10] =	ssyncset.done $0x0  }
0x1f1: {  	s7 =	simm.s32 $0x400;
	s20 =	rddreg [dreg:$0x7];
	[sflag:s10] =	ssyncadd.s32 $0xFFFF8000  }
0x1f2: {  	[hbm4b:s20+s4] =	stream.strided.scatter [tilespmem:s7], [sflag:$0x2], $0x8000, s6, s4, $0x38;
	[tilespmem:$0x10400] =	vst v63  }
0x1f3: {  	p1 =	sne.s32 s21, $0x1;
	_ =	swait.ge [sflag:s3], $0x8000  }
.Ltmp1:
0x1f4: {  	[sflag:s3] =	ssyncset.done $0x0;
	(pc) =	sbr.rel @!p1 .LBB2_6-.Ltmp1, $4  }
0x1f5: {  	s20 =	simm.s32 $0x8400;
	s15 =	rddreg [dreg:$0x8];
	[sflag:s3] =	ssyncadd.s32 $0xFFFF8000  }
0x1f6: {  	[hbm4b:s15+s4] =	stream.strided.scatter [tilespmem:s20], [sflag:$0x2], $0x8000, s6, s4, $0x38;
	[tilespmem:$0x10400] =	vst v63  }
0x1f7: {  	p0 =	por $0x1, $0x1;
	s19 =	sadd.s32 $0xFFFFFFFF, s21;
	_ =	swait.ge [sflag:s3], $0x8000  }
0x1f8: {  	s21 =	simm.s32 $0x400;
	s20 =	rddreg [dreg:$0x5];
	[sflag:s3] =	ssyncset.done $0x0  }
0x1f9: {  	s7 =	simm.s32 $0x8400;
	s6 =	simm.s32 $0x4000  }
.LBB2_3:
0x1fa: {  	[sflag:s3] =	ssyncadd.s32 $0xFFFF8000  }
0x1fb: {  	[tilespmem:s2], [sflag:$0x2] =	stream.linear.gather [hbm4b:s20+s2], $0x200, $0x38;
	[tilespmem:$0x10400] =	vst v63  }
0x1fc: {  	_ =	swait.ge [sflag:s3], $0x200  }
0x1fd: {  	[sflag:s3] =	ssyncset.done $0x0  }
0x1fe: {  	s15 =	rddreg [dreg:$0x6];
	[sflag:s3] =	ssyncadd.s32 $0xFFFFFE00  }
0x1ff: {  	[tilespmem:s4], [sflag:$0x2] =	stream.linear.gather [hbm4b:s15+s2], $0x200, $0x38;
	[tilespmem:$0x10400] =	vst v63  }
0x200: {  	_ =	swait.ge [sflag:s3], $0x200  }
0x201: {  	[sflag:s3] =	ssyncset.done $0x0  }
0x202: {  	[sflag:s3] =	ssyncadd.s32 $0xFFFFFE00  }
0x203: {  	[tilespmem:s21], [sflag:$0x1] =	stream.indirect.gather [hbm4b:s11+s4], $0x1, s2, s4, $0xb8;
	[tilespmem:$0x10400] =	vst v63  }
0x204: {  	_ = 	snop  }
0x205: {  	[tilespmem:s7], [sflag:$0x1] =	stream.indirect.gather [hbm4b:s11+s4], $0x1, s4, s4, $0xb8;
	[tilespmem:$0x10400] =	vst v63  }
0x206: {  	s21 =	rddreg [dreg:$0x9]  }
0x207: {  	[tilespmem:s21], [sflag:$0x1] =	stream.indirect.gather [hbm4b:s17+s4], $0x1, s2, s4, $0xb8;
	[tilespmem:$0x10400] =	vst v63  }
0x208: {  	s15 =	rddreg [dreg:$0xa]  }
0x209: {  	[tilespmem:s15], [sflag:$0x1] =	stream.indirect.gather [hbm4b:s17+s4], $0x1, s4, s4, $0xb8;
	[tilespmem:$0x10400] =	vst v63  }
0x20a: {  	s20 =	rddreg [dreg:$0xb]  }
0x20b: {  	[tilespmem:s20], [sflag:$0x1] =	stream.indirect.gather [hbm4b:s18+s4], $0x1, s2, s4, $0xb8;
	[tilespmem:$0x10400] =	vst v63  }
0x20c: {  	s15 =	rddreg [dreg:$0xc]  }
0x20d: {  	[tilespmem:s15], [sflag:$0x1] =	stream.indirect.gather [hbm4b:s18+s4], $0x1, s4, s4, $0xb8;
	[tilespmem:$0x10400] =	vst v63  }
0x20e: {  	s20 =	rddreg [dreg:$0xd]  }
0x20f: {  	[tilespmem:s20], [sflag:$0x1] =	stream.indirect.gather [hbm4b:s16+s4], $0x1, s2, s4, $0xb8;
	[tilespmem:$0x10400] =	vst v63  }
0x210: {  	s15 =	rddreg [dreg:$0xe]  }
0x211: {  	[tilespmem:s15], [sflag:$0x1] =	stream.indirect.gather [hbm4b:s16+s4], $0x1, s4, s4, $0xb8;
	[tilespmem:$0x10400] =	vst v63  }
0x212: {  	s20 =	rddreg [dreg:$0xf]  }
0x213: {  	[tilespmem:s20], [sflag:$0x1] =	stream.indirect.gather [hbm4b:s14+s4], $0x1, s2, s4, $0xb8;
	[tilespmem:$0x10400] =	vst v63  }
0x214: {  	s15 =	rddreg [dreg:$0x10]  }
0x215: {  	[tilespmem:s15], [sflag:$0x1] =	stream.indirect.gather [hbm4b:s14+s4], $0x1, s4, s4, $0xb8;
	[tilespmem:$0x10400] =	vst v63  }
0x216: {  	s20 =	rddreg [dreg:$0x11]  }
0x217: {  	[tilespmem:s20], [sflag:$0x1] =	stream.indirect.gather [hbm4b:s13+s4], $0x1, s2, s4, $0xb8;
	[tilespmem:$0x10400] =	vst v63  }
0x218: {  	s15 =	rddreg [dreg:$0x12]  }
0x219: {  	[tilespmem:s15], [sflag:$0x1] =	stream.indirect.gather [hbm4b:s13+s4], $0x1, s4, s4, $0xb8;
	[tilespmem:$0x10400] =	vst v63  }
0x21a: {  	s20 =	rddreg [dreg:$0x13]  }
0x21b: {  	[tilespmem:s20], [sflag:$0x1] =	stream.indirect.gather [hbm4b:s9+s4], $0x1, s2, s4, $0xb8;
	[tilespmem:$0x10400] =	vst v63  }
0x21c: {  	s15 =	rddreg [dreg:$0x14]  }
0x21d: {  	[tilespmem:s15], [sflag:$0x1] =	stream.indirect.gather [hbm4b:s9+s4], $0x1, s4, s4, $0xb8;
	[tilespmem:$0x10400] =	vst v63  }
0x21e: {  	s20 =	rddreg [dreg:$0x15]  }
0x21f: {  	[tilespmem:s20], [sflag:$0x1] =	stream.indirect.gather [hbm4b:s12+s4], $0x1, s2, s4, $0xb8;
	[tilespmem:$0x10400] =	vst v63  }
0x220: {  	s15 =	rddreg [dreg:$0x16]  }
0x221: {  	[tilespmem:s15], [sflag:$0x1] =	stream.indirect.gather [hbm4b:s12+s4], $0x1, s4, s4, $0xb8;
	[tilespmem:$0x10400] =	vst v63  }
0x222: {  	s20 =	rddreg [dreg:$0x17]  }
0x223: {  	[tilespmem:s20], [sflag:$0x1] =	stream.indirect.gather [hbm4b:s8+s4], $0x1, s2, s4, $0xb8;
	[tilespmem:$0x10400] =	vst v63  }
0x224: {  	s15 =	rddreg [dreg:$0x18]  }
0x225: {  	[tilespmem:s15], [sflag:$0x1] =	stream.indirect.gather [hbm4b:s8+s4], $0x1, s4, s4, $0xb8;
	[tilespmem:$0x10400] =	vst v63  }
0x226: {  	s15 =	smov.u32 s16;
	s16 =	sld [smem:$0x7AF];
	_ =	sdelay $0x1  }
0x227: {  	s20 =	rddreg [dreg:$0x19]  }
0x228: {  	[tilespmem:s20], [sflag:$0x1] =	stream.indirect.gather [hbm4b:s16+s4], $0x1, s2, s4, $0xb8;
	[tilespmem:$0x10400] =	vst v63  }
0x229: {  	s21 =	rddreg [dreg:$0x1a]  }
0x22a: {  	[tilespmem:s21], [sflag:$0x1] =	stream.indirect.gather [hbm4b:s16+s4], $0x1, s4, s4, $0xb8;
	[tilespmem:$0x10400] =	vst v63  }
0x22b: {  	s16 =	smov.u32 s15;
	s15 =	sld [smem:$0x7B1];
	_ =	sdelay $0x1  }
0x22c: {  	s20 =	rddreg [dreg:$0x1b]  }
0x22d: {  	[tilespmem:s20], [sflag:$0x1] =	stream.indirect.gather [hbm4b:s15+s4], $0x1, s2, s4, $0xb8;
	[tilespmem:$0x10400] =	vst v63  }
0x22e: {  	s21 =	rddreg [dreg:$0x1c]  }
0x22f: {  	[tilespmem:s21], [sflag:$0x1] =	stream.indirect.gather [hbm4b:s15+s4], $0x1, s4, s4, $0xb8;
	[tilespmem:$0x10400] =	vst v63  }
0x230: {  	s15 =	sld [smem:$0x7B3];
	_ =	sdelay $0x1  }
0x231: {  	s20 =	rddreg [dreg:$0x1d]  }
0x232: {  	[tilespmem:s20], [sflag:$0x1] =	stream.indirect.gather [hbm4b:s15+s4], $0x1, s2, s4, $0xb8;
	[tilespmem:$0x10400] =	vst v63  }
0x233: {  	s21 =	rddreg [dreg:$0x1e]  }
0x234: {  	[tilespmem:s21], [sflag:$0x1] =	stream.indirect.gather [hbm4b:s15+s4], $0x1, s4, s4, $0xb8;
	[tilespmem:$0x10400] =	vst v63  }
0x235: {  	s15 =	sld [smem:$0x7B5]  }
0x236: {  	s20 =	rddreg [dreg:$0x1f]  }
0x237: {  	s21 =	sld [smem:$0x769]  }
0x238: {  	[tilespmem:s20], [sflag:$0x1] =	stream.indirect.gather [hbm4b:s15+s4], $0x1, s2, s4, $0xb8;
	[tilespmem:$0x10400] =	vst v63  }
0x239: {  	s20 =	sld [smem:$0x76A]  }
0x23a: {  	[tilespmem:s21], [sflag:$0x1] =	stream.indirect.gather [hbm4b:s15+s4], $0x1, s4, s4, $0xb8;
	[tilespmem:$0x10400] =	vst v63  }
0x23b: {  	s15 =	sld [smem:$0x7B7];
	_ =	sdelay $0x1  }
0x23c: {  	s21 =	sld [smem:$0x76B]  }
0x23d: {  	[tilespmem:s20], [sflag:$0x1] =	stream.indirect.gather [hbm4b:s15+s4], $0x1, s2, s4, $0xb8;
	[tilespmem:$0x10400] =	vst v63  }
0x23e: {  	s20 =	sld [smem:$0x76C]  }
0x23f: {  	[tilespmem:s21], [sflag:$0x1] =	stream.indirect.gather [hbm4b:s15+s4], $0x1, s4, s4, $0xb8;
	[tilespmem:$0x10400] =	vst v63  }
0x240: {  	s15 =	sld [smem:$0x7B9];
	_ =	sdelay $0x1  }
0x241: {  	s21 =	sld [smem:$0x76D]  }
0x242: {  	[tilespmem:s20], [sflag:$0x1] =	stream.indirect.gather [hbm4b:s15+s4], $0x1, s2, s4, $0xb8;
	[tilespmem:$0x10400] =	vst v63  }
0x243: {  	s20 =	sld [smem:$0x76E]  }
0x244: {  	[tilespmem:s21], [sflag:$0x1] =	stream.indirect.gather [hbm4b:s15+s4], $0x1, s4, s4, $0xb8;
	[tilespmem:$0x10400] =	vst v63  }
0x245: {  	s15 =	sld [smem:$0x7BB];
	_ =	sdelay $0x1  }
0x246: {  	s21 =	sld [smem:$0x76F]  }
0x247: {  	[tilespmem:s20], [sflag:$0x1] =	stream.indirect.gather [hbm4b:s15+s4], $0x1, s2, s4, $0xb8;
	[tilespmem:$0x10400] =	vst v63  }
0x248: {  	s20 =	sld [smem:$0x770]  }
0x249: {  	[tilespmem:s21], [sflag:$0x1] =	stream.indirect.gather [hbm4b:s15+s4], $0x1, s4, s4, $0xb8;
	[tilespmem:$0x10400] =	vst v63  }
0x24a: {  	s15 =	sld [smem:$0x7BD];
	_ =	sdelay $0x1  }
0x24b: {  	s21 =	sld [smem:$0x771]  }
0x24c: {  	[tilespmem:s20], [sflag:$0x1] =	stream.indirect.gather [hbm4b:s15+s4], $0x1, s2, s4, $0xb8;
	[tilespmem:$0x10400] =	vst v63  }
0x24d: {  	s20 =	sld [smem:$0x772]  }
0x24e: {  	[tilespmem:s21], [sflag:$0x1] =	stream.indirect.gather [hbm4b:s15+s4], $0x1, s4, s4, $0xb8;
	[tilespmem:$0x10400] =	vst v63  }
0x24f: {  	s15 =	sld [smem:$0x7BF];
	_ =	sdelay $0x1  }
0x250: {  	s21 =	sld [smem:$0x773]  }
0x251: {  	[tilespmem:s20], [sflag:$0x1] =	stream.indirect.gather [hbm4b:s15+s4], $0x1, s2, s4, $0xb8;
	[tilespmem:$0x10400] =	vst v63  }
0x252: {  	s20 =	sld [smem:$0x774]  }
0x253: {  	[tilespmem:s21], [sflag:$0x1] =	stream.indirect.gather [hbm4b:s15+s4], $0x1, s4, s4, $0xb8;
	[tilespmem:$0x10400] =	vst v63  }
0x254: {  	s15 =	sld [smem:$0x7C1];
	_ =	sdelay $0x1  }
0x255: {  	s21 =	sld [smem:$0x775]  }
0x256: {  	[tilespmem:s20], [sflag:$0x1] =	stream.indirect.gather [hbm4b:s15+s4], $0x1, s2, s4, $0xb8;
	[tilespmem:$0x10400] =	vst v63  }
0x257: {  	s20 =	sld [smem:$0x776]  }
0x258: {  	[tilespmem:s21], [sflag:$0x1] =	stream.indirect.gather [hbm4b:s15+s4], $0x1, s4, s4, $0xb8;
	[tilespmem:$0x10400] =	vst v63  }
0x259: {  	s15 =	sld [smem:$0x7C3];
	_ =	sdelay $0x1  }
0x25a: {  	s21 =	sld [smem:$0x777]  }
0x25b: {  	[tilespmem:s20], [sflag:$0x1] =	stream.indirect.gather [hbm4b:s15+s4], $0x1, s2, s4, $0xb8;
	[tilespmem:$0x10400] =	vst v63  }
0x25c: {  	s20 =	sld [smem:$0x778]  }
0x25d: {  	[tilespmem:s21], [sflag:$0x1] =	stream.indirect.gather [hbm4b:s15+s4], $0x1, s4, s4, $0xb8;
	[tilespmem:$0x10400] =	vst v63  }
0x25e: {  	s15 =	sld [smem:$0x7C5];
	_ =	sdelay $0x1  }
0x25f: {  	s21 =	sld [smem:$0x779]  }
0x260: {  	[tilespmem:s20], [sflag:$0x1] =	stream.indirect.gather [hbm4b:s15+s4], $0x1, s2, s4, $0xb8;
	[tilespmem:$0x10400] =	vst v63  }
0x261: {  	s20 =	sld [smem:$0x77A]  }
0x262: {  	[tilespmem:s21], [sflag:$0x1] =	stream.indirect.gather [hbm4b:s15+s4], $0x1, s4, s4, $0xb8;
	[tilespmem:$0x10400] =	vst v63  }
0x263: {  	s15 =	sld [smem:$0x7C7];
	_ =	sdelay $0x1  }
0x264: {  	s21 =	sld [smem:$0x77B]  }
0x265: {  	[tilespmem:s20], [sflag:$0x1] =	stream.indirect.gather [hbm4b:s15+s4], $0x1, s2, s4, $0xb8;
	[tilespmem:$0x10400] =	vst v63  }
0x266: {  	s20 =	sld [smem:$0x77C]  }
0x267: {  	[tilespmem:s21], [sflag:$0x1] =	stream.indirect.gather [hbm4b:s15+s4], $0x1, s4, s4, $0xb8;
	[tilespmem:$0x10400] =	vst v63  }
0x268: {  	s15 =	sld [smem:$0x7C9];
	_ =	sdelay $0x1  }
0x269: {  	s21 =	sld [smem:$0x77D]  }
0x26a: {  	[tilespmem:s20], [sflag:$0x1] =	stream.indirect.gather [hbm4b:s15+s4], $0x1, s2, s4, $0xb8;
	[tilespmem:$0x10400] =	vst v63  }
0x26b: {  	s20 =	sld [smem:$0x77E]  }
0x26c: {  	[tilespmem:s21], [sflag:$0x1] =	stream.indirect.gather [hbm4b:s15+s4], $0x1, s4, s4, $0xb8;
	[tilespmem:$0x10400] =	vst v63  }
0x26d: {  	s15 =	sld [smem:$0x7CB];
	_ =	sdelay $0x1  }
0x26e: {  	s21 =	sld [smem:$0x77F]  }
0x26f: {  	[tilespmem:s20], [sflag:$0x1] =	stream.indirect.gather [hbm4b:s15+s4], $0x1, s2, s4, $0xb8;
	[tilespmem:$0x10400] =	vst v63  }
0x270: {  	s20 =	sld [smem:$0x780]  }
0x271: {  	[tilespmem:s21], [sflag:$0x1] =	stream.indirect.gather [hbm4b:s15+s4], $0x1, s4, s4, $0xb8;
	[tilespmem:$0x10400] =	vst v63  }
0x272: {  	s15 =	sld [smem:$0x7CD];
	_ =	sdelay $0x1  }
0x273: {  	s21 =	sld [smem:$0x781]  }
0x274: {  	[tilespmem:s20], [sflag:$0x1] =	stream.indirect.gather [hbm4b:s15+s4], $0x1, s2, s4, $0xb8;
	[tilespmem:$0x10400] =	vst v63  }
0x275: {  	s20 =	sld [smem:$0x782]  }
0x276: {  	[tilespmem:s21], [sflag:$0x1] =	stream.indirect.gather [hbm4b:s15+s4], $0x1, s4, s4, $0xb8;
	[tilespmem:$0x10400] =	vst v63  }
0x277: {  	s15 =	sld [smem:$0x7CF];
	_ =	sdelay $0x1  }
0x278: {  	s21 =	sld [smem:$0x783]  }
0x279: {  	[tilespmem:s20], [sflag:$0x1] =	stream.indirect.gather [hbm4b:s15+s4], $0x1, s2, s4, $0xb8;
	[tilespmem:$0x10400] =	vst v63  }
0x27a: {  	s20 =	sld [smem:$0x784]  }
0x27b: {  	[tilespmem:s21], [sflag:$0x1] =	stream.indirect.gather [hbm4b:s15+s4], $0x1, s4, s4, $0xb8;
	[tilespmem:$0x10400] =	vst v63  }
0x27c: {  	s15 =	sld [smem:$0x7D1];
	_ =	sdelay $0x1  }
0x27d: {  	s21 =	sld [smem:$0x785]  }
0x27e: {  	[tilespmem:s20], [sflag:$0x1] =	stream.indirect.gather [hbm4b:s15+s4], $0x1, s2, s4, $0xb8;
	[tilespmem:$0x10400] =	vst v63  }
0x27f: {  	s20 =	sld [smem:$0x786]  }
0x280: {  	[tilespmem:s21], [sflag:$0x1] =	stream.indirect.gather [hbm4b:s15+s4], $0x1, s4, s4, $0xb8;
	[tilespmem:$0x10400] =	vst v63  }
0x281: {  	s15 =	sld [smem:$0x7D3];
	_ =	sdelay $0x1  }
0x282: {  	s21 =	sld [smem:$0x787]  }
0x283: {  	[tilespmem:s20], [sflag:$0x1] =	stream.indirect.gather [hbm4b:s15+s4], $0x1, s2, s4, $0xb8;
	[tilespmem:$0x10400] =	vst v63  }
0x284: {  	s20 =	sld [smem:$0x788]  }
0x285: {  	[tilespmem:s21], [sflag:$0x1] =	stream.indirect.gather [hbm4b:s15+s4], $0x1, s4, s4, $0xb8;
	[tilespmem:$0x10400] =	vst v63  }
0x286: {  	s15 =	sld [smem:$0x7D5];
	_ =	sdelay $0x1  }
0x287: {  	s21 =	sld [smem:$0x789]  }
0x288: {  	[tilespmem:s20], [sflag:$0x1] =	stream.indirect.gather [hbm4b:s15+s4], $0x1, s2, s4, $0xb8;
	[tilespmem:$0x10400] =	vst v63  }
0x289: {  	s20 =	sld [smem:$0x78A]  }
0x28a: {  	[tilespmem:s21], [sflag:$0x1] =	stream.indirect.gather [hbm4b:s15+s4], $0x1, s4, s4, $0xb8;
	[tilespmem:$0x10400] =	vst v63  }
0x28b: {  	s15 =	sld [smem:$0x7D8];
	_ =	sdelay $0x1  }
0x28c: {  	s21 =	sld [smem:$0x78B]  }
0x28d: {  	[tilespmem:s20], [sflag:$0x1] =	stream.indirect.gather [hbm4b:s15+s4], $0x1, s2, s4, $0xb8;
	[tilespmem:$0x10400] =	vst v63  }
0x28e: {  	_ = 	snop  }
0x28f: {  	[tilespmem:s21], [sflag:$0x1] =	stream.indirect.gather [hbm4b:s15+s4], $0x1, s4, s4, $0xb8;
	[tilespmem:$0x10400] =	vst v63  }
0x290: {  	s15 =	sld [smem:$0x7DA];
	_ =	sdelay $0x1  }
0x291: {  	s20 =	sld [smem:$0x78C]  }
0x292: {  	[tilespmem:s6], [sflag:$0x1] =	stream.indirect.gather [hbm4b:s15+s4], $0x1, s2, s4, $0xb8;
	[tilespmem:$0x10400] =	vst v63  }
0x293: {  	s21 =	sld [smem:$0x78D]  }
0x294: {  	[tilespmem:s20], [sflag:$0x1] =	stream.indirect.gather [hbm4b:s15+s4], $0x1, s4, s4, $0xb8;
	[tilespmem:$0x10400] =	vst v63  }
0x295: {  	s15 =	sld [smem:$0x7DC];
	_ =	sdelay $0x1  }
0x296: {  	s20 =	sld [smem:$0x78E]  }
0x297: {  	[tilespmem:s21], [sflag:$0x1] =	stream.indirect.gather [hbm4b:s15+s4], $0x1, s2, s4, $0xb8;
	[tilespmem:$0x10400] =	vst v63  }
0x298: {  	s21 =	sld [smem:$0x78F]  }
0x299: {  	[tilespmem:s20], [sflag:$0x1] =	stream.indirect.gather [hbm4b:s15+s4], $0x1, s4, s4, $0xb8;
	[tilespmem:$0x10400] =	vst v63  }
0x29a: {  	s15 =	sld [smem:$0x7DD];
	_ =	sdelay $0x1  }
0x29b: {  	s20 =	sld [smem:$0x790]  }
0x29c: {  	[tilespmem:s21], [sflag:$0x1] =	stream.indirect.gather [hbm4b:s15+s4], $0x1, s2, s4, $0xb8;
	[tilespmem:$0x10400] =	vst v63  }
0x29d: {  	s21 =	sld [smem:$0x791]  }
0x29e: {  	[tilespmem:s20], [sflag:$0x1] =	stream.indirect.gather [hbm4b:s15+s4], $0x1, s4, s4, $0xb8;
	[tilespmem:$0x10400] =	vst v63  }
0x29f: {  	s15 =	sld [smem:$0x7DE];
	_ =	sdelay $0x1  }
0x2a0: {  	s20 =	sld [smem:$0x792]  }
0x2a1: {  	[tilespmem:s21], [sflag:$0x1] =	stream.indirect.gather [hbm4b:s15+s4], $0x1, s2, s4, $0xb8;
	[tilespmem:$0x10400] =	vst v63  }
0x2a2: {  	s21 =	sld [smem:$0x793]  }
0x2a3: {  	[tilespmem:s20], [sflag:$0x1] =	stream.indirect.gather [hbm4b:s15+s4], $0x1, s4, s4, $0xb8;
	[tilespmem:$0x10400] =	vst v63  }
0x2a4: {  	s15 =	sld [smem:$0x7E0];
	_ =	sdelay $0x1  }
0x2a5: {  	s20 =	sld [smem:$0x794]  }
0x2a6: {  	[tilespmem:s21], [sflag:$0x1] =	stream.indirect.gather [hbm4b:s15+s4], $0x1, s2, s4, $0xb8;
	[tilespmem:$0x10400] =	vst v63  }
0x2a7: {  	s21 =	sld [smem:$0x795]  }
0x2a8: {  	[tilespmem:s20], [sflag:$0x1] =	stream.indirect.gather [hbm4b:s15+s4], $0x1, s4, s4, $0xb8;
	[tilespmem:$0x10400] =	vst v63  }
0x2a9: {  	s15 =	sld [smem:$0x7E1];
	_ =	sdelay $0x1  }
0x2aa: {  	s20 =	sld [smem:$0x796]  }
0x2ab: {  	[tilespmem:s21], [sflag:$0x1] =	stream.indirect.gather [hbm4b:s15+s4], $0x1, s2, s4, $0xb8;
	[tilespmem:$0x10400] =	vst v63  }
0x2ac: {  	s21 =	sld [smem:$0x797]  }
0x2ad: {  	[tilespmem:s20], [sflag:$0x1] =	stream.indirect.gather [hbm4b:s15+s4], $0x1, s4, s4, $0xb8;
	[tilespmem:$0x10400] =	vst v63  }
0x2ae: {  	s15 =	sld [smem:$0x7E2];
	_ =	sdelay $0x1  }
0x2af: {  	s20 =	sld [smem:$0x798]  }
0x2b0: {  	[tilespmem:s21], [sflag:$0x1] =	stream.indirect.gather [hbm4b:s15+s4], $0x1, s2, s4, $0xb8;
	[tilespmem:$0x10400] =	vst v63  }
0x2b1: {  	s21 =	sld [smem:$0x799]  }
0x2b2: {  	[tilespmem:s20], [sflag:$0x1] =	stream.indirect.gather [hbm4b:s15+s4], $0x1, s4, s4, $0xb8;
	[tilespmem:$0x10400] =	vst v63  }
0x2b3: {  	s15 =	sld [smem:$0x7E4];
	_ =	sdelay $0x1  }
0x2b4: {  	s20 =	sld [smem:$0x79A]  }
0x2b5: {  	[tilespmem:s21], [sflag:$0x1] =	stream.indirect.gather [hbm4b:s15+s4], $0x1, s2, s4, $0xb8;
	[tilespmem:$0x10400] =	vst v63  }
0x2b6: {  	s21 =	sld [smem:$0x79B]  }
0x2b7: {  	[tilespmem:s20], [sflag:$0x1] =	stream.indirect.gather [hbm4b:s15+s4], $0x1, s4, s4, $0xb8;
	[tilespmem:$0x10400] =	vst v63  }
0x2b8: {  	s15 =	sld [smem:$0x7E5];
	_ =	sdelay $0x1  }
0x2b9: {  	s20 =	sld [smem:$0x79C]  }
0x2ba: {  	[tilespmem:s21], [sflag:$0x1] =	stream.indirect.gather [hbm4b:s15+s4], $0x1, s2, s4, $0xb8;
	[tilespmem:$0x10400] =	vst v63  }
0x2bb: {  	s21 =	sld [smem:$0x79D]  }
0x2bc: {  	[tilespmem:s20], [sflag:$0x1] =	stream.indirect.gather [hbm4b:s15+s4], $0x1, s4, s4, $0xb8;
	[tilespmem:$0x10400] =	vst v63  }
0x2bd: {  	s15 =	sld [smem:$0x7E6];
	_ =	sdelay $0x1  }
0x2be: {  	s20 =	sld [smem:$0x79E]  }
0x2bf: {  	[tilespmem:s21], [sflag:$0x1] =	stream.indirect.gather [hbm4b:s15+s4], $0x1, s2, s4, $0xb8;
	[tilespmem:$0x10400] =	vst v63  }
0x2c0: {  	s21 =	sld [smem:$0x79F]  }
0x2c1: {  	[tilespmem:s20], [sflag:$0x1] =	stream.indirect.gather [hbm4b:s15+s4], $0x1, s4, s4, $0xb8;
	[tilespmem:$0x10400] =	vst v63  }
0x2c2: {  	s15 =	sld [smem:$0x7E8];
	_ =	sdelay $0x1  }
0x2c3: {  	s20 =	sld [smem:$0x7A0]  }
0x2c4: {  	[tilespmem:s21], [sflag:$0x1] =	stream.indirect.gather [hbm4b:s15+s4], $0x1, s2, s4, $0xb8;
	[tilespmem:$0x10400] =	vst v63  }
0x2c5: {  	s21 =	sld [smem:$0x7A1]  }
0x2c6: {  	[tilespmem:s20], [sflag:$0x1] =	stream.indirect.gather [hbm4b:s15+s4], $0x1, s4, s4, $0xb8;
	[tilespmem:$0x10400] =	vst v63  }
0x2c7: {  	s15 =	sld [smem:$0x7E9];
	_ =	sdelay $0x1  }
0x2c8: {  	s20 =	sld [smem:$0x7A2]  }
0x2c9: {  	[tilespmem:s21], [sflag:$0x1] =	stream.indirect.gather [hbm4b:s15+s4], $0x1, s2, s4, $0xb8;
	[tilespmem:$0x10400] =	vst v63  }
0x2ca: {  	s21 =	sld [smem:$0x7A3]  }
0x2cb: {  	[tilespmem:s20], [sflag:$0x1] =	stream.indirect.gather [hbm4b:s15+s4], $0x1, s4, s4, $0xb8;
	[tilespmem:$0x10400] =	vst v63  }
0x2cc: {  	s15 =	sld [smem:$0x7EA];
	_ =	sdelay $0x1  }
0x2cd: {  	s20 =	sld [smem:$0x7A4]  }
0x2ce: {  	[tilespmem:s21], [sflag:$0x1] =	stream.indirect.gather [hbm4b:s15+s4], $0x1, s2, s4, $0xb8;
	[tilespmem:$0x10400] =	vst v63  }
0x2cf: {  	s21 =	sld [smem:$0x7A5]  }
0x2d0: {  	[tilespmem:s20], [sflag:$0x1] =	stream.indirect.gather [hbm4b:s15+s4], $0x1, s4, s4, $0xb8;
	[tilespmem:$0x10400] =	vst v63  }
0x2d1: {  	s15 =	sld [smem:$0x7EC];
	_ =	sdelay $0x1  }
0x2d2: {  	s20 =	sld [smem:$0x7A6]  }
0x2d3: {  	[tilespmem:s21], [sflag:$0x1] =	stream.indirect.gather [hbm4b:s15+s4], $0x1, s2, s4, $0xb8;
	[tilespmem:$0x10400] =	vst v63  }
0x2d4: {  	s21 =	sld [smem:$0x7A7]  }
0x2d5: {  	[tilespmem:s20], [sflag:$0x1] =	stream.indirect.gather [hbm4b:s15+s4], $0x1, s4, s4, $0xb8;
	[tilespmem:$0x10400] =	vst v63  }
0x2d6: {  	s15 =	sld [smem:$0x7ED];
	_ =	sdelay $0x1  }
0x2d7: {  	s20 =	sld [smem:$0x7A8]  }
0x2d8: {  	[tilespmem:s21], [sflag:$0x1] =	stream.indirect.gather [hbm4b:s15+s4], $0x1, s2, s4, $0xb8;
	[tilespmem:$0x10400] =	vst v63  }
0x2d9: {  	s21 =	sld [smem:$0x7A9]  }
0x2da: {  	[tilespmem:s20], [sflag:$0x1] =	stream.indirect.gather [hbm4b:s15+s4], $0x1, s4, s4, $0xb8;
	[tilespmem:$0x10400] =	vst v63  }
0x2db: {  	s15 =	sld [smem:$0x7EE];
	_ =	sdelay $0x1  }
0x2dc: {  	s20 =	sld [smem:$0x7AA]  }
0x2dd: {  	[tilespmem:s21], [sflag:$0x1] =	stream.indirect.gather [hbm4b:s15+s4], $0x1, s2, s4, $0xb8;
	[tilespmem:$0x10400] =	vst v63  }
0x2de: {  	s21 =	sld [smem:$0x7AB]  }
0x2df: {  	[tilespmem:s20], [sflag:$0x1] =	stream.indirect.gather [hbm4b:s15+s4], $0x1, s4, s4, $0xb8;
	[tilespmem:$0x10400] =	vst v63  }
0x2e0: {  	s15 =	sld [smem:$0x7F0];
	_ =	sdelay $0x1  }
0x2e1: {  	s20 =	sld [smem:$0x7AC]  }
0x2e2: {  	[tilespmem:s21], [sflag:$0x1] =	stream.indirect.gather [hbm4b:s15+s4], $0x1, s2, s4, $0xb8;
	[tilespmem:$0x10400] =	vst v63  }
0x2e3: {  	s21 =	sld [smem:$0x7AD]  }
0x2e4: {  	[tilespmem:s20], [sflag:$0x1] =	stream.indirect.gather [hbm4b:s15+s4], $0x1, s4, s4, $0xb8;
	[tilespmem:$0x10400] =	vst v63  }
0x2e5: {  	s15 =	sld [smem:$0x7F1];
	_ =	sdelay $0x1  }
0x2e6: {  	s20 =	sld [smem:$0x7AE]  }
0x2e7: {  	[tilespmem:s21], [sflag:$0x1] =	stream.indirect.gather [hbm4b:s15+s4], $0x1, s2, s4, $0xb8;
	[tilespmem:$0x10400] =	vst v63  }
0x2e8: {  	s21 =	sld [smem:$0x7B0]  }
0x2e9: {  	[tilespmem:s20], [sflag:$0x1] =	stream.indirect.gather [hbm4b:s15+s4], $0x1, s4, s4, $0xb8;
	[tilespmem:$0x10400] =	vst v63  }
0x2ea: {  	s15 =	sld [smem:$0x7F2];
	_ =	sdelay $0x1  }
0x2eb: {  	s20 =	sld [smem:$0x7B2]  }
0x2ec: {  	[tilespmem:s21], [sflag:$0x1] =	stream.indirect.gather [hbm4b:s15+s4], $0x1, s2, s4, $0xb8;
	[tilespmem:$0x10400] =	vst v63  }
0x2ed: {  	s21 =	sld [smem:$0x7B4]  }
0x2ee: {  	[tilespmem:s20], [sflag:$0x1] =	stream.indirect.gather [hbm4b:s15+s4], $0x1, s4, s4, $0xb8;
	[tilespmem:$0x10400] =	vst v63  }
0x2ef: {  	s15 =	sld [smem:$0x7F4];
	_ =	sdelay $0x1  }
0x2f0: {  	s20 =	sld [smem:$0x7B6]  }
0x2f1: {  	[tilespmem:s21], [sflag:$0x1] =	stream.indirect.gather [hbm4b:s15+s4], $0x1, s2, s4, $0xb8;
	[tilespmem:$0x10400] =	vst v63  }
0x2f2: {  	s21 =	sld [smem:$0x7B8]  }
0x2f3: {  	[tilespmem:s20], [sflag:$0x1] =	stream.indirect.gather [hbm4b:s15+s4], $0x1, s4, s4, $0xb8;
	[tilespmem:$0x10400] =	vst v63  }
0x2f4: {  	s15 =	sld [smem:$0x7F5];
	_ =	sdelay $0x1  }
0x2f5: {  	s20 =	sld [smem:$0x7BA]  }
0x2f6: {  	[tilespmem:s21], [sflag:$0x1] =	stream.indirect.gather [hbm4b:s15+s4], $0x1, s2, s4, $0xb8;
	[tilespmem:$0x10400] =	vst v63  }
0x2f7: {  	s21 =	sld [smem:$0x7BC]  }
0x2f8: {  	[tilespmem:s20], [sflag:$0x1] =	stream.indirect.gather [hbm4b:s15+s4], $0x1, s4, s4, $0xb8;
	[tilespmem:$0x10400] =	vst v63  }
0x2f9: {  	s15 =	sld [smem:$0x7F6];
	_ =	sdelay $0x1  }
0x2fa: {  	s20 =	sld [smem:$0x7BE]  }
0x2fb: {  	[tilespmem:s21], [sflag:$0x1] =	stream.indirect.gather [hbm4b:s15+s4], $0x1, s2, s4, $0xb8;
	[tilespmem:$0x10400] =	vst v63  }
0x2fc: {  	s21 =	sld [smem:$0x7C0]  }
0x2fd: {  	[tilespmem:s20], [sflag:$0x1] =	stream.indirect.gather [hbm4b:s15+s4], $0x1, s4, s4, $0xb8;
	[tilespmem:$0x10400] =	vst v63  }
0x2fe: {  	s15 =	sld [smem:$0x7C2]  }
0x2ff: {  	[tilespmem:s21], [sflag:$0x1] =	stream.indirect.gather [hbm4b:s5+s4], $0x1, s2, s4, $0xb8;
	[tilespmem:$0x10400] =	vst v63  }
0x300: {  	s21 =	sld [smem:$0x7C4]  }
0x301: {  	[tilespmem:s15], [sflag:$0x1] =	stream.indirect.gather [hbm4b:s5+s4], $0x1, s4, s4, $0xb8;
	[tilespmem:$0x10400] =	vst v63  }
0x302: {  	s15 =	sld [smem:$0x7C6]  }
0x303: {  	[tilespmem:s21], [sflag:$0x1] =	stream.indirect.gather [hbm4b:s1+s4], $0x1, s2, s4, $0xb8;
	[tilespmem:$0x10400] =	vst v63  }
0x304: {  	s21 =	sld [smem:$0x7C8]  }
0x305: {  	[tilespmem:s15], [sflag:$0x1] =	stream.indirect.gather [hbm4b:s1+s4], $0x1, s4, s4, $0xb8;
	[tilespmem:$0x10400] =	vst v63  }
0x306: {  	s15 =	sld [smem:$0x7CA]  }
0x307: {  	[tilespmem:s21], [sflag:$0x1] =	stream.indirect.gather [hbm4b:s0+s4], $0x1, s2, s4, $0xb8;
	[tilespmem:$0x10400] =	vst v63  }
0x308: {  	s21 =	sld [smem:$0x7CC]  }
0x309: {  	[tilespmem:s15], [sflag:$0x1] =	stream.indirect.gather [hbm4b:s0+s4], $0x1, s4, s4, $0xb8;
	[tilespmem:$0x10400] =	vst v63  }
0x30a: {  	s15 =	sld [smem:$0x7CE]  }
0x30b: {  	[tilespmem:s21], [sflag:$0x1] =	stream.indirect.gather [hbm4b:s31+s4], $0x1, s2, s4, $0xb8;
	[tilespmem:$0x10400] =	vst v63  }
0x30c: {  	s21 =	sld [smem:$0x7D0]  }
0x30d: {  	[tilespmem:s15], [sflag:$0x1] =	stream.indirect.gather [hbm4b:s31+s4], $0x1, s4, s4, $0xb8;
	[tilespmem:$0x10400] =	vst v63  }
0x30e: {  	s15 =	sld [smem:$0x7D2]  }
0x30f: {  	[tilespmem:s21], [sflag:$0x1] =	stream.indirect.gather [hbm4b:s30+s4], $0x1, s2, s4, $0xb8;
	[tilespmem:$0x10400] =	vst v63  }
0x310: {  	s21 =	sld [smem:$0x7D4]  }
0x311: {  	[tilespmem:s15], [sflag:$0x1] =	stream.indirect.gather [hbm4b:s30+s4], $0x1, s4, s4, $0xb8;
	[tilespmem:$0x10400] =	vst v63  }
0x312: {  	s15 =	sld [smem:$0x7D6]  }
0x313: {  	[tilespmem:s21], [sflag:$0x1] =	stream.indirect.gather [hbm4b:s29+s4], $0x1, s2, s4, $0xb8;
	[tilespmem:$0x10400] =	vst v63  }
0x314: {  	s21 =	sld [smem:$0x7D7]  }
0x315: {  	[tilespmem:s15], [sflag:$0x1] =	stream.indirect.gather [hbm4b:s29+s4], $0x1, s4, s4, $0xb8;
	[tilespmem:$0x10400] =	vst v63  }
0x316: {  	s15 =	sld [smem:$0x7D9]  }
0x317: {  	[tilespmem:s21], [sflag:$0x1] =	stream.indirect.gather [hbm4b:s28+s4], $0x1, s2, s4, $0xb8;
	[tilespmem:$0x10400] =	vst v63  }
0x318: {  	s21 =	sld [smem:$0x7DB]  }
0x319: {  	[tilespmem:s15], [sflag:$0x1] =	stream.indirect.gather [hbm4b:s28+s4], $0x1, s4, s4, $0xb8;
	[tilespmem:$0x10400] =	vst v63  }
0x31a: {  	s15 =	sld [smem:$0x7DF]  }
0x31b: {  	[tilespmem:s21], [sflag:$0x1] =	stream.indirect.gather [hbm4b:s26+s4], $0x1, s2, s4, $0xb8;
	[tilespmem:$0x10400] =	vst v63  }
0x31c: {  	s21 =	sld [smem:$0x7E3]  }
0x31d: {  	[tilespmem:s15], [sflag:$0x1] =	stream.indirect.gather [hbm4b:s26+s4], $0x1, s4, s4, $0xb8;
	[tilespmem:$0x10400] =	vst v63  }
0x31e: {  	s15 =	sld [smem:$0x7E7]  }
0x31f: {  	[tilespmem:s21], [sflag:$0x1] =	stream.indirect.gather [hbm4b:s25+s4], $0x1, s2, s4, $0xb8;
	[tilespmem:$0x10400] =	vst v63  }
0x320: {  	s21 =	sld [smem:$0x7EB]  }
0x321: {  	[tilespmem:s15], [sflag:$0x1] =	stream.indirect.gather [hbm4b:s25+s4], $0x1, s4, s4, $0xb8;
	[tilespmem:$0x10400] =	vst v63  }
0x322: {  	s15 =	sld [smem:$0x7EF]  }
0x323: {  	[tilespmem:s21], [sflag:$0x1] =	stream.indirect.gather [hbm4b:s24+s4], $0x1, s2, s4, $0xb8;
	[tilespmem:$0x10400] =	vst v63  }
0x324: {  	s21 =	sld [smem:$0x7F3]  }
0x325: {  	[tilespmem:s15], [sflag:$0x1] =	stream.indirect.gather [hbm4b:s24+s4], $0x1, s4, s4, $0xb8;
	[tilespmem:$0x10400] =	vst v63  }
0x326: {  	s15 =	sld [smem:$0x7F7]  }
0x327: {  	[tilespmem:s21], [sflag:$0x1] =	stream.indirect.gather [hbm4b:s23+s4], $0x1, s2, s4, $0xb8;
	[tilespmem:$0x10400] =	vst v63  }
0x328: {  	s21 =	sld [smem:$0x7F8]  }
0x329: {  	[tilespmem:s15], [sflag:$0x1] =	stream.indirect.gather [hbm4b:s23+s4], $0x1, s4, s4, $0xb8;
	[tilespmem:$0x10400] =	vst v63  }
0x32a: {  	s15 =	sld [smem:$0x7F9]  }
0x32b: {  	[tilespmem:s21], [sflag:$0x1] =	stream.indirect.gather [hbm4b:s22+s4], $0x1, s2, s4, $0xb8;
	[tilespmem:$0x10400] =	vst v63  }
0x32c: {  	_ = 	snop  }
0x32d: {  	[tilespmem:s15], [sflag:$0x1] =	stream.indirect.gather [hbm4b:s22+s4], $0x1, s4, s4, $0xb8;
	[tilespmem:$0x10400] =	vst v63  }
0x32e: {  	_ =	swait.ge [sflag:s10], $0x8000  }
0x32f: {  	[sflag:s10] =	ssyncset.done $0x0  }
0x330: {  	[sflag:s10] =	ssyncadd.s32 $0xFFFF8000  }
0x331: {  	_ =	swait.ge [sflag:s10], $0x8000  }
0x332: {  	[sflag:s10] =	ssyncset.done $0x0  }
0x333: {  	s21 =	simm.s32 $0x400;
	s15 =	rddreg [dreg:$0x7];
	[sflag:s10] =	ssyncadd.s32 $0xFFFF8000  }
0x334: {  	[hbm4b:s15+s4] =	stream.strided.scatter [tilespmem:s21], [sflag:$0x2], $0x8000, s6, s4, $0x38;
	[tilespmem:$0x10400] =	vst v63  }
0x335: {  	p1 =	sne.s32 s19, $0x1;
	_ =	swait.ge [sflag:s3], $0x8000  }
.Ltmp2:
0x336: {  	[sflag:s3] =	ssyncset.done $0x0;
	(pc) =	sbr.rel @p1 .LBB2_3-.Ltmp2, $4  }
0x337: {  	s15 =	rddreg [dreg:$0x8];
	[sflag:s3] =	ssyncadd.s32 $0xFFFF8000  }
0x338: {  	[hbm4b:s15+s4] =	stream.strided.scatter [tilespmem:s7], [sflag:$0x2], $0x8000, s6, s4, $0x38;
	[tilespmem:$0x10400] =	vst v63  }
0x339: {  	_ =	swait.ge [sflag:s3], $0x8000  }
0x33a: {  	s19 =	sadd.s32 $0xFFFFFFFF, s19;
	s20 =	rddreg [dreg:$0x5];
	[sflag:s3] =	ssyncset.done $0x0  }
0x33b: {  	s21 =	rddreg [dreg:$0x4]  }
.LBB2_5:
0x33c: {  	[sflag:s3] =	ssyncadd.s32 @p0 $0xFFFF8000  }
0x33d: {  	[tilespmem:s2], [sflag:$0x2] =	stream.linear.gather [hbm4b:s20+s2], $0x200, $0x38;
	[tilespmem:$0x10400] =	vst v63  }
0x33e: {  	_ =	swait.ge [sflag:s3], $0x200  }
0x33f: {  	[sflag:s3] =	ssyncset.done $0x0  }
0x340: {  	s19 =	rddreg [dreg:$0x6];
	[sflag:s3] =	ssyncadd.s32 $0xFFFFFE00  }
0x341: {  	[tilespmem:s4], [sflag:$0x2] =	stream.linear.gather [hbm4b:s19+s2], $0x200, $0x38;
	[tilespmem:$0x10400] =	vst v63  }
0x342: {  	_ =	swait.ge [sflag:s3], $0x200  }
0x343: {  	s7 =	rddreg [dreg:$0x9]  }
0x344: {  	s9 =	rddreg [dreg:$0xa]  }
0x345: {  	s15 =	rddreg [dreg:$0xb]  }
0x346: {  	s1 =	rddreg [dreg:$0xd]  }
0x347: {  	[sflag:s3] =	ssyncset.done $0x0;
	s5 =	rddreg [dreg:$0xe]  }
0x348: {  	s20 =	simm.s32 $0x400;
	s6 =	rddreg [dreg:$0xf];
	[sflag:s3] =	ssyncadd.s32 $0xFFFFFE00  }
0x349: {  	[tilespmem:s20], [sflag:$0x1] =	stream.indirect.gather [hbm4b:s11+s4], $0x1, s2, s4, $0xb8;
	[tilespmem:$0x10400] =	vst v63  }
0x34a: {  	s0 =	simm.s32 $0x8400;
	s19 =	sld [smem:$0x7FD]  }
0x34b: {  	[tilespmem:s0], [sflag:$0x1] =	stream.indirect.gather [hbm4b:s11+s4], $0x1, s4, s4, $0xb8;
	[tilespmem:$0x10400] =	vst v63  }
0x34c: {  	s0 =	rddreg [dreg:$0xc]  }
0x34d: {  	s11 =	sld [smem:$0x7B7]  }
0x34e: {  	[tilespmem:s7], [sflag:$0x1] =	stream.indirect.gather [hbm4b:s17+s4], $0x1, s2, s4, $0xb8;
	[tilespmem:$0x10400] =	vst v63  }
0x34f: {  	s7 =	rddreg [dreg:$0x10]  }
0x350: {  	[tilespmem:s9], [sflag:$0x1] =	stream.indirect.gather [hbm4b:s17+s4], $0x1, s4, s4, $0xb8;
	[tilespmem:$0x10400] =	vst v63  }
0x351: {  	s17 =	rddreg [dreg:$0x13]  }
0x352: {  	s9 =	sld [smem:$0x7B5]  }
0x353: {  	[tilespmem:s15], [sflag:$0x1] =	stream.indirect.gather [hbm4b:s18+s4], $0x1, s2, s4, $0xb8;
	[tilespmem:$0x10400] =	vst v63  }
0x354: {  	s15 =	rddreg [dreg:$0x11]  }
0x355: {  	[tilespmem:s0], [sflag:$0x1] =	stream.indirect.gather [hbm4b:s18+s4], $0x1, s4, s4, $0xb8;
	[tilespmem:$0x10400] =	vst v63  }
0x356: {  	s18 =	rddreg [dreg:$0x14]  }
0x357: {  	[tilespmem:s1], [sflag:$0x1] =	stream.indirect.gather [hbm4b:s16+s4], $0x1, s2, s4, $0xb8;
	[tilespmem:$0x10400] =	vst v63  }
0x358: {  	s1 =	rddreg [dreg:$0x15]  }
0x359: {  	[tilespmem:s5], [sflag:$0x1] =	stream.indirect.gather [hbm4b:s16+s4], $0x1, s4, s4, $0xb8;
	[tilespmem:$0x10400] =	vst v63  }
0x35a: {  	s16 =	rddreg [dreg:$0x12]  }
0x35b: {  	s5 =	rddreg [dreg:$0x16]  }
0x35c: {  	[tilespmem:s6], [sflag:$0x1] =	stream.indirect.gather [hbm4b:s14+s4], $0x1, s2, s4, $0xb8;
	[tilespmem:$0x10400] =	vst v63  }
0x35d: {  	s6 =	rddreg [dreg:$0x17]  }
0x35e: {  	[tilespmem:s7], [sflag:$0x1] =	stream.indirect.gather [hbm4b:s14+s4], $0x1, s4, s4, $0xb8;
	[tilespmem:$0x10400] =	vst v63  }
0x35f: {  	s7 =	rddreg [dreg:$0x18]  }
0x360: {  	s14 =	sld [smem:$0x7AF]  }
0x361: {  	[tilespmem:s15], [sflag:$0x1] =	stream.indirect.gather [hbm4b:s13+s4], $0x1, s2, s4, $0xb8;
	[tilespmem:$0x10400] =	vst v63  }
0x362: {  	s15 =	rddreg [dreg:$0x1b]  }
0x363: {  	[tilespmem:s16], [sflag:$0x1] =	stream.indirect.gather [hbm4b:s13+s4], $0x1, s4, s4, $0xb8;
	[tilespmem:$0x10400] =	vst v63  }
0x364: {  	s13 =	rddreg [dreg:$0x1a]  }
0x365: {  	s16 =	rddreg [dreg:$0x1c]  }
0x366: {  	[tilespmem:s17], [sflag:$0x1] =	stream.indirect.gather [hbm4b:s19+s4], $0x1, s2, s4, $0xb8;
	[tilespmem:$0x10400] =	vst v63  }
0x367: {  	s17 =	sld [smem:$0x7B1]  }
0x368: {  	[tilespmem:s18], [sflag:$0x1] =	stream.indirect.gather [hbm4b:s19+s4], $0x1, s4, s4, $0xb8;
	[tilespmem:$0x10400] =	vst v63  }
0x369: {  	s18 =	rddreg [dreg:$0x1d]  }
0x36a: {  	s19 =	sld [smem:$0x7B3]  }
0x36b: {  	[tilespmem:s1], [sflag:$0x1] =	stream.indirect.gather [hbm4b:s12+s4], $0x1, s2, s4, $0xb8;
	[tilespmem:$0x10400] =	vst v63  }
0x36c: {  	s1 =	rddreg [dreg:$0x1f]  }
0x36d: {  	[tilespmem:s5], [sflag:$0x1] =	stream.indirect.gather [hbm4b:s12+s4], $0x1, s4, s4, $0xb8;
	[tilespmem:$0x10400] =	vst v63  }
0x36e: {  	s12 =	rddreg [dreg:$0x19]  }
0x36f: {  	s5 =	sld [smem:$0x769]  }
0x370: {  	[tilespmem:s6], [sflag:$0x1] =	stream.indirect.gather [hbm4b:s8+s4], $0x1, s2, s4, $0xb8;
	[tilespmem:$0x10400] =	vst v63  }
0x371: {  	s6 =	rddreg [dreg:$0x1e]  }
0x372: {  	[tilespmem:s7], [sflag:$0x1] =	stream.indirect.gather [hbm4b:s8+s4], $0x1, s4, s4, $0xb8;
	[tilespmem:$0x10400] =	vst v63  }
0x373: {  	s7 =	sld [smem:$0x76A]  }
0x374: {  	s8 =	sld [smem:$0x7BF]  }
0x375: {  	[tilespmem:s12], [sflag:$0x1] =	stream.indirect.gather [hbm4b:s14+s4], $0x1, s2, s4, $0xb8;
	[tilespmem:$0x10400] =	vst v63  }
0x376: {  	s12 =	sld [smem:$0x76C]  }
0x377: {  	[tilespmem:s13], [sflag:$0x1] =	stream.indirect.gather [hbm4b:s14+s4], $0x1, s4, s4, $0xb8;
	[tilespmem:$0x10400] =	vst v63  }
0x378: {  	s13 =	sld [smem:$0x7B9]  }
0x379: {  	s14 =	sld [smem:$0x76E]  }
0x37a: {  	[tilespmem:s15], [sflag:$0x1] =	stream.indirect.gather [hbm4b:s17+s4], $0x1, s2, s4, $0xb8;
	[tilespmem:$0x10400] =	vst v63  }
0x37b: {  	s15 =	sld [smem:$0x76F]  }
0x37c: {  	[tilespmem:s16], [sflag:$0x1] =	stream.indirect.gather [hbm4b:s17+s4], $0x1, s4, s4, $0xb8;
	[tilespmem:$0x10400] =	vst v63  }
0x37d: {  	s16 =	sld [smem:$0x7BB]  }
0x37e: {  	s17 =	sld [smem:$0x770]  }
0x37f: {  	[tilespmem:s18], [sflag:$0x1] =	stream.indirect.gather [hbm4b:s19+s4], $0x1, s2, s4, $0xb8;
	[tilespmem:$0x10400] =	vst v63  }
0x380: {  	s18 =	sld [smem:$0x771]  }
0x381: {  	[tilespmem:s6], [sflag:$0x1] =	stream.indirect.gather [hbm4b:s19+s4], $0x1, s4, s4, $0xb8;
	[tilespmem:$0x10400] =	vst v63  }
0x382: {  	s19 =	sld [smem:$0x7BD]  }
0x383: {  	s6 =	sld [smem:$0x772]  }
0x384: {  	[tilespmem:s1], [sflag:$0x1] =	stream.indirect.gather [hbm4b:s9+s4], $0x1, s2, s4, $0xb8;
	[tilespmem:$0x10400] =	vst v63  }
0x385: {  	s1 =	sld [smem:$0x76D]  }
0x386: {  	[tilespmem:s5], [sflag:$0x1] =	stream.indirect.gather [hbm4b:s9+s4], $0x1, s4, s4, $0xb8;
	[tilespmem:$0x10400] =	vst v63  }
0x387: {  	s5 =	sld [smem:$0x76B]  }
0x388: {  	s9 =	sld [smem:$0x774]  }
0x389: {  	[tilespmem:s7], [sflag:$0x1] =	stream.indirect.gather [hbm4b:s11+s4], $0x1, s2, s4, $0xb8;
	[tilespmem:$0x10400] =	vst v63  }
0x38a: {  	s7 =	sld [smem:$0x773]  }
0x38b: {  	[tilespmem:s5], [sflag:$0x1] =	stream.indirect.gather [hbm4b:s11+s4], $0x1, s4, s4, $0xb8;
	[tilespmem:$0x10400] =	vst v63  }
0x38c: {  	s11 =	sld [smem:$0x775]  }
0x38d: {  	s5 =	sld [smem:$0x77B]  }
0x38e: {  	[tilespmem:s12], [sflag:$0x1] =	stream.indirect.gather [hbm4b:s13+s4], $0x1, s2, s4, $0xb8;
	[tilespmem:$0x10400] =	vst v63  }
0x38f: {  	s12 =	sld [smem:$0x7C1]  }
0x390: {  	[tilespmem:s1], [sflag:$0x1] =	stream.indirect.gather [hbm4b:s13+s4], $0x1, s4, s4, $0xb8;
	[tilespmem:$0x10400] =	vst v63  }
0x391: {  	s13 =	sld [smem:$0x776]  }
0x392: {  	s1 =	sld [smem:$0x7DA]  }
0x393: {  	[tilespmem:s14], [sflag:$0x1] =	stream.indirect.gather [hbm4b:s16+s4], $0x1, s2, s4, $0xb8;
	[tilespmem:$0x10400] =	vst v63  }
0x394: {  	s14 =	sld [smem:$0x777]  }
0x395: {  	[tilespmem:s15], [sflag:$0x1] =	stream.indirect.gather [hbm4b:s16+s4], $0x1, s4, s4, $0xb8;
	[tilespmem:$0x10400] =	vst v63  }
0x396: {  	s15 =	sld [smem:$0x7C3]  }
0x397: {  	s16 =	sld [smem:$0x778]  }
0x398: {  	[tilespmem:s17], [sflag:$0x1] =	stream.indirect.gather [hbm4b:s19+s4], $0x1, s2, s4, $0xb8;
	[tilespmem:$0x10400] =	vst v63  }
0x399: {  	s17 =	sld [smem:$0x779]  }
0x39a: {  	[tilespmem:s18], [sflag:$0x1] =	stream.indirect.gather [hbm4b:s19+s4], $0x1, s4, s4, $0xb8;
	[tilespmem:$0x10400] =	vst v63  }
0x39b: {  	s18 =	sld [smem:$0x7C5]  }
0x39c: {  	s19 =	sld [smem:$0x77A]  }
0x39d: {  	[tilespmem:s6], [sflag:$0x1] =	stream.indirect.gather [hbm4b:s8+s4], $0x1, s2, s4, $0xb8;
	[tilespmem:$0x10400] =	vst v63  }
0x39e: {  	s6 =	sld [smem:$0x7C7]  }
0x39f: {  	[tilespmem:s7], [sflag:$0x1] =	stream.indirect.gather [hbm4b:s8+s4], $0x1, s4, s4, $0xb8;
	[tilespmem:$0x10400] =	vst v63  }
0x3a0: {  	s7 =	sld [smem:$0x77C]  }
0x3a1: {  	s8 =	sld [smem:$0x77D]  }
0x3a2: {  	[tilespmem:s9], [sflag:$0x1] =	stream.indirect.gather [hbm4b:s12+s4], $0x1, s2, s4, $0xb8;
	[tilespmem:$0x10400] =	vst v63  }
0x3a3: {  	s9 =	sld [smem:$0x7C9]  }
0x3a4: {  	[tilespmem:s11], [sflag:$0x1] =	stream.indirect.gather [hbm4b:s12+s4], $0x1, s4, s4, $0xb8;
	[tilespmem:$0x10400] =	vst v63  }
0x3a5: {  	s11 =	sld [smem:$0x77E]  }
0x3a6: {  	s12 =	sld [smem:$0x77F]  }
0x3a7: {  	[tilespmem:s13], [sflag:$0x1] =	stream.indirect.gather [hbm4b:s15+s4], $0x1, s2, s4, $0xb8;
	[tilespmem:$0x10400] =	vst v63  }
0x3a8: {  	s13 =	sld [smem:$0x7CB]  }
0x3a9: {  	[tilespmem:s14], [sflag:$0x1] =	stream.indirect.gather [hbm4b:s15+s4], $0x1, s4, s4, $0xb8;
	[tilespmem:$0x10400] =	vst v63  }
0x3aa: {  	s14 =	sld [smem:$0x780]  }
0x3ab: {  	s15 =	sld [smem:$0x781]  }
0x3ac: {  	[tilespmem:s16], [sflag:$0x1] =	stream.indirect.gather [hbm4b:s18+s4], $0x1, s2, s4, $0xb8;
	[tilespmem:$0x10400] =	vst v63  }
0x3ad: {  	s16 =	sld [smem:$0x7CD]  }
0x3ae: {  	[tilespmem:s17], [sflag:$0x1] =	stream.indirect.gather [hbm4b:s18+s4], $0x1, s4, s4, $0xb8;
	[tilespmem:$0x10400] =	vst v63  }
0x3af: {  	s17 =	sld [smem:$0x782]  }
0x3b0: {  	s18 =	sld [smem:$0x783]  }
0x3b1: {  	[tilespmem:s19], [sflag:$0x1] =	stream.indirect.gather [hbm4b:s6+s4], $0x1, s2, s4, $0xb8;
	[tilespmem:$0x10400] =	vst v63  }
0x3b2: {  	s19 =	sld [smem:$0x7CF]  }
0x3b3: {  	[tilespmem:s5], [sflag:$0x1] =	stream.indirect.gather [hbm4b:s6+s4], $0x1, s4, s4, $0xb8;
	[tilespmem:$0x10400] =	vst v63  }
0x3b4: {  	s6 =	sld [smem:$0x784]  }
0x3b5: {  	[tilespmem:s7], [sflag:$0x1] =	stream.indirect.gather [hbm4b:s9+s4], $0x1, s2, s4, $0xb8;
	[tilespmem:$0x10400] =	vst v63  }
0x3b6: {  	s7 =	sld [smem:$0x785]  }
0x3b7: {  	[tilespmem:s8], [sflag:$0x1] =	stream.indirect.gather [hbm4b:s9+s4], $0x1, s4, s4, $0xb8;
	[tilespmem:$0x10400] =	vst v63  }
0x3b8: {  	s8 =	sld [smem:$0x7D1]  }
0x3b9: {  	s9 =	sld [smem:$0x786]  }
0x3ba: {  	[tilespmem:s11], [sflag:$0x1] =	stream.indirect.gather [hbm4b:s13+s4], $0x1, s2, s4, $0xb8;
	[tilespmem:$0x10400] =	vst v63  }
0x3bb: {  	s11 =	sld [smem:$0x787]  }
0x3bc: {  	[tilespmem:s12], [sflag:$0x1] =	stream.indirect.gather [hbm4b:s13+s4], $0x1, s4, s4, $0xb8;
	[tilespmem:$0x10400] =	vst v63  }
0x3bd: {  	s12 =	sld [smem:$0x7D3]  }
0x3be: {  	s13 =	sld [smem:$0x788]  }
0x3bf: {  	[tilespmem:s14], [sflag:$0x1] =	stream.indirect.gather [hbm4b:s16+s4], $0x1, s2, s4, $0xb8;
	[tilespmem:$0x10400] =	vst v63  }
0x3c0: {  	s14 =	sld [smem:$0x789]  }
0x3c1: {  	[tilespmem:s15], [sflag:$0x1] =	stream.indirect.gather [hbm4b:s16+s4], $0x1, s4, s4, $0xb8;
	[tilespmem:$0x10400] =	vst v63  }
0x3c2: {  	s15 =	sld [smem:$0x7D5]  }
0x3c3: {  	s16 =	sld [smem:$0x78A]  }
0x3c4: {  	[tilespmem:s17], [sflag:$0x1] =	stream.indirect.gather [hbm4b:s19+s4], $0x1, s2, s4, $0xb8;
	[tilespmem:$0x10400] =	vst v63  }
0x3c5: {  	s17 =	sld [smem:$0x78B]  }
0x3c6: {  	[tilespmem:s18], [sflag:$0x1] =	stream.indirect.gather [hbm4b:s19+s4], $0x1, s4, s4, $0xb8;
	[tilespmem:$0x10400] =	vst v63  }
0x3c7: {  	s18 =	sld [smem:$0x7D8]  }
0x3c8: {  	s19 =	sld [smem:$0x78C]  }
0x3c9: {  	[tilespmem:s6], [sflag:$0x1] =	stream.indirect.gather [hbm4b:s8+s4], $0x1, s2, s4, $0xb8;
	[tilespmem:$0x10400] =	vst v63  }
0x3ca: {  	s6 =	sld [smem:$0x7EA]  }
0x3cb: {  	[tilespmem:s7], [sflag:$0x1] =	stream.indirect.gather [hbm4b:s8+s4], $0x1, s4, s4, $0xb8;
	[tilespmem:$0x10400] =	vst v63  }
0x3cc: {  	s7 =	sld [smem:$0x78D]  }
0x3cd: {  	s8 =	sld [smem:$0x78E]  }
0x3ce: {  	[tilespmem:s9], [sflag:$0x1] =	stream.indirect.gather [hbm4b:s12+s4], $0x1, s2, s4, $0xb8;
	[tilespmem:$0x10400] =	vst v63  }
0x3cf: {  	s9 =	sld [smem:$0x7DC]  }
0x3d0: {  	[tilespmem:s11], [sflag:$0x1] =	stream.indirect.gather [hbm4b:s12+s4], $0x1, s4, s4, $0xb8;
	[tilespmem:$0x10400] =	vst v63  }
0x3d1: {  	s11 =	sld [smem:$0x78F]  }
0x3d2: {  	s12 =	sld [smem:$0x790]  }
0x3d3: {  	[tilespmem:s13], [sflag:$0x1] =	stream.indirect.gather [hbm4b:s15+s4], $0x1, s2, s4, $0xb8;
	[tilespmem:$0x10400] =	vst v63  }
0x3d4: {  	s13 =	sld [smem:$0x7DD]  }
0x3d5: {  	[tilespmem:s14], [sflag:$0x1] =	stream.indirect.gather [hbm4b:s15+s4], $0x1, s4, s4, $0xb8;
	[tilespmem:$0x10400] =	vst v63  }
0x3d6: {  	s14 =	sld [smem:$0x791]  }
0x3d7: {  	s15 =	sld [smem:$0x792]  }
0x3d8: {  	[tilespmem:s16], [sflag:$0x1] =	stream.indirect.gather [hbm4b:s18+s4], $0x1, s2, s4, $0xb8;
	[tilespmem:$0x10400] =	vst v63  }
0x3d9: {  	s16 =	sld [smem:$0x7DE]  }
0x3da: {  	[tilespmem:s17], [sflag:$0x1] =	stream.indirect.gather [hbm4b:s18+s4], $0x1, s4, s4, $0xb8;
	[tilespmem:$0x10400] =	vst v63  }
0x3db: {  	s5 =	simm.s32 $0x4000;
	s17 =	sld [smem:$0x793]  }
0x3dc: {  	[tilespmem:s5], [sflag:$0x1] =	stream.indirect.gather [hbm4b:s1+s4], $0x1, s2, s4, $0xb8;
	[tilespmem:$0x10400] =	vst v63  }
0x3dd: {  	s18 =	sld [smem:$0x794]  }
0x3de: {  	[tilespmem:s19], [sflag:$0x1] =	stream.indirect.gather [hbm4b:s1+s4], $0x1, s4, s4, $0xb8;
	[tilespmem:$0x10400] =	vst v63  }
0x3df: {  	s19 =	sld [smem:$0x7E0]  }
0x3e0: {  	[tilespmem:s7], [sflag:$0x1] =	stream.indirect.gather [hbm4b:s9+s4], $0x1, s2, s4, $0xb8;
	[tilespmem:$0x10400] =	vst v63  }
0x3e1: {  	s7 =	sld [smem:$0x795]  }
0x3e2: {  	[tilespmem:s8], [sflag:$0x1] =	stream.indirect.gather [hbm4b:s9+s4], $0x1, s4, s4, $0xb8;
	[tilespmem:$0x10400] =	vst v63  }
0x3e3: {  	s8 =	sld [smem:$0x796]  }
0x3e4: {  	s9 =	sld [smem:$0x7E1]  }
0x3e5: {  	[tilespmem:s11], [sflag:$0x1] =	stream.indirect.gather [hbm4b:s13+s4], $0x1, s2, s4, $0xb8;
	[tilespmem:$0x10400] =	vst v63  }
0x3e6: {  	s11 =	sld [smem:$0x797]  }
0x3e7: {  	[tilespmem:s12], [sflag:$0x1] =	stream.indirect.gather [hbm4b:s13+s4], $0x1, s4, s4, $0xb8;
	[tilespmem:$0x10400] =	vst v63  }
0x3e8: {  	s12 =	sld [smem:$0x798]  }
0x3e9: {  	s13 =	sld [smem:$0x7E2]  }
0x3ea: {  	[tilespmem:s14], [sflag:$0x1] =	stream.indirect.gather [hbm4b:s16+s4], $0x1, s2, s4, $0xb8;
	[tilespmem:$0x10400] =	vst v63  }
0x3eb: {  	s14 =	sld [smem:$0x799]  }
0x3ec: {  	[tilespmem:s15], [sflag:$0x1] =	stream.indirect.gather [hbm4b:s16+s4], $0x1, s4, s4, $0xb8;
	[tilespmem:$0x10400] =	vst v63  }
0x3ed: {  	s15 =	sld [smem:$0x79A]  }
0x3ee: {  	s16 =	sld [smem:$0x7E4]  }
0x3ef: {  	[tilespmem:s17], [sflag:$0x1] =	stream.indirect.gather [hbm4b:s19+s4], $0x1, s2, s4, $0xb8;
	[tilespmem:$0x10400] =	vst v63  }
0x3f0: {  	s17 =	sld [smem:$0x79B]  }
0x3f1: {  	[tilespmem:s18], [sflag:$0x1] =	stream.indirect.gather [hbm4b:s19+s4], $0x1, s4, s4, $0xb8;
	[tilespmem:$0x10400] =	vst v63  }
0x3f2: {  	s18 =	sld [smem:$0x79C]  }
0x3f3: {  	s19 =	sld [smem:$0x7E5]  }
0x3f4: {  	[tilespmem:s7], [sflag:$0x1] =	stream.indirect.gather [hbm4b:s9+s4], $0x1, s2, s4, $0xb8;
	[tilespmem:$0x10400] =	vst v63  }
0x3f5: {  	s7 =	sld [smem:$0x79D]  }
0x3f6: {  	[tilespmem:s8], [sflag:$0x1] =	stream.indirect.gather [hbm4b:s9+s4], $0x1, s4, s4, $0xb8;
	[tilespmem:$0x10400] =	vst v63  }
0x3f7: {  	s8 =	sld [smem:$0x79E]  }
0x3f8: {  	s9 =	sld [smem:$0x7E6]  }
0x3f9: {  	[tilespmem:s11], [sflag:$0x1] =	stream.indirect.gather [hbm4b:s13+s4], $0x1, s2, s4, $0xb8;
	[tilespmem:$0x10400] =	vst v63  }
0x3fa: {  	s11 =	sld [smem:$0x79F]  }
0x3fb: {  	[tilespmem:s12], [sflag:$0x1] =	stream.indirect.gather [hbm4b:s13+s4], $0x1, s4, s4, $0xb8;
	[tilespmem:$0x10400] =	vst v63  }
0x3fc: {  	s12 =	sld [smem:$0x7A0]  }
0x3fd: {  	s13 =	sld [smem:$0x7E8]  }
0x3fe: {  	[tilespmem:s14], [sflag:$0x1] =	stream.indirect.gather [hbm4b:s16+s4], $0x1, s2, s4, $0xb8;
	[tilespmem:$0x10400] =	vst v63  }
0x3ff: {  	s14 =	sld [smem:$0x7A1]  }
0x400: {  	[tilespmem:s15], [sflag:$0x1] =	stream.indirect.gather [hbm4b:s16+s4], $0x1, s4, s4, $0xb8;
	[tilespmem:$0x10400] =	vst v63  }
0x401: {  	s15 =	sld [smem:$0x7A2]  }
0x402: {  	s16 =	sld [smem:$0x7E9]  }
0x403: {  	[tilespmem:s17], [sflag:$0x1] =	stream.indirect.gather [hbm4b:s19+s4], $0x1, s2, s4, $0xb8;
	[tilespmem:$0x10400] =	vst v63  }
0x404: {  	s17 =	sld [smem:$0x7AB]  }
0x405: {  	[tilespmem:s18], [sflag:$0x1] =	stream.indirect.gather [hbm4b:s19+s4], $0x1, s4, s4, $0xb8;
	[tilespmem:$0x10400] =	vst v63  }
0x406: {  	s18 =	sld [smem:$0x7A3]  }
0x407: {  	s19 =	sld [smem:$0x7A4]  }
0x408: {  	[tilespmem:s7], [sflag:$0x1] =	stream.indirect.gather [hbm4b:s9+s4], $0x1, s2, s4, $0xb8;
	[tilespmem:$0x10400] =	vst v63  }
0x409: {  	s7 =	sld [smem:$0x7A5]  }
0x40a: {  	[tilespmem:s8], [sflag:$0x1] =	stream.indirect.gather [hbm4b:s9+s4], $0x1, s4, s4, $0xb8;
	[tilespmem:$0x10400] =	vst v63  }
0x40b: {  	s8 =	sld [smem:$0x7A6]  }
0x40c: {  	s9 =	sld [smem:$0x7A7]  }
0x40d: {  	[tilespmem:s11], [sflag:$0x1] =	stream.indirect.gather [hbm4b:s13+s4], $0x1, s2, s4, $0xb8;
	[tilespmem:$0x10400] =	vst v63  }
0x40e: {  	s11 =	sld [smem:$0x7A8]  }
0x40f: {  	[tilespmem:s12], [sflag:$0x1] =	stream.indirect.gather [hbm4b:s13+s4], $0x1, s4, s4, $0xb8;
	[tilespmem:$0x10400] =	vst v63  }
0x410: {  	s12 =	sld [smem:$0x7ED]  }
0x411: {  	s13 =	sld [smem:$0x7A9]  }
0x412: {  	[tilespmem:s14], [sflag:$0x1] =	stream.indirect.gather [hbm4b:s16+s4], $0x1, s2, s4, $0xb8;
	[tilespmem:$0x10400] =	vst v63  }
0x413: {  	s14 =	sld [smem:$0x7B6]  }
0x414: {  	[tilespmem:s15], [sflag:$0x1] =	stream.indirect.gather [hbm4b:s16+s4], $0x1, s4, s4, $0xb8;
	[tilespmem:$0x10400] =	vst v63  }
0x415: {  	s15 =	sld [smem:$0x7EC]  }
0x416: {  	s16 =	sld [smem:$0x7EE]  }
0x417: {  	[tilespmem:s18], [sflag:$0x1] =	stream.indirect.gather [hbm4b:s6+s4], $0x1, s2, s4, $0xb8;
	[tilespmem:$0x10400] =	vst v63  }
0x418: {  	s18 =	sld [smem:$0x7AC]  }
0x419: {  	[tilespmem:s19], [sflag:$0x1] =	stream.indirect.gather [hbm4b:s6+s4], $0x1, s4, s4, $0xb8;
	[tilespmem:$0x10400] =	vst v63  }
0x41a: {  	s19 =	sld [smem:$0x7F0]  }
0x41b: {  	s6 =	sld [smem:$0x7AD]  }
0x41c: {  	[tilespmem:s7], [sflag:$0x1] =	stream.indirect.gather [hbm4b:s15+s4], $0x1, s2, s4, $0xb8;
	[tilespmem:$0x10400] =	vst v63  }
0x41d: {  	s7 =	sld [smem:$0x7AE]  }
0x41e: {  	[tilespmem:s8], [sflag:$0x1] =	stream.indirect.gather [hbm4b:s15+s4], $0x1, s4, s4, $0xb8;
	[tilespmem:$0x10400] =	vst v63  }
0x41f: {  	s15 =	sld [smem:$0x7AA]  }
0x420: {  	s8 =	sld [smem:$0x7F1]  }
0x421: {  	[tilespmem:s9], [sflag:$0x1] =	stream.indirect.gather [hbm4b:s12+s4], $0x1, s2, s4, $0xb8;
	[tilespmem:$0x10400] =	vst v63  }
0x422: {  	s9 =	sld [smem:$0x7B0]  }
0x423: {  	[tilespmem:s11], [sflag:$0x1] =	stream.indirect.gather [hbm4b:s12+s4], $0x1, s4, s4, $0xb8;
	[tilespmem:$0x10400] =	vst v63  }
0x424: {  	s11 =	sld [smem:$0x7B2]  }
0x425: {  	[tilespmem:s13], [sflag:$0x1] =	stream.indirect.gather [hbm4b:s16+s4], $0x1, s2, s4, $0xb8;
	[tilespmem:$0x10400] =	vst v63  }
0x426: {  	s12 =	sld [smem:$0x7F2]  }
0x427: {  	[tilespmem:s15], [sflag:$0x1] =	stream.indirect.gather [hbm4b:s16+s4], $0x1, s4, s4, $0xb8;
	[tilespmem:$0x10400] =	vst v63  }
0x428: {  	s13 =	sld [smem:$0x7B4]  }
0x429: {  	[tilespmem:s17], [sflag:$0x1] =	stream.indirect.gather [hbm4b:s19+s4], $0x1, s2, s4, $0xb8;
	[tilespmem:$0x10400] =	vst v63  }
0x42a: {  	s15 =	sld [smem:$0x7F4]  }
0x42b: {  	[tilespmem:s18], [sflag:$0x1] =	stream.indirect.gather [hbm4b:s19+s4], $0x1, s4, s4, $0xb8;
	[tilespmem:$0x10400] =	vst v63  }
0x42c: {  	s16 =	sld [smem:$0x7B8]  }
0x42d: {  	[tilespmem:s6], [sflag:$0x1] =	stream.indirect.gather [hbm4b:s8+s4], $0x1, s2, s4, $0xb8;
	[tilespmem:$0x10400] =	vst v63  }
0x42e: {  	s17 =	sld [smem:$0x7BA]  }
0x42f: {  	[tilespmem:s7], [sflag:$0x1] =	stream.indirect.gather [hbm4b:s8+s4], $0x1, s4, s4, $0xb8;
	[tilespmem:$0x10400] =	vst v63  }
0x430: {  	s18 =	sld [smem:$0x7F5]  }
0x431: {  	[tilespmem:s9], [sflag:$0x1] =	stream.indirect.gather [hbm4b:s12+s4], $0x1, s2, s4, $0xb8;
	[tilespmem:$0x10400] =	vst v63  }
0x432: {  	s19 =	sld [smem:$0x7BC]  }
0x433: {  	[tilespmem:s11], [sflag:$0x1] =	stream.indirect.gather [hbm4b:s12+s4], $0x1, s4, s4, $0xb8;
	[tilespmem:$0x10400] =	vst v63  }
0x434: {  	s6 =	sld [smem:$0x7BE]  }
0x435: {  	[tilespmem:s13], [sflag:$0x1] =	stream.indirect.gather [hbm4b:s15+s4], $0x1, s2, s4, $0xb8;
	[tilespmem:$0x10400] =	vst v63  }
0x436: {  	s7 =	sld [smem:$0x7F6]  }
0x437: {  	[tilespmem:s14], [sflag:$0x1] =	stream.indirect.gather [hbm4b:s15+s4], $0x1, s4, s4, $0xb8;
	[tilespmem:$0x10400] =	vst v63  }
0x438: {  	s8 =	sld [smem:$0x7C0]  }
0x439: {  	[tilespmem:s16], [sflag:$0x1] =	stream.indirect.gather [hbm4b:s18+s4], $0x1, s2, s4, $0xb8;
	[tilespmem:$0x10400] =	vst v63  }
0x43a: {  	s9 =	sld [smem:$0x7C2]  }
0x43b: {  	[tilespmem:s17], [sflag:$0x1] =	stream.indirect.gather [hbm4b:s18+s4], $0x1, s4, s4, $0xb8;
	[tilespmem:$0x10400] =	vst v63  }
0x43c: {  	s11 =	sld [smem:$0x7FC]  }
0x43d: {  	[tilespmem:s19], [sflag:$0x1] =	stream.indirect.gather [hbm4b:s7+s4], $0x1, s2, s4, $0xb8;
	[tilespmem:$0x10400] =	vst v63  }
0x43e: {  	s12 =	sld [smem:$0x7C4]  }
0x43f: {  	[tilespmem:s6], [sflag:$0x1] =	stream.indirect.gather [hbm4b:s7+s4], $0x1, s4, s4, $0xb8;
	[tilespmem:$0x10400] =	vst v63  }
0x440: {  	s13 =	sld [smem:$0x7C6]  }
0x441: {  	[tilespmem:s8], [sflag:$0x1] =	stream.indirect.gather [hbm4b:s11+s4], $0x1, s2, s4, $0xb8;
	[tilespmem:$0x10400] =	vst v63  }
0x442: {  	s14 =	sld [smem:$0x7FB]  }
0x443: {  	[tilespmem:s9], [sflag:$0x1] =	stream.indirect.gather [hbm4b:s11+s4], $0x1, s4, s4, $0xb8;
	[tilespmem:$0x10400] =	vst v63  }
0x444: {  	s15 =	sld [smem:$0x7C8]  }
0x445: {  	[tilespmem:s12], [sflag:$0x1] =	stream.indirect.gather [hbm4b:s14+s4], $0x1, s2, s4, $0xb8;
	[tilespmem:$0x10400] =	vst v63  }
0x446: {  	s17 =	sld [smem:$0x7FA]  }
0x447: {  	[tilespmem:s13], [sflag:$0x1] =	stream.indirect.gather [hbm4b:s14+s4], $0x1, s4, s4, $0xb8;
	[tilespmem:$0x10400] =	vst v63  }
0x448: {  	s16 =	sld [smem:$0x7CA]  }
0x449: {  	[tilespmem:s15], [sflag:$0x1] =	stream.indirect.gather [hbm4b:s17+s4], $0x1, s2, s4, $0xb8;
	[tilespmem:$0x10400] =	vst v63  }
0x44a: {  	s18 =	sld [smem:$0x7CC]  }
0x44b: {  	[tilespmem:s16], [sflag:$0x1] =	stream.indirect.gather [hbm4b:s17+s4], $0x1, s4, s4, $0xb8;
	[tilespmem:$0x10400] =	vst v63  }
0x44c: {  	s19 =	sld [smem:$0x7CE]  }
0x44d: {  	[tilespmem:s18], [sflag:$0x1] =	stream.indirect.gather [hbm4b:s31+s4], $0x1, s2, s4, $0xb8;
	[tilespmem:$0x10400] =	vst v63  }
0x44e: {  	s6 =	sld [smem:$0x7D0]  }
0x44f: {  	[tilespmem:s19], [sflag:$0x1] =	stream.indirect.gather [hbm4b:s31+s4], $0x1, s4, s4, $0xb8;
	[tilespmem:$0x10400] =	vst v63  }
0x450: {  	s7 =	sld [smem:$0x7D2]  }
0x451: {  	[tilespmem:s6], [sflag:$0x1] =	stream.indirect.gather [hbm4b:s30+s4], $0x1, s2, s4, $0xb8;
	[tilespmem:$0x10400] =	vst v63  }
0x452: {  	s8 =	sld [smem:$0x7D4]  }
0x453: {  	[tilespmem:s7], [sflag:$0x1] =	stream.indirect.gather [hbm4b:s30+s4], $0x1, s4, s4, $0xb8;
	[tilespmem:$0x10400] =	vst v63  }
0x454: {  	s9 =	sld [smem:$0x7D6]  }
0x455: {  	[tilespmem:s8], [sflag:$0x1] =	stream.indirect.gather [hbm4b:s29+s4], $0x1, s2, s4, $0xb8;
	[tilespmem:$0x10400] =	vst v63  }
0x456: {  	s11 =	sld [smem:$0x7D7]  }
0x457: {  	[tilespmem:s9], [sflag:$0x1] =	stream.indirect.gather [hbm4b:s29+s4], $0x1, s4, s4, $0xb8;
	[tilespmem:$0x10400] =	vst v63  }
0x458: {  	s12 =	sld [smem:$0x7D9]  }
0x459: {  	[tilespmem:s11], [sflag:$0x1] =	stream.indirect.gather [hbm4b:s28+s4], $0x1, s2, s4, $0xb8;
	[tilespmem:$0x10400] =	vst v63  }
0x45a: {  	s13 =	sld [smem:$0x7DB]  }
0x45b: {  	[tilespmem:s12], [sflag:$0x1] =	stream.indirect.gather [hbm4b:s28+s4], $0x1, s4, s4, $0xb8;
	[tilespmem:$0x10400] =	vst v63  }
0x45c: {  	s14 =	sld [smem:$0x7DF]  }
0x45d: {  	[tilespmem:s13], [sflag:$0x1] =	stream.indirect.gather [hbm4b:s26+s4], $0x1, s2, s4, $0xb8;
	[tilespmem:$0x10400] =	vst v63  }
0x45e: {  	s15 =	sld [smem:$0x7E3]  }
0x45f: {  	[tilespmem:s14], [sflag:$0x1] =	stream.indirect.gather [hbm4b:s26+s4], $0x1, s4, s4, $0xb8;
	[tilespmem:$0x10400] =	vst v63  }
0x460: {  	s16 =	sld [smem:$0x7E7]  }
0x461: {  	[tilespmem:s15], [sflag:$0x1] =	stream.indirect.gather [hbm4b:s25+s4], $0x1, s2, s4, $0xb8;
	[tilespmem:$0x10400] =	vst v63  }
0x462: {  	s17 =	sld [smem:$0x7EB]  }
0x463: {  	[tilespmem:s16], [sflag:$0x1] =	stream.indirect.gather [hbm4b:s25+s4], $0x1, s4, s4, $0xb8;
	[tilespmem:$0x10400] =	vst v63  }
0x464: {  	s18 =	sld [smem:$0x7EF]  }
0x465: {  	[tilespmem:s17], [sflag:$0x1] =	stream.indirect.gather [hbm4b:s24+s4], $0x1, s2, s4, $0xb8;
	[tilespmem:$0x10400] =	vst v63  }
0x466: {  	s19 =	sld [smem:$0x7F3]  }
0x467: {  	[tilespmem:s18], [sflag:$0x1] =	stream.indirect.gather [hbm4b:s24+s4], $0x1, s4, s4, $0xb8;
	[tilespmem:$0x10400] =	vst v63  }
0x468: {  	s24 =	sld [smem:$0x7F7]  }
0x469: {  	[tilespmem:s19], [sflag:$0x1] =	stream.indirect.gather [hbm4b:s23+s4], $0x1, s2, s4, $0xb8;
	[tilespmem:$0x10400] =	vst v63  }
0x46a: {  	s25 =	sld [smem:$0x7F8]  }
0x46b: {  	[tilespmem:s24], [sflag:$0x1] =	stream.indirect.gather [hbm4b:s23+s4], $0x1, s4, s4, $0xb8;
	[tilespmem:$0x10400] =	vst v63  }
0x46c: {  	s26 =	sld [smem:$0x7F9]  }
0x46d: {  	[tilespmem:s25], [sflag:$0x1] =	stream.indirect.gather [hbm4b:s22+s4], $0x1, s2, s4, $0xb8;
	[tilespmem:$0x10400] =	vst v63  }
0x46e: {  	_ = 	snop  }
0x46f: {  	[tilespmem:s26], [sflag:$0x1] =	stream.indirect.gather [hbm4b:s22+s4], $0x1, s4, s4, $0xb8;
	[tilespmem:$0x10400] =	vst v63  }
0x470: {  	_ =	swait.ge [sflag:s10], $0x8000  }
0x471: {  	[sflag:s10] =	ssyncset.done $0x0  }
0x472: {  	[sflag:s10] =	ssyncadd.s32 $0xFFFF8000  }
0x473: {  	_ =	swait.ge [sflag:s10], $0x8000  }
0x474: {  	[sflag:s10] =	ssyncset.done $0x0  }
0x475: {  	s28 =	rddreg [dreg:$0x7];
	[sflag:s10] =	ssyncadd.s32 $0xFFFF8000  }
0x476: {  	[hbm4b:s28+s4] =	stream.strided.scatter [tilespmem:s20], [sflag:$0x2], $0x8000, s5, s4, $0x38;
	[tilespmem:$0x10400] =	vst v63  }
0x477: {  	_ =	swait.ge [sflag:s3], $0x8000  }
0x478: {  	[sflag:s3] =	ssyncset.done $0x0  }
0x479: {  	s30 =	simm.s32 $0x8400;
	s29 =	rddreg [dreg:$0x8];
	[sflag:s3] =	ssyncadd.s32 $0xFFFF8000  }
0x47a: {  	[hbm4b:s29+s4] =	stream.strided.scatter [tilespmem:s30], [sflag:$0x2], $0x8000, s5, s4, $0x38;
	[tilespmem:$0x10400] =	vst v63  }
0x47b: {  	_ =	swait.ge [sflag:s3], $0x8000  }
0x47c: {  	[sflag:s3] =	ssyncset.done $0x0  }
0x47d: {  	[sflag:s3] =	ssyncadd.s32 $0xFFFF8000  }
0x47e: {  	_ =	sfence.sel $0x180000  }
0x47f: {  	s31 =	stileid.u32;
	[bflag:$0x0] =	sbarrier.arrive $0xFFFF  }
0x480: {  	p0 =	sne.s32 s31, $0x0;
	_ =	strace $0x90000047  }
0x481: {  	s0 =	sadd.s32 @!p0 $0x100000, s21;
	[bflag:$0x2] =	sbarrier.arrive $0xFFFF  }
0x482: {  	[sflag:s0] =	ssyncadd.tile.s32 @!p0 $0x1;
	_ =	shalt  }
.LBB2_6:
.Ltmp3:
0x483: {  	(pc) =	sbr.rel .LBB2_5-.Ltmp3, $2  }
0x484: {  	_ =	sdelay $0x2  }
0x485: {  	s21 =	rddreg [dreg:$0x4]  }
.Lfunc_end2:
_tile_overlayer_lowered:
.L_overlay_start_2:
0x486: {  	(tag) =	ssettag $0x2  }
0x487: {  	s0 =	rddreg [dreg:$0x0];
	s2 =	stileid.u32  }
0x488: {  	s1 =	rddreg [dreg:$0x1];
	p0 =	sne.s32 s2, $0x0  }
0x489: {  	s3 =	rddreg [dreg:$0x2];
	[bflag:$0x3] =	sbarrier.arrive $0xFFFF;
	s2 =	simm.s32 @!p0 $0x1C02  }
0x48a: {  	[timem:s3], [sflag:s2] =	dma.local @!p0 [hbm:s0], s1  }
0x48b: {  	s0 =	simm.s32 @!p0 $0x2  }
0x48c: {  	_ =	swait.ge @!p0 [sflag:s0], s1  }
0x48d: {  	s1 =	ssub.s32 @!p0 $0x0, s1;
	[sflag:s0] =	ssyncset.done @!p0 $0x0  }
0x48e: {  	[sflag:s0] =	ssyncadd.s32 @!p0 s1  }
0x48f: {  	[bflag:$0x3] =	sbarrier.arrive $0xFFFF  }
0x490: {  	_ =	shalt  }

</sc_bundles>
